<compile_context>
chip_gen: v7x
topology: tpu7x:2x2x1
jax: 0.10.2.dev20260603
libtpu: 0.0.44.dev20260713+nightly
codegen_flags: <defaults>
</compile_context>

<pallas_src>
import functools
import math

import jax
import jax.numpy as jnp
from jax import lax
from jax.experimental import pallas as pl
from jax.experimental.pallas import tpu as pltpu
from jax.experimental.pallas import tpu_sc as plsc

VOCAB_ROWS = 100000
D = 128
B_TOK = 1024
S_TOK = 200
N_IDX = B_TOK * S_TOK
CHUNK = 128
NG = 4
NS = 2
SCALE = math.sqrt(float(D))


def _make_sc_kernel():
    info = plsc.get_sparse_core_info()
    nc, ns = info.num_cores, info.num_subcores
    nw = nc * ns
    chunks_per_w = N_IDX // (nw * CHUNK)
    main_chunks = (chunks_per_w // NG) * NG

    mesh = plsc.VectorSubcoreMesh(core_axis_name="c", subcore_axis_name="s")

    @functools.partial(
        pl.kernel,
        mesh=mesh,
        out_type=jax.ShapeDtypeStruct((N_IDX, D), jnp.float32),
        scratch_types=(
            [pltpu.VMEM((chunks_per_w, CHUNK), jnp.int32)]
            + [pltpu.VMEM((CHUNK, D), jnp.float32) for _ in range(NG + NS)]
            + [pltpu.SemaphoreType.DMA for _ in range(NG + NS)]
        ),
    )
    def emb(w_hbm, idx_hbm, out_hbm, idx_v, *rest):
        gbufs = rest[:NG]
        sbufs = rest[NG:NG + NS]
        gsems = rest[NG + NS:2 * NG + NS]
        ssems = rest[2 * NG + NS:]

        wid = lax.axis_index("s") * nc + lax.axis_index("c")
        chunk0 = wid * chunks_per_w

        pltpu.sync_copy(idx_hbm.at[wid], idx_v)

        for b in range(NG):
            pltpu.async_copy(w_hbm.at[idx_v.at[b]], gbufs[b], gsems[b])

        def process(cl, gb, sb):
            gbuf, gsem = gbufs[gb], gsems[gb]
            sbuf, ssem = sbufs[sb], ssems[sb]
            row0 = (chunk0 + cl) * CHUNK

            pltpu.make_async_copy(w_hbm.at[idx_v.at[cl]], gbuf, gsem).wait()

            @pl.when(cl >= NS)
            def _():
                pltpu.make_async_copy(
                    sbuf, out_hbm.at[pl.ds(row0, CHUNK)], ssem).wait()

            @plsc.parallel_loop(0, CHUNK, step=1, unroll=4)
            def _scale(i):
                for j in range(D // 16):
                    sbuf[i, pl.ds(j * 16, 16)] = (
                        gbuf[i, pl.ds(j * 16, 16)] * SCALE)

            pltpu.async_copy(sbuf, out_hbm.at[pl.ds(row0, CHUNK)], ssem)

            @pl.when(cl + NG < chunks_per_w)
            def _():
                pltpu.async_copy(w_hbm.at[idx_v.at[cl + NG]], gbuf, gsem)

        def group(g, carry):
            for k in range(NG):
                process(g * NG + k, k, k % NS)
            return carry

        lax.fori_loop(0, main_chunks // NG, group, 0)

        for c in range(main_chunks, chunks_per_w):
            process(jnp.int32(c), c % NG, c % NS)

        for b in range(NS):
            pltpu.make_async_copy(
                sbufs[b], out_hbm.at[pl.ds(0, CHUNK)], ssems[b]).wait()

    return emb


def kernel(tokens, W):
    nw = 32
    idx = tokens.reshape(-1).astype(jnp.int32).reshape(
        nw, N_IDX // (nw * CHUNK), CHUNK)
    out = _make_sc_kernel()(W, idx)
    return out.reshape(B_TOK, S_TOK, D)

# --- scband reference (transcript-rebuilt; emitter-appended) ---
"""Pipeline reference for scband-token-embedding-44976897524122 (READ-ONLY COPY).

The authoritative reference and input builder live on the scoring server;
editing this copy changes nothing except your own understanding.
"""

import jax, jax.numpy as jnp
import numpy as np
import math

VOCAB = 100000
EMB = 128

def setup_inputs(seed: int = 0) -> dict:
    key = jax.random.key(seed)
    k_tok, k_w = jax.random.split(key)
    tokens = jax.random.randint(k_tok, (1024, 200), 0, VOCAB, dtype=jnp.int64 if jax.config.jax_enable_x64 else jnp.int32)
    W = jax.random.normal(k_w, (VOCAB, EMB), dtype=jnp.float32)
    return {"tokens": tokens, "W": W}

def reference(tokens, W):
    # TokenEmbedding.forward: embedding lookup scaled by sqrt(emb_size)
    emb = jnp.take(W, tokens, axis=0)
    return emb * math.sqrt(EMB)

if __name__ == "__main__":
    import jax
    _d = setup_inputs()
    print(jax.jit(kernel)(*tuple(_d.values())))

</pallas_src>

<mosaic_0001>
#map = affine_map<(d0, d1) -> (0, 0)>
#map1 = affine_map<(d0, d1) -> (0, 0, 0)>
module attributes {stable_mosaic.version = 14 : i64} {
  func.func @emb(%arg0: i32, %arg1: i32, %arg2: memref<100000x128xf32, #tpu.memory_space<hbm>>, %arg3: memref<32x50x128xi32, #tpu.memory_space<hbm>>, %arg4: memref<204800x128xf32, #tpu.memory_space<hbm>>, %arg5: memref<50x128xi32, #tpu.memory_space<vmem>>, %arg6: memref<128x128xf32, #tpu.memory_space<vmem>>, %arg7: memref<128x128xf32, #tpu.memory_space<vmem>>, %arg8: memref<128x128xf32, #tpu.memory_space<vmem>>, %arg9: memref<128x128xf32, #tpu.memory_space<vmem>>, %arg10: memref<128x128xf32, #tpu.memory_space<vmem>>, %arg11: memref<128x128xf32, #tpu.memory_space<vmem>>, %arg12: memref<!tpu.dma_semaphore, #tpu.memory_space<semaphore_mem>>, %arg13: memref<!tpu.dma_semaphore, #tpu.memory_space<semaphore_mem>>, %arg14: memref<!tpu.dma_semaphore, #tpu.memory_space<semaphore_mem>>, %arg15: memref<!tpu.dma_semaphore, #tpu.memory_space<semaphore_mem>>, %arg16: memref<!tpu.dma_semaphore, #tpu.memory_space<semaphore_mem>>, %arg17: memref<!tpu.dma_semaphore, #tpu.memory_space<semaphore_mem>>) attributes {dimension_semantics = [#tpu.dimension_semantics<core_parallel>, #tpu.dimension_semantics<subcore_parallel>], iteration_bounds = array<i64: 2, 16>, scalar_prefetch = 0 : i64, scratch_operands = 13 : i64, tpu.core_type = #tpu.core_type<sc_vector_subcore>, window_params = [{transform_indices = #map}, {transform_indices = #map1}, {transform_indices = #map}]} {
    %mul3A = arith.constant 2 : i32
    %mul3A_0 = arith.muli %arg1, %mul3A : i32
    %add3A = arith.addi %mul3A_0, %arg0 : i32
    %mul3A_1 = arith.constant 50 : i32
    %mul3A_2 = arith.muli %add3A, %mul3A_1 : i32
    "tpu.region"() ({
      %run_scoped3A = tpu.sem_alloc : memref<!tpu.dma_semaphore, #tpu.memory_space<semaphore_mem>>
      %dma_start3A_107 = arith.constant 0 : i32
      %dma_start3A_108 = arith.constant 0 : i32
      %dma_start3A_109 = tpu.memref_slice %arg3[%add3A, %dma_start3A_107, %dma_start3A_108] : memref<32x50x128xi32, #tpu.memory_space<hbm>> -> memref<1x50x128xi32, #tpu.memory_space<hbm>>
      %dma_start3A_110 = tpu.memref_squeeze %dma_start3A_109 : memref<1x50x128xi32, #tpu.memory_space<hbm>> -> memref<50x128xi32, #tpu.memory_space<hbm>>
      %dma_start3A_111 = arith.constant 0 : i32
      %dma_start3A_112 = arith.constant 0 : i32
      %dma_start3A_113 = tpu.memref_slice %arg3[%add3A, %dma_start3A_111, %dma_start3A_112] : memref<32x50x128xi32, #tpu.memory_space<hbm>> -> memref<1x50x128xi32, #tpu.memory_space<hbm>>
      %dma_start3A_114 = tpu.memref_squeeze %dma_start3A_113 : memref<1x50x128xi32, #tpu.memory_space<hbm>> -> memref<50x128xi32, #tpu.memory_space<hbm>>
      tpu.enqueue_dma source(%dma_start3A_114 : memref<50x128xi32, #tpu.memory_space<hbm>>) target(%arg5 : memref<50x128xi32, #tpu.memory_space<vmem>>) target_semaphore(%run_scoped3A : memref<!tpu.dma_semaphore, #tpu.memory_space<semaphore_mem>>)
      %dma_wait3A_115 = arith.constant 0 : i32
      %dma_wait3A_116 = arith.constant 0 : i32
      %dma_wait3A_117 = tpu.memref_slice %arg3[%add3A, %dma_wait3A_115, %dma_wait3A_116] : memref<32x50x128xi32, #tpu.memory_space<hbm>> -> memref<1x50x128xi32, #tpu.memory_space<hbm>>
      %dma_wait3A_118 = tpu.memref_squeeze %dma_wait3A_117 : memref<1x50x128xi32, #tpu.memory_space<hbm>> -> memref<50x128xi32, #tpu.memory_space<hbm>>
      %dma_wait3A_119 = arith.constant 0 : i32
      %dma_wait3A_120 = arith.constant 0 : i32
      %dma_wait3A_121 = tpu.memref_slice %arg3[%add3A, %dma_wait3A_119, %dma_wait3A_120] : memref<32x50x128xi32, #tpu.memory_space<hbm>> -> memref<1x50x128xi32, #tpu.memory_space<hbm>>
      %dma_wait3A_122 = tpu.memref_squeeze %dma_wait3A_121 : memref<1x50x128xi32, #tpu.memory_space<hbm>> -> memref<50x128xi32, #tpu.memory_space<hbm>>
      tpu.wait_dma2 semaphore(%run_scoped3A : memref<!tpu.dma_semaphore, #tpu.memory_space<semaphore_mem>>) src(%dma_wait3A_122 : memref<50x128xi32, #tpu.memory_space<hbm>>) dst(%arg5 : memref<50x128xi32, #tpu.memory_space<vmem>>)
      tpu.yield
    }) : () -> ()
    %dma_start3A = arith.constant 0 : i32
    %dma_start3A_3 = arith.constant 0 : i32
    %dma_start3A_4 = tpu.memref_slice %arg5[%dma_start3A, %dma_start3A_3] : memref<50x128xi32, #tpu.memory_space<vmem>> -> memref<1x128xi32, #tpu.memory_space<vmem>>
    %dma_start3A_5 = tpu.memref_squeeze %dma_start3A_4 : memref<1x128xi32, #tpu.memory_space<vmem>> -> memref<128xi32, #tpu.memory_space<vmem>>
    %dma_start3A_6 = arith.constant 0 : i32
    %dma_start3A_7 = arith.constant 0 : i32
    %dma_start3A_8 = tpu.memref_slice %arg2[%dma_start3A_6, %dma_start3A_7] : memref<100000x128xf32, #tpu.memory_space<hbm>> -> memref<100000x128xf32, #tpu.memory_space<hbm>>
    tpu.enqueue_indirect_dma source(%dma_start3A_8 : memref<100000x128xf32, #tpu.memory_space<hbm>>) target(%arg6 : memref<128x128xf32, #tpu.memory_space<vmem>>) offsets(%dma_start3A_5 : memref<128xi32, #tpu.memory_space<vmem>>) semaphore(%arg12 : memref<!tpu.dma_semaphore, #tpu.memory_space<semaphore_mem>>)
    %dma_start3A_9 = arith.constant 1 : i32
    %dma_start3A_10 = arith.constant 0 : i32
    %dma_start3A_11 = tpu.memref_slice %arg5[%dma_start3A_9, %dma_start3A_10] : memref<50x128xi32, #tpu.memory_space<vmem>> -> memref<1x128xi32, #tpu.memory_space<vmem>>
    %dma_start3A_12 = tpu.memref_squeeze %dma_start3A_11 : memref<1x128xi32, #tpu.memory_space<vmem>> -> memref<128xi32, #tpu.memory_space<vmem>>
    %dma_start3A_13 = arith.constant 0 : i32
    %dma_start3A_14 = arith.constant 0 : i32
    %dma_start3A_15 = tpu.memref_slice %arg2[%dma_start3A_13, %dma_start3A_14] : memref<100000x128xf32, #tpu.memory_space<hbm>> -> memref<100000x128xf32, #tpu.memory_space<hbm>>
    tpu.enqueue_indirect_dma source(%dma_start3A_15 : memref<100000x128xf32, #tpu.memory_space<hbm>>) target(%arg7 : memref<128x128xf32, #tpu.memory_space<vmem>>) offsets(%dma_start3A_12 : memref<128xi32, #tpu.memory_space<vmem>>) semaphore(%arg13 : memref<!tpu.dma_semaphore, #tpu.memory_space<semaphore_mem>>)
    %dma_start3A_16 = arith.constant 2 : i32
    %dma_start3A_17 = arith.constant 0 : i32
    %dma_start3A_18 = tpu.memref_slice %arg5[%dma_start3A_16, %dma_start3A_17] : memref<50x128xi32, #tpu.memory_space<vmem>> -> memref<1x128xi32, #tpu.memory_space<vmem>>
    %dma_start3A_19 = tpu.memref_squeeze %dma_start3A_18 : memref<1x128xi32, #tpu.memory_space<vmem>> -> memref<128xi32, #tpu.memory_space<vmem>>
    %dma_start3A_20 = arith.constant 0 : i32
    %dma_start3A_21 = arith.constant 0 : i32
    %dma_start3A_22 = tpu.memref_slice %arg2[%dma_start3A_20, %dma_start3A_21] : memref<100000x128xf32, #tpu.memory_space<hbm>> -> memref<100000x128xf32, #tpu.memory_space<hbm>>
    tpu.enqueue_indirect_dma source(%dma_start3A_22 : memref<100000x128xf32, #tpu.memory_space<hbm>>) target(%arg8 : memref<128x128xf32, #tpu.memory_space<vmem>>) offsets(%dma_start3A_19 : memref<128xi32, #tpu.memory_space<vmem>>) semaphore(%arg14 : memref<!tpu.dma_semaphore, #tpu.memory_space<semaphore_mem>>)
    %dma_start3A_23 = arith.constant 3 : i32
    %dma_start3A_24 = arith.constant 0 : i32
    %dma_start3A_25 = tpu.memref_slice %arg5[%dma_start3A_23, %dma_start3A_24] : memref<50x128xi32, #tpu.memory_space<vmem>> -> memref<1x128xi32, #tpu.memory_space<vmem>>
    %dma_start3A_26 = tpu.memref_squeeze %dma_start3A_25 : memref<1x128xi32, #tpu.memory_space<vmem>> -> memref<128xi32, #tpu.memory_space<vmem>>
    %dma_start3A_27 = arith.constant 0 : i32
    %dma_start3A_28 = arith.constant 0 : i32
    %dma_start3A_29 = tpu.memref_slice %arg2[%dma_start3A_27, %dma_start3A_28] : memref<100000x128xf32, #tpu.memory_space<hbm>> -> memref<100000x128xf32, #tpu.memory_space<hbm>>
    tpu.enqueue_indirect_dma source(%dma_start3A_29 : memref<100000x128xf32, #tpu.memory_space<hbm>>) target(%arg9 : memref<128x128xf32, #tpu.memory_space<vmem>>) offsets(%dma_start3A_26 : memref<128xi32, #tpu.memory_space<vmem>>) semaphore(%arg15 : memref<!tpu.dma_semaphore, #tpu.memory_space<semaphore_mem>>)
    %scan3A = arith.constant 0 : i32
    %scan3A_30 = arith.constant 0 : i32
    %scan3A_31 = arith.constant 12 : i32
    %scan3A_32 = arith.addi %scan3A_30, %scan3A_31 : i32
    %scan3A_33 = arith.constant 1 : i32
    scf.for %scan3A_107 = %scan3A_30 to %scan3A_32 step %scan3A_33  : i32 {
      %mul3A_108 = arith.constant 4 : i32
      %mul3A_109 = arith.muli %scan3A_107, %mul3A_108 : i32
      %add3A_110 = arith.constant 0 : i32
      %add3A_111 = arith.addi %mul3A_109, %add3A_110 : i32
      %add3A_112 = arith.addi %mul3A_2, %add3A_111 : i32
      %mul3A_113 = arith.constant 128 : i32
      %mul3A_114 = arith.muli %add3A_112, %mul3A_113 : i32
      %dma_wait3A_115 = arith.constant 0 : i32
      %dma_wait3A_116 = tpu.memref_slice %arg5[%add3A_111, %dma_wait3A_115] : memref<50x128xi32, #tpu.memory_space<vmem>> -> memref<1x128xi32, #tpu.memory_space<vmem>>
      %dma_wait3A_117 = tpu.memref_squeeze %dma_wait3A_116 : memref<1x128xi32, #tpu.memory_space<vmem>> -> memref<128xi32, #tpu.memory_space<vmem>>
      %dma_wait3A_118 = arith.constant 0 : i32
      %dma_wait3A_119 = arith.constant 0 : i32
      %dma_wait3A_120 = tpu.memref_slice %arg2[%dma_wait3A_118, %dma_wait3A_119] : memref<100000x128xf32, #tpu.memory_space<hbm>> -> memref<100000x128xf32, #tpu.memory_space<hbm>>
      tpu.wait_indirect_dma semaphore(%arg12 : memref<!tpu.dma_semaphore, #tpu.memory_space<semaphore_mem>>) src(%dma_wait3A_120 : memref<100000x128xf32, #tpu.memory_space<hbm>>) dst(%arg6 : memref<128x128xf32, #tpu.memory_space<vmem>>)
      %ge3A_121 = arith.constant 2 : i32
      %ge3A_122 = arith.cmpi sge, %add3A_111, %ge3A_121 : i32
      %convert_element_type3A_123 = arith.extui %ge3A_122 : i1 to i32
      %cond3A_124 = arith.constant 0 : i32
      %cond3A_125 = arith.cmpi ne, %convert_element_type3A_123, %cond3A_124 : i32
      scf.if %cond3A_125 {
        %dma_wait3A_236 = arith.constant 0 : i32
        %dma_wait3A_237 = tpu.memref_slice %arg4[%mul3A_114, %dma_wait3A_236] : memref<204800x128xf32, #tpu.memory_space<hbm>> -> memref<128x128xf32, #tpu.memory_space<hbm>>
        %dma_wait3A_238 = arith.constant 0 : i32
        %dma_wait3A_239 = tpu.memref_slice %arg4[%mul3A_114, %dma_wait3A_238] : memref<204800x128xf32, #tpu.memory_space<hbm>> -> memref<128x128xf32, #tpu.memory_space<hbm>>
        tpu.wait_dma2 semaphore(%arg16 : memref<!tpu.dma_semaphore, #tpu.memory_space<semaphore_mem>>) src(%arg10 : memref<128x128xf32, #tpu.memory_space<vmem>>) dst(%dma_wait3A_239 : memref<128x128xf32, #tpu.memory_space<hbm>>)
      } else {
      }
      %parallel_loop3A_126 = arith.constant 0 : i32
      %parallel_loop3A_127 = arith.constant 128 : i32
      %parallel_loop3A_128 = arith.constant 1 : i32
      scf.for %parallel_loop3A_236 = %parallel_loop3A_126 to %parallel_loop3A_127 step %parallel_loop3A_128  : i32 {
        %parallel_loop3A_237 = arith.index_cast %parallel_loop3A_236 : i32 to index
        %parallel_loop3A_238 = arith.constant 0 : index
        %parallel_loop3A_239 = tpu.vector_load %arg6[%parallel_loop3A_237, %parallel_loop3A_238] {strides = array<i32>} : memref<128x128xf32, #tpu.memory_space<vmem>>, vector<1x16xf32>,
        %parallel_loop3A_240 = vector.shape_cast %parallel_loop3A_239 : vector<1x16xf32> to vector<16xf32>
        %parallel_loop3A_241 = arith.constant 11.3137083 : f32
        %parallel_loop3A_242 = vector.broadcast %parallel_loop3A_241 : f32 to vector<16xf32>
        %parallel_loop3A_243 = arith.mulf %parallel_loop3A_240, %parallel_loop3A_242 : vector<16xf32>
        %parallel_loop3A_244 = arith.index_cast %parallel_loop3A_236 : i32 to index
        %parallel_loop3A_245 = arith.constant 0 : index
        %parallel_loop3A_246 = tpu.vector_load %arg10[%parallel_loop3A_244, %parallel_loop3A_245] {strides = array<i32>} : memref<128x128xf32, #tpu.memory_space<vmem>>, vector<1x16xf32>,
        %parallel_loop3A_247 = vector.shape_cast %parallel_loop3A_246 : vector<1x16xf32> to vector<16xf32>
        %parallel_loop3A_248 = vector.shape_cast %parallel_loop3A_243 : vector<16xf32> to vector<1x16xf32>
        tpu.vector_store %arg10[%parallel_loop3A_244, %parallel_loop3A_245], %parallel_loop3A_248 {strides = array<i32>} : memref<128x128xf32, #tpu.memory_space<vmem>>, vector<1x16xf32>,
        %parallel_loop3A_249 = arith.index_cast %parallel_loop3A_236 : i32 to index
        %parallel_loop3A_250 = arith.constant 16 : index
        %parallel_loop3A_251 = tpu.vector_load %arg6[%parallel_loop3A_249, %parallel_loop3A_250] {strides = array<i32>} : memref<128x128xf32, #tpu.memory_space<vmem>>, vector<1x16xf32>,
        %parallel_loop3A_252 = vector.shape_cast %parallel_loop3A_251 : vector<1x16xf32> to vector<16xf32>
        %parallel_loop3A_253 = arith.constant 11.3137083 : f32
        %parallel_loop3A_254 = vector.broadcast %parallel_loop3A_253 : f32 to vector<16xf32>
        %parallel_loop3A_255 = arith.mulf %parallel_loop3A_252, %parallel_loop3A_254 : vector<16xf32>
        %parallel_loop3A_256 = arith.index_cast %parallel_loop3A_236 : i32 to index
        %parallel_loop3A_257 = arith.constant 16 : index
        %parallel_loop3A_258 = tpu.vector_load %arg10[%parallel_loop3A_256, %parallel_loop3A_257] {strides = array<i32>} : memref<128x128xf32, #tpu.memory_space<vmem>>, vector<1x16xf32>,
        %parallel_loop3A_259 = vector.shape_cast %parallel_loop3A_258 : vector<1x16xf32> to vector<16xf32>
        %parallel_loop3A_260 = vector.shape_cast %parallel_loop3A_255 : vector<16xf32> to vector<1x16xf32>
        tpu.vector_store %arg10[%parallel_loop3A_256, %parallel_loop3A_257], %parallel_loop3A_260 {strides = array<i32>} : memref<128x128xf32, #tpu.memory_space<vmem>>, vector<1x16xf32>,
        %parallel_loop3A_261 = arith.index_cast %parallel_loop3A_236 : i32 to index
        %parallel_loop3A_262 = arith.constant 32 : index
        %parallel_loop3A_263 = tpu.vector_load %arg6[%parallel_loop3A_261, %parallel_loop3A_262] {strides = array<i32>} : memref<128x128xf32, #tpu.memory_space<vmem>>, vector<1x16xf32>,
        %parallel_loop3A_264 = vector.shape_cast %parallel_loop3A_263 : vector<1x16xf32> to vector<16xf32>
        %parallel_loop3A_265 = arith.constant 11.3137083 : f32
        %parallel_loop3A_266 = vector.broadcast %parallel_loop3A_265 : f32 to vector<16xf32>
        %parallel_loop3A_267 = arith.mulf %parallel_loop3A_264, %parallel_loop3A_266 : vector<16xf32>
        %parallel_loop3A_268 = arith.index_cast %parallel_loop3A_236 : i32 to index
        %parallel_loop3A_269 = arith.constant 32 : index
        %parallel_loop3A_270 = tpu.vector_load %arg10[%parallel_loop3A_268, %parallel_loop3A_269] {strides = array<i32>} : memref<128x128xf32, #tpu.memory_space<vmem>>, vector<1x16xf32>,
        %parallel_loop3A_271 = vector.shape_cast %parallel_loop3A_270 : vector<1x16xf32> to vector<16xf32>
        %parallel_loop3A_272 = vector.shape_cast %parallel_loop3A_267 : vector<16xf32> to vector<1x16xf32>
        tpu.vector_store %arg10[%parallel_loop3A_268, %parallel_loop3A_269], %parallel_loop3A_272 {strides = array<i32>} : memref<128x128xf32, #tpu.memory_space<vmem>>, vector<1x16xf32>,
        %parallel_loop3A_273 = arith.index_cast %parallel_loop3A_236 : i32 to index
        %parallel_loop3A_274 = arith.constant 48 : index
        %parallel_loop3A_275 = tpu.vector_load %arg6[%parallel_loop3A_273, %parallel_loop3A_274] {strides = array<i32>} : memref<128x128xf32, #tpu.memory_space<vmem>>, vector<1x16xf32>,
        %parallel_loop3A_276 = vector.shape_cast %parallel_loop3A_275 : vector<1x16xf32> to vector<16xf32>
        %parallel_loop3A_277 = arith.constant 11.3137083 : f32
        %parallel_loop3A_278 = vector.broadcast %parallel_loop3A_277 : f32 to vector<16xf32>
        %parallel_loop3A_279 = arith.mulf %parallel_loop3A_276, %parallel_loop3A_278 : vector<16xf32>
        %parallel_loop3A_280 = arith.index_cast %parallel_loop3A_236 : i32 to index
        %parallel_loop3A_281 = arith.constant 48 : index
        %parallel_loop3A_282 = tpu.vector_load %arg10[%parallel_loop3A_280, %parallel_loop3A_281] {strides = array<i32>} : memref<128x128xf32, #tpu.memory_space<vmem>>, vector<1x16xf32>,
        %parallel_loop3A_283 = vector.shape_cast %parallel_loop3A_282 : vector<1x16xf32> to vector<16xf32>
        %parallel_loop3A_284 = vector.shape_cast %parallel_loop3A_279 : vector<16xf32> to vector<1x16xf32>
        tpu.vector_store %arg10[%parallel_loop3A_280, %parallel_loop3A_281], %parallel_loop3A_284 {strides = array<i32>} : memref<128x128xf32, #tpu.memory_space<vmem>>, vector<1x16xf32>,
        %parallel_loop3A_285 = arith.index_cast %parallel_loop3A_236 : i32 to index
        %parallel_loop3A_286 = arith.constant 64 : index
        %parallel_loop3A_287 = tpu.vector_load %arg6[%parallel_loop3A_285, %parallel_loop3A_286] {strides = array<i32>} : memref<128x128xf32, #tpu.memory_space<vmem>>, vector<1x16xf32>,
        %parallel_loop3A_288 = vector.shape_cast %parallel_loop3A_287 : vector<1x16xf32> to vector<16xf32>
        %parallel_loop3A_289 = arith.constant 11.3137083 : f32
        %parallel_loop3A_290 = vector.broadcast %parallel_loop3A_289 : f32 to vector<16xf32>
        %parallel_loop3A_291 = arith.mulf %parallel_loop3A_288, %parallel_loop3A_290 : vector<16xf32>
        %parallel_loop3A_292 = arith.index_cast %parallel_loop3A_236 : i32 to index
        %parallel_loop3A_293 = arith.constant 64 : index
        %parallel_loop3A_294 = tpu.vector_load %arg10[%parallel_loop3A_292, %parallel_loop3A_293] {strides = array<i32>} : memref<128x128xf32, #tpu.memory_space<vmem>>, vector<1x16xf32>,
        %parallel_loop3A_295 = vector.shape_cast %parallel_loop3A_294 : vector<1x16xf32> to vector<16xf32>
        %parallel_loop3A_296 = vector.shape_cast %parallel_loop3A_291 : vector<16xf32> to vector<1x16xf32>
        tpu.vector_store %arg10[%parallel_loop3A_292, %parallel_loop3A_293], %parallel_loop3A_296 {strides = array<i32>} : memref<128x128xf32, #tpu.memory_space<vmem>>, vector<1x16xf32>,
        %parallel_loop3A_297 = arith.index_cast %parallel_loop3A_236 : i32 to index
        %parallel_loop3A_298 = arith.constant 80 : index
        %parallel_loop3A_299 = tpu.vector_load %arg6[%parallel_loop3A_297, %parallel_loop3A_298] {strides = array<i32>} : memref<128x128xf32, #tpu.memory_space<vmem>>, vector<1x16xf32>,
        %parallel_loop3A_300 = vector.shape_cast %parallel_loop3A_299 : vector<1x16xf32> to vector<16xf32>
        %parallel_loop3A_301 = arith.constant 11.3137083 : f32
        %parallel_loop3A_302 = vector.broadcast %parallel_loop3A_301 : f32 to vector<16xf32>
        %parallel_loop3A_303 = arith.mulf %parallel_loop3A_300, %parallel_loop3A_302 : vector<16xf32>
        %parallel_loop3A_304 = arith.index_cast %parallel_loop3A_236 : i32 to index
        %parallel_loop3A_305 = arith.constant 80 : index
        %parallel_loop3A_306 = tpu.vector_load %arg10[%parallel_loop3A_304, %parallel_loop3A_305] {strides = array<i32>} : memref<128x128xf32, #tpu.memory_space<vmem>>, vector<1x16xf32>,
        %parallel_loop3A_307 = vector.shape_cast %parallel_loop3A_306 : vector<1x16xf32> to vector<16xf32>
        %parallel_loop3A_308 = vector.shape_cast %parallel_loop3A_303 : vector<16xf32> to vector<1x16xf32>
        tpu.vector_store %arg10[%parallel_loop3A_304, %parallel_loop3A_305], %parallel_loop3A_308 {strides = array<i32>} : memref<128x128xf32, #tpu.memory_space<vmem>>, vector<1x16xf32>,
        %parallel_loop3A_309 = arith.index_cast %parallel_loop3A_236 : i32 to index
        %parallel_loop3A_310 = arith.constant 96 : index
        %parallel_loop3A_311 = tpu.vector_load %arg6[%parallel_loop3A_309, %parallel_loop3A_310] {strides = array<i32>} : memref<128x128xf32, #tpu.memory_space<vmem>>, vector<1x16xf32>,
        %parallel_loop3A_312 = vector.shape_cast %parallel_loop3A_311 : vector<1x16xf32> to vector<16xf32>
        %parallel_loop3A_313 = arith.constant 11.3137083 : f32
        %parallel_loop3A_314 = vector.broadcast %parallel_loop3A_313 : f32 to vector<16xf32>
        %parallel_loop3A_315 = arith.mulf %parallel_loop3A_312, %parallel_loop3A_314 : vector<16xf32>
        %parallel_loop3A_316 = arith.index_cast %parallel_loop3A_236 : i32 to index
        %parallel_loop3A_317 = arith.constant 96 : index
        %parallel_loop3A_318 = tpu.vector_load %arg10[%parallel_loop3A_316, %parallel_loop3A_317] {strides = array<i32>} : memref<128x128xf32, #tpu.memory_space<vmem>>, vector<1x16xf32>,
        %parallel_loop3A_319 = vector.shape_cast %parallel_loop3A_318 : vector<1x16xf32> to vector<16xf32>
        %parallel_loop3A_320 = vector.shape_cast %parallel_loop3A_315 : vector<16xf32> to vector<1x16xf32>
        tpu.vector_store %arg10[%parallel_loop3A_316, %parallel_loop3A_317], %parallel_loop3A_320 {strides = array<i32>} : memref<128x128xf32, #tpu.memory_space<vmem>>, vector<1x16xf32>,
        %parallel_loop3A_321 = arith.index_cast %parallel_loop3A_236 : i32 to index
        %parallel_loop3A_322 = arith.constant 112 : index
        %parallel_loop3A_323 = tpu.vector_load %arg6[%parallel_loop3A_321, %parallel_loop3A_322] {strides = array<i32>} : memref<128x128xf32, #tpu.memory_space<vmem>>, vector<1x16xf32>,
        %parallel_loop3A_324 = vector.shape_cast %parallel_loop3A_323 : vector<1x16xf32> to vector<16xf32>
        %parallel_loop3A_325 = arith.constant 11.3137083 : f32
        %parallel_loop3A_326 = vector.broadcast %parallel_loop3A_325 : f32 to vector<16xf32>
        %parallel_loop3A_327 = arith.mulf %parallel_loop3A_324, %parallel_loop3A_326 : vector<16xf32>
        %parallel_loop3A_328 = arith.index_cast %parallel_loop3A_236 : i32 to index
        %parallel_loop3A_329 = arith.constant 112 : index
        %parallel_loop3A_330 = tpu.vector_load %arg10[%parallel_loop3A_328, %parallel_loop3A_329] {strides = array<i32>} : memref<128x128xf32, #tpu.memory_space<vmem>>, vector<1x16xf32>,
        %parallel_loop3A_331 = vector.shape_cast %parallel_loop3A_330 : vector<1x16xf32> to vector<16xf32>
        %parallel_loop3A_332 = vector.shape_cast %parallel_loop3A_327 : vector<16xf32> to vector<1x16xf32>
        tpu.vector_store %arg10[%parallel_loop3A_328, %parallel_loop3A_329], %parallel_loop3A_332 {strides = array<i32>} : memref<128x128xf32, #tpu.memory_space<vmem>>, vector<1x16xf32>,
      } {sc.loop_unroll_factor = 4 : i64, sc.parallel_access}
      %dma_start3A_129 = arith.constant 0 : i32
      %dma_start3A_130 = tpu.memref_slice %arg4[%mul3A_114, %dma_start3A_129] : memref<204800x128xf32, #tpu.memory_space<hbm>> -> memref<128x128xf32, #tpu.memory_space<hbm>>
      %dma_start3A_131 = arith.constant 0 : i32
      %dma_start3A_132 = tpu.memref_slice %arg4[%mul3A_114, %dma_start3A_131] : memref<204800x128xf32, #tpu.memory_space<hbm>> -> memref<128x128xf32, #tpu.memory_space<hbm>>
      tpu.enqueue_dma source(%arg10 : memref<128x128xf32, #tpu.memory_space<vmem>>) target(%dma_start3A_132 : memref<128x128xf32, #tpu.memory_space<hbm>>) target_semaphore(%arg16 : memref<!tpu.dma_semaphore, #tpu.memory_space<semaphore_mem>>)
      %add3A_133 = arith.constant 4 : i32
      %add3A_134 = arith.addi %add3A_111, %add3A_133 : i32
      %lt3A_135 = arith.constant 50 : i32
      %lt3A_136 = arith.cmpi slt, %add3A_134, %lt3A_135 : i32
      %convert_element_type3A_137 = arith.extui %lt3A_136 : i1 to i32
      %cond3A_138 = arith.constant 0 : i32
      %cond3A_139 = arith.cmpi ne, %convert_element_type3A_137, %cond3A_138 : i32
      scf.if %cond3A_139 {
        %add3A_236 = arith.constant 4 : i32
        %add3A_237 = arith.addi %add3A_111, %add3A_236 : i32
        %dma_start3A_238 = arith.constant 0 : i32
        %dma_start3A_239 = tpu.memref_slice %arg5[%add3A_237, %dma_start3A_238] : memref<50x128xi32, #tpu.memory_space<vmem>> -> memref<1x128xi32, #tpu.memory_space<vmem>>
        %dma_start3A_240 = tpu.memref_squeeze %dma_start3A_239 : memref<1x128xi32, #tpu.memory_space<vmem>> -> memref<128xi32, #tpu.memory_space<vmem>>
        %dma_start3A_241 = arith.constant 0 : i32
        %dma_start3A_242 = arith.constant 0 : i32
        %dma_start3A_243 = tpu.memref_slice %arg2[%dma_start3A_241, %dma_start3A_242] : memref<100000x128xf32, #tpu.memory_space<hbm>> -> memref<100000x128xf32, #tpu.memory_space<hbm>>
        tpu.enqueue_indirect_dma source(%dma_start3A_243 : memref<100000x128xf32, #tpu.memory_space<hbm>>) target(%arg6 : memref<128x128xf32, #tpu.memory_space<vmem>>) offsets(%dma_start3A_240 : memref<128xi32, #tpu.memory_space<vmem>>) semaphore(%arg12 : memref<!tpu.dma_semaphore, #tpu.memory_space<semaphore_mem>>)
      } else {
      }
      %mul3A_140 = arith.constant 4 : i32
      %mul3A_141 = arith.muli %scan3A_107, %mul3A_140 : i32
      %add3A_142 = arith.constant 1 : i32
      %add3A_143 = arith.addi %mul3A_141, %add3A_142 : i32
      %add3A_144 = arith.addi %mul3A_2, %add3A_143 : i32
      %mul3A_145 = arith.constant 128 : i32
      %mul3A_146 = arith.muli %add3A_144, %mul3A_145 : i32
      %dma_wait3A_147 = arith.constant 0 : i32
      %dma_wait3A_148 = tpu.memref_slice %arg5[%add3A_143, %dma_wait3A_147] : memref<50x128xi32, #tpu.memory_space<vmem>> -> memref<1x128xi32, #tpu.memory_space<vmem>>
      %dma_wait3A_149 = tpu.memref_squeeze %dma_wait3A_148 : memref<1x128xi32, #tpu.memory_space<vmem>> -> memref<128xi32, #tpu.memory_space<vmem>>
      %dma_wait3A_150 = arith.constant 0 : i32
      %dma_wait3A_151 = arith.constant 0 : i32
      %dma_wait3A_152 = tpu.memref_slice %arg2[%dma_wait3A_150, %dma_wait3A_151] : memref<100000x128xf32, #tpu.memory_space<hbm>> -> memref<100000x128xf32, #tpu.memory_space<hbm>>
      tpu.wait_indirect_dma semaphore(%arg13 : memref<!tpu.dma_semaphore, #tpu.memory_space<semaphore_mem>>) src(%dma_wait3A_152 : memref<100000x128xf32, #tpu.memory_space<hbm>>) dst(%arg7 : memref<128x128xf32, #tpu.memory_space<vmem>>)
      %ge3A_153 = arith.constant 2 : i32
      %ge3A_154 = arith.cmpi sge, %add3A_143, %ge3A_153 : i32
      %convert_element_type3A_155 = arith.extui %ge3A_154 : i1 to i32
      %cond3A_156 = arith.constant 0 : i32
      %cond3A_157 = arith.cmpi ne, %convert_element_type3A_155, %cond3A_156 : i32
      scf.if %cond3A_157 {
        %dma_wait3A_236 = arith.constant 0 : i32
        %dma_wait3A_237 = tpu.memref_slice %arg4[%mul3A_146, %dma_wait3A_236] : memref<204800x128xf32, #tpu.memory_space<hbm>> -> memref<128x128xf32, #tpu.memory_space<hbm>>
        %dma_wait3A_238 = arith.constant 0 : i32
        %dma_wait3A_239 = tpu.memref_slice %arg4[%mul3A_146, %dma_wait3A_238] : memref<204800x128xf32, #tpu.memory_space<hbm>> -> memref<128x128xf32, #tpu.memory_space<hbm>>
        tpu.wait_dma2 semaphore(%arg17 : memref<!tpu.dma_semaphore, #tpu.memory_space<semaphore_mem>>) src(%arg11 : memref<128x128xf32, #tpu.memory_space<vmem>>) dst(%dma_wait3A_239 : memref<128x128xf32, #tpu.memory_space<hbm>>)
      } else {
      }
      %parallel_loop3A_158 = arith.constant 0 : i32
      %parallel_loop3A_159 = arith.constant 128 : i32
      %parallel_loop3A_160 = arith.constant 1 : i32
      scf.for %parallel_loop3A_236 = %parallel_loop3A_158 to %parallel_loop3A_159 step %parallel_loop3A_160  : i32 {
        %parallel_loop3A_237 = arith.index_cast %parallel_loop3A_236 : i32 to index
        %parallel_loop3A_238 = arith.constant 0 : index
        %parallel_loop3A_239 = tpu.vector_load %arg7[%parallel_loop3A_237, %parallel_loop3A_238] {strides = array<i32>} : memref<128x128xf32, #tpu.memory_space<vmem>>, vector<1x16xf32>,
        %parallel_loop3A_240 = vector.shape_cast %parallel_loop3A_239 : vector<1x16xf32> to vector<16xf32>
        %parallel_loop3A_241 = arith.constant 11.3137083 : f32
        %parallel_loop3A_242 = vector.broadcast %parallel_loop3A_241 : f32 to vector<16xf32>
        %parallel_loop3A_243 = arith.mulf %parallel_loop3A_240, %parallel_loop3A_242 : vector<16xf32>
        %parallel_loop3A_244 = arith.index_cast %parallel_loop3A_236 : i32 to index
        %parallel_loop3A_245 = arith.constant 0 : index
        %parallel_loop3A_246 = tpu.vector_load %arg11[%parallel_loop3A_244, %parallel_loop3A_245] {strides = array<i32>} : memref<128x128xf32, #tpu.memory_space<vmem>>, vector<1x16xf32>,
        %parallel_loop3A_247 = vector.shape_cast %parallel_loop3A_246 : vector<1x16xf32> to vector<16xf32>
        %parallel_loop3A_248 = vector.shape_cast %parallel_loop3A_243 : vector<16xf32> to vector<1x16xf32>
        tpu.vector_store %arg11[%parallel_loop3A_244, %parallel_loop3A_245], %parallel_loop3A_248 {strides = array<i32>} : memref<128x128xf32, #tpu.memory_space<vmem>>, vector<1x16xf32>,
        %parallel_loop3A_249 = arith.index_cast %parallel_loop3A_236 : i32 to index
        %parallel_loop3A_250 = arith.constant 16 : index
        %parallel_loop3A_251 = tpu.vector_load %arg7[%parallel_loop3A_249, %parallel_loop3A_250] {strides = array<i32>} : memref<128x128xf32, #tpu.memory_space<vmem>>, vector<1x16xf32>,
        %parallel_loop3A_252 = vector.shape_cast %parallel_loop3A_251 : vector<1x16xf32> to vector<16xf32>
        %parallel_loop3A_253 = arith.constant 11.3137083 : f32
        %parallel_loop3A_254 = vector.broadcast %parallel_loop3A_253 : f32 to vector<16xf32>
        %parallel_loop3A_255 = arith.mulf %parallel_loop3A_252, %parallel_loop3A_254 : vector<16xf32>
        %parallel_loop3A_256 = arith.index_cast %parallel_loop3A_236 : i32 to index
        %parallel_loop3A_257 = arith.constant 16 : index
        %parallel_loop3A_258 = tpu.vector_load %arg11[%parallel_loop3A_256, %parallel_loop3A_257] {strides = array<i32>} : memref<128x128xf32, #tpu.memory_space<vmem>>, vector<1x16xf32>,
        %parallel_loop3A_259 = vector.shape_cast %parallel_loop3A_258 : vector<1x16xf32> to vector<16xf32>
        %parallel_loop3A_260 = vector.shape_cast %parallel_loop3A_255 : vector<16xf32> to vector<1x16xf32>
        tpu.vector_store %arg11[%parallel_loop3A_256, %parallel_loop3A_257], %parallel_loop3A_260 {strides = array<i32>} : memref<128x128xf32, #tpu.memory_space<vmem>>, vector<1x16xf32>,
        %parallel_loop3A_261 = arith.index_cast %parallel_loop3A_236 : i32 to index
        %parallel_loop3A_262 = arith.constant 32 : index
        %parallel_loop3A_263 = tpu.vector_load %arg7[%parallel_loop3A_261, %parallel_loop3A_262] {strides = array<i32>} : memref<128x128xf32, #tpu.memory_space<vmem>>, vector<1x16xf32>,
        %parallel_loop3A_264 = vector.shape_cast %parallel_loop3A_263 : vector<1x16xf32> to vector<16xf32>
        %parallel_loop3A_265 = arith.constant 11.3137083 : f32
        %parallel_loop3A_266 = vector.broadcast %parallel_loop3A_265 : f32 to vector<16xf32>
        %parallel_loop3A_267 = arith.mulf %parallel_loop3A_264, %parallel_loop3A_266 : vector<16xf32>
        %parallel_loop3A_268 = arith.index_cast %parallel_loop3A_236 : i32 to index
        %parallel_loop3A_269 = arith.constant 32 : index
        %parallel_loop3A_270 = tpu.vector_load %arg11[%parallel_loop3A_268, %parallel_loop3A_269] {strides = array<i32>} : memref<128x128xf32, #tpu.memory_space<vmem>>, vector<1x16xf32>,
        %parallel_loop3A_271 = vector.shape_cast %parallel_loop3A_270 : vector<1x16xf32> to vector<16xf32>
        %parallel_loop3A_272 = vector.shape_cast %parallel_loop3A_267 : vector<16xf32> to vector<1x16xf32>
        tpu.vector_store %arg11[%parallel_loop3A_268, %parallel_loop3A_269], %parallel_loop3A_272 {strides = array<i32>} : memref<128x128xf32, #tpu.memory_space<vmem>>, vector<1x16xf32>,
        %parallel_loop3A_273 = arith.index_cast %parallel_loop3A_236 : i32 to index
        %parallel_loop3A_274 = arith.constant 48 : index
        %parallel_loop3A_275 = tpu.vector_load %arg7[%parallel_loop3A_273, %parallel_loop3A_274] {strides = array<i32>} : memref<128x128xf32, #tpu.memory_space<vmem>>, vector<1x16xf32>,
        %parallel_loop3A_276 = vector.shape_cast %parallel_loop3A_275 : vector<1x16xf32> to vector<16xf32>
        %parallel_loop3A_277 = arith.constant 11.3137083 : f32
        %parallel_loop3A_278 = vector.broadcast %parallel_loop3A_277 : f32 to vector<16xf32>
        %parallel_loop3A_279 = arith.mulf %parallel_loop3A_276, %parallel_loop3A_278 : vector<16xf32>
        %parallel_loop3A_280 = arith.index_cast %parallel_loop3A_236 : i32 to index
        %parallel_loop3A_281 = arith.constant 48 : index
        %parallel_loop3A_282 = tpu.vector_load %arg11[%parallel_loop3A_280, %parallel_loop3A_281] {strides = array<i32>} : memref<128x128xf32, #tpu.memory_space<vmem>>, vector<1x16xf32>,
        %parallel_loop3A_283 = vector.shape_cast %parallel_loop3A_282 : vector<1x16xf32> to vector<16xf32>
        %parallel_loop3A_284 = vector.shape_cast %parallel_loop3A_279 : vector<16xf32> to vector<1x16xf32>
        tpu.vector_store %arg11[%parallel_loop3A_280, %parallel_loop3A_281], %parallel_loop3A_284 {strides = array<i32>} : memref<128x128xf32, #tpu.memory_space<vmem>>, vector<1x16xf32>,
        %parallel_loop3A_285 = arith.index_cast %parallel_loop3A_236 : i32 to index
        %parallel_loop3A_286 = arith.constant 64 : index
        %parallel_loop3A_287 = tpu.vector_load %arg7[%parallel_loop3A_285, %parallel_loop3A_286] {strides = array<i32>} : memref<128x128xf32, #tpu.memory_space<vmem>>, vector<1x16xf32>,
        %parallel_loop3A_288 = vector.shape_cast %parallel_loop3A_287 : vector<1x16xf32> to vector<16xf32>
        %parallel_loop3A_289 = arith.constant 11.3137083 : f32
        %parallel_loop3A_290 = vector.broadcast %parallel_loop3A_289 : f32 to vector<16xf32>
        %parallel_loop3A_291 = arith.mulf %parallel_loop3A_288, %parallel_loop3A_290 : vector<16xf32>
        %parallel_loop3A_292 = arith.index_cast %parallel_loop3A_236 : i32 to index
        %parallel_loop3A_293 = arith.constant 64 : index
        %parallel_loop3A_294 = tpu.vector_load %arg11[%parallel_loop3A_292, %parallel_loop3A_293] {strides = array<i32>} : memref<128x128xf32, #tpu.memory_space<vmem>>, vector<1x16xf32>,
        %parallel_loop3A_295 = vector.shape_cast %parallel_loop3A_294 : vector<1x16xf32> to vector<16xf32>
        %parallel_loop3A_296 = vector.shape_cast %parallel_loop3A_291 : vector<16xf32> to vector<1x16xf32>
        tpu.vector_store %arg11[%parallel_loop3A_292, %parallel_loop3A_293], %parallel_loop3A_296 {strides = array<i32>} : memref<128x128xf32, #tpu.memory_space<vmem>>, vector<1x16xf32>,
        %parallel_loop3A_297 = arith.index_cast %parallel_loop3A_236 : i32 to index
        %parallel_loop3A_298 = arith.constant 80 : index
        %parallel_loop3A_299 = tpu.vector_load %arg7[%parallel_loop3A_297, %parallel_loop3A_298] {strides = array<i32>} : memref<128x128xf32, #tpu.memory_space<vmem>>, vector<1x16xf32>,
        %parallel_loop3A_300 = vector.shape_cast %parallel_loop3A_299 : vector<1x16xf32> to vector<16xf32>
        %parallel_loop3A_301 = arith.constant 11.3137083 : f32
        %parallel_loop3A_302 = vector.broadcast %parallel_loop3A_301 : f32 to vector<16xf32>
        %parallel_loop3A_303 = arith.mulf %parallel_loop3A_300, %parallel_loop3A_302 : vector<16xf32>
        %parallel_loop3A_304 = arith.index_cast %parallel_loop3A_236 : i32 to index
        %parallel_loop3A_305 = arith.constant 80 : index
        %parallel_loop3A_306 = tpu.vector_load %arg11[%parallel_loop3A_304, %parallel_loop3A_305] {strides = array<i32>} : memref<128x128xf32, #tpu.memory_space<vmem>>, vector<1x16xf32>,
        %parallel_loop3A_307 = vector.shape_cast %parallel_loop3A_306 : vector<1x16xf32> to vector<16xf32>
        %parallel_loop3A_308 = vector.shape_cast %parallel_loop3A_303 : vector<16xf32> to vector<1x16xf32>
        tpu.vector_store %arg11[%parallel_loop3A_304, %parallel_loop3A_305], %parallel_loop3A_308 {strides = array<i32>} : memref<128x128xf32, #tpu.memory_space<vmem>>, vector<1x16xf32>,
        %parallel_loop3A_309 = arith.index_cast %parallel_loop3A_236 : i32 to index
        %parallel_loop3A_310 = arith.constant 96 : index
        %parallel_loop3A_311 = tpu.vector_load %arg7[%parallel_loop3A_309, %parallel_loop3A_310] {strides = array<i32>} : memref<128x128xf32, #tpu.memory_space<vmem>>, vector<1x16xf32>,
        %parallel_loop3A_312 = vector.shape_cast %parallel_loop3A_311 : vector<1x16xf32> to vector<16xf32>
        %parallel_loop3A_313 = arith.constant 11.3137083 : f32
        %parallel_loop3A_314 = vector.broadcast %parallel_loop3A_313 : f32 to vector<16xf32>
        %parallel_loop3A_315 = arith.mulf %parallel_loop3A_312, %parallel_loop3A_314 : vector<16xf32>
        %parallel_loop3A_316 = arith.index_cast %parallel_loop3A_236 : i32 to index
        %parallel_loop3A_317 = arith.constant 96 : index
        %parallel_loop3A_318 = tpu.vector_load %arg11[%parallel_loop3A_316, %parallel_loop3A_317] {strides = array<i32>} : memref<128x128xf32, #tpu.memory_space<vmem>>, vector<1x16xf32>,
        %parallel_loop3A_319 = vector.shape_cast %parallel_loop3A_318 : vector<1x16xf32> to vector<16xf32>
        %parallel_loop3A_320 = vector.shape_cast %parallel_loop3A_315 : vector<16xf32> to vector<1x16xf32>
        tpu.vector_store %arg11[%parallel_loop3A_316, %parallel_loop3A_317], %parallel_loop3A_320 {strides = array<i32>} : memref<128x128xf32, #tpu.memory_space<vmem>>, vector<1x16xf32>,
        %parallel_loop3A_321 = arith.index_cast %parallel_loop3A_236 : i32 to index
        %parallel_loop3A_322 = arith.constant 112 : index
        %parallel_loop3A_323 = tpu.vector_load %arg7[%parallel_loop3A_321, %parallel_loop3A_322] {strides = array<i32>} : memref<128x128xf32, #tpu.memory_space<vmem>>, vector<1x16xf32>,
        %parallel_loop3A_324 = vector.shape_cast %parallel_loop3A_323 : vector<1x16xf32> to vector<16xf32>
        %parallel_loop3A_325 = arith.constant 11.3137083 : f32
        %parallel_loop3A_326 = vector.broadcast %parallel_loop3A_325 : f32 to vector<16xf32>
        %parallel_loop3A_327 = arith.mulf %parallel_loop3A_324, %parallel_loop3A_326 : vector<16xf32>
        %parallel_loop3A_328 = arith.index_cast %parallel_loop3A_236 : i32 to index
        %parallel_loop3A_329 = arith.constant 112 : index
        %parallel_loop3A_330 = tpu.vector_load %arg11[%parallel_loop3A_328, %parallel_loop3A_329] {strides = array<i32>} : memref<128x128xf32, #tpu.memory_space<vmem>>, vector<1x16xf32>,
        %parallel_loop3A_331 = vector.shape_cast %parallel_loop3A_330 : vector<1x16xf32> to vector<16xf32>
        %parallel_loop3A_332 = vector.shape_cast %parallel_loop3A_327 : vector<16xf32> to vector<1x16xf32>
        tpu.vector_store %arg11[%parallel_loop3A_328, %parallel_loop3A_329], %parallel_loop3A_332 {strides = array<i32>} : memref<128x128xf32, #tpu.memory_space<vmem>>, vector<1x16xf32>,
      } {sc.loop_unroll_factor = 4 : i64, sc.parallel_access}
      %dma_start3A_161 = arith.constant 0 : i32
      %dma_start3A_162 = tpu.memref_slice %arg4[%mul3A_146, %dma_start3A_161] : memref<204800x128xf32, #tpu.memory_space<hbm>> -> memref<128x128xf32, #tpu.memory_space<hbm>>
      %dma_start3A_163 = arith.constant 0 : i32
      %dma_start3A_164 = tpu.memref_slice %arg4[%mul3A_146, %dma_start3A_163] : memref<204800x128xf32, #tpu.memory_space<hbm>> -> memref<128x128xf32, #tpu.memory_space<hbm>>
      tpu.enqueue_dma source(%arg11 : memref<128x128xf32, #tpu.memory_space<vmem>>) target(%dma_start3A_164 : memref<128x128xf32, #tpu.memory_space<hbm>>) target_semaphore(%arg17 : memref<!tpu.dma_semaphore, #tpu.memory_space<semaphore_mem>>)
      %add3A_165 = arith.constant 4 : i32
      %add3A_166 = arith.addi %add3A_143, %add3A_165 : i32
      %lt3A_167 = arith.constant 50 : i32
      %lt3A_168 = arith.cmpi slt, %add3A_166, %lt3A_167 : i32
      %convert_element_type3A_169 = arith.extui %lt3A_168 : i1 to i32
      %cond3A_170 = arith.constant 0 : i32
      %cond3A_171 = arith.cmpi ne, %convert_element_type3A_169, %cond3A_170 : i32
      scf.if %cond3A_171 {
        %add3A_236 = arith.constant 4 : i32
        %add3A_237 = arith.addi %add3A_143, %add3A_236 : i32
        %dma_start3A_238 = arith.constant 0 : i32
        %dma_start3A_239 = tpu.memref_slice %arg5[%add3A_237, %dma_start3A_238] : memref<50x128xi32, #tpu.memory_space<vmem>> -> memref<1x128xi32, #tpu.memory_space<vmem>>
        %dma_start3A_240 = tpu.memref_squeeze %dma_start3A_239 : memref<1x128xi32, #tpu.memory_space<vmem>> -> memref<128xi32, #tpu.memory_space<vmem>>
        %dma_start3A_241 = arith.constant 0 : i32
        %dma_start3A_242 = arith.constant 0 : i32
        %dma_start3A_243 = tpu.memref_slice %arg2[%dma_start3A_241, %dma_start3A_242] : memref<100000x128xf32, #tpu.memory_space<hbm>> -> memref<100000x128xf32, #tpu.memory_space<hbm>>
        tpu.enqueue_indirect_dma source(%dma_start3A_243 : memref<100000x128xf32, #tpu.memory_space<hbm>>) target(%arg7 : memref<128x128xf32, #tpu.memory_space<vmem>>) offsets(%dma_start3A_240 : memref<128xi32, #tpu.memory_space<vmem>>) semaphore(%arg13 : memref<!tpu.dma_semaphore, #tpu.memory_space<semaphore_mem>>)
      } else {
      }
      %mul3A_172 = arith.constant 4 : i32
      %mul3A_173 = arith.muli %scan3A_107, %mul3A_172 : i32
      %add3A_174 = arith.constant 2 : i32
      %add3A_175 = arith.addi %mul3A_173, %add3A_174 : i32
      %add3A_176 = arith.addi %mul3A_2, %add3A_175 : i32
      %mul3A_177 = arith.constant 128 : i32
      %mul3A_178 = arith.muli %add3A_176, %mul3A_177 : i32
      %dma_wait3A_179 = arith.constant 0 : i32
      %dma_wait3A_180 = tpu.memref_slice %arg5[%add3A_175, %dma_wait3A_179] : memref<50x128xi32, #tpu.memory_space<vmem>> -> memref<1x128xi32, #tpu.memory_space<vmem>>
      %dma_wait3A_181 = tpu.memref_squeeze %dma_wait3A_180 : memref<1x128xi32, #tpu.memory_space<vmem>> -> memref<128xi32, #tpu.memory_space<vmem>>
      %dma_wait3A_182 = arith.constant 0 : i32
      %dma_wait3A_183 = arith.constant 0 : i32
      %dma_wait3A_184 = tpu.memref_slice %arg2[%dma_wait3A_182, %dma_wait3A_183] : memref<100000x128xf32, #tpu.memory_space<hbm>> -> memref<100000x128xf32, #tpu.memory_space<hbm>>
      tpu.wait_indirect_dma semaphore(%arg14 : memref<!tpu.dma_semaphore, #tpu.memory_space<semaphore_mem>>) src(%dma_wait3A_184 : memref<100000x128xf32, #tpu.memory_space<hbm>>) dst(%arg8 : memref<128x128xf32, #tpu.memory_space<vmem>>)
      %ge3A_185 = arith.constant 2 : i32
      %ge3A_186 = arith.cmpi sge, %add3A_175, %ge3A_185 : i32
      %convert_element_type3A_187 = arith.extui %ge3A_186 : i1 to i32
      %cond3A_188 = arith.constant 0 : i32
      %cond3A_189 = arith.cmpi ne, %convert_element_type3A_187, %cond3A_188 : i32
      scf.if %cond3A_189 {
        %dma_wait3A_236 = arith.constant 0 : i32
        %dma_wait3A_237 = tpu.memref_slice %arg4[%mul3A_178, %dma_wait3A_236] : memref<204800x128xf32, #tpu.memory_space<hbm>> -> memref<128x128xf32, #tpu.memory_space<hbm>>
        %dma_wait3A_238 = arith.constant 0 : i32
        %dma_wait3A_239 = tpu.memref_slice %arg4[%mul3A_178, %dma_wait3A_238] : memref<204800x128xf32, #tpu.memory_space<hbm>> -> memref<128x128xf32, #tpu.memory_space<hbm>>
        tpu.wait_dma2 semaphore(%arg16 : memref<!tpu.dma_semaphore, #tpu.memory_space<semaphore_mem>>) src(%arg10 : memref<128x128xf32, #tpu.memory_space<vmem>>) dst(%dma_wait3A_239 : memref<128x128xf32, #tpu.memory_space<hbm>>)
      } else {
      }
      %parallel_loop3A_190 = arith.constant 0 : i32
      %parallel_loop3A_191 = arith.constant 128 : i32
      %parallel_loop3A_192 = arith.constant 1 : i32
      scf.for %parallel_loop3A_236 = %parallel_loop3A_190 to %parallel_loop3A_191 step %parallel_loop3A_192  : i32 {
        %parallel_loop3A_237 = arith.index_cast %parallel_loop3A_236 : i32 to index
        %parallel_loop3A_238 = arith.constant 0 : index
        %parallel_loop3A_239 = tpu.vector_load %arg8[%parallel_loop3A_237, %parallel_loop3A_238] {strides = array<i32>} : memref<128x128xf32, #tpu.memory_space<vmem>>, vector<1x16xf32>,
        %parallel_loop3A_240 = vector.shape_cast %parallel_loop3A_239 : vector<1x16xf32> to vector<16xf32>
        %parallel_loop3A_241 = arith.constant 11.3137083 : f32
        %parallel_loop3A_242 = vector.broadcast %parallel_loop3A_241 : f32 to vector<16xf32>
        %parallel_loop3A_243 = arith.mulf %parallel_loop3A_240, %parallel_loop3A_242 : vector<16xf32>
        %parallel_loop3A_244 = arith.index_cast %parallel_loop3A_236 : i32 to index
        %parallel_loop3A_245 = arith.constant 0 : index
        %parallel_loop3A_246 = tpu.vector_load %arg10[%parallel_loop3A_244, %parallel_loop3A_245] {strides = array<i32>} : memref<128x128xf32, #tpu.memory_space<vmem>>, vector<1x16xf32>,
        %parallel_loop3A_247 = vector.shape_cast %parallel_loop3A_246 : vector<1x16xf32> to vector<16xf32>
        %parallel_loop3A_248 = vector.shape_cast %parallel_loop3A_243 : vector<16xf32> to vector<1x16xf32>
        tpu.vector_store %arg10[%parallel_loop3A_244, %parallel_loop3A_245], %parallel_loop3A_248 {strides = array<i32>} : memref<128x128xf32, #tpu.memory_space<vmem>>, vector<1x16xf32>,
        %parallel_loop3A_249 = arith.index_cast %parallel_loop3A_236 : i32 to index
        %parallel_loop3A_250 = arith.constant 16 : index
        %parallel_loop3A_251 = tpu.vector_load %arg8[%parallel_loop3A_249, %parallel_loop3A_250] {strides = array<i32>} : memref<128x128xf32, #tpu.memory_space<vmem>>, vector<1x16xf32>,
        %parallel_loop3A_252 = vector.shape_cast %parallel_loop3A_251 : vector<1x16xf32> to vector<16xf32>
        %parallel_loop3A_253 = arith.constant 11.3137083 : f32
        %parallel_loop3A_254 = vector.broadcast %parallel_loop3A_253 : f32 to vector<16xf32>
        %parallel_loop3A_255 = arith.mulf %parallel_loop3A_252, %parallel_loop3A_254 : vector<16xf32>
        %parallel_loop3A_256 = arith.index_cast %parallel_loop3A_236 : i32 to index
        %parallel_loop3A_257 = arith.constant 16 : index
        %parallel_loop3A_258 = tpu.vector_load %arg10[%parallel_loop3A_256, %parallel_loop3A_257] {strides = array<i32>} : memref<128x128xf32, #tpu.memory_space<vmem>>, vector<1x16xf32>,
        %parallel_loop3A_259 = vector.shape_cast %parallel_loop3A_258 : vector<1x16xf32> to vector<16xf32>
        %parallel_loop3A_260 = vector.shape_cast %parallel_loop3A_255 : vector<16xf32> to vector<1x16xf32>
        tpu.vector_store %arg10[%parallel_loop3A_256, %parallel_loop3A_257], %parallel_loop3A_260 {strides = array<i32>} : memref<128x128xf32, #tpu.memory_space<vmem>>, vector<1x16xf32>,
        %parallel_loop3A_261 = arith.index_cast %parallel_loop3A_236 : i32 to index
        %parallel_loop3A_262 = arith.constant 32 : index
        %parallel_loop3A_263 = tpu.vector_load %arg8[%parallel_loop3A_261, %parallel_loop3A_262] {strides = array<i32>} : memref<128x128xf32, #tpu.memory_space<vmem>>, vector<1x16xf32>,
        %parallel_loop3A_264 = vector.shape_cast %parallel_loop3A_263 : vector<1x16xf32> to vector<16xf32>
        %parallel_loop3A_265 = arith.constant 11.3137083 : f32
        %parallel_loop3A_266 = vector.broadcast %parallel_loop3A_265 : f32 to vector<16xf32>
        %parallel_loop3A_267 = arith.mulf %parallel_loop3A_264, %parallel_loop3A_266 : vector<16xf32>
        %parallel_loop3A_268 = arith.index_cast %parallel_loop3A_236 : i32 to index
        %parallel_loop3A_269 = arith.constant 32 : index
        %parallel_loop3A_270 = tpu.vector_load %arg10[%parallel_loop3A_268, %parallel_loop3A_269] {strides = array<i32>} : memref<128x128xf32, #tpu.memory_space<vmem>>, vector<1x16xf32>,
        %parallel_loop3A_271 = vector.shape_cast %parallel_loop3A_270 : vector<1x16xf32> to vector<16xf32>
        %parallel_loop3A_272 = vector.shape_cast %parallel_loop3A_267 : vector<16xf32> to vector<1x16xf32>
        tpu.vector_store %arg10[%parallel_loop3A_268, %parallel_loop3A_269], %parallel_loop3A_272 {strides = array<i32>} : memref<128x128xf32, #tpu.memory_space<vmem>>, vector<1x16xf32>,
        %parallel_loop3A_273 = arith.index_cast %parallel_loop3A_236 : i32 to index
        %parallel_loop3A_274 = arith.constant 48 : index
        %parallel_loop3A_275 = tpu.vector_load %arg8[%parallel_loop3A_273, %parallel_loop3A_274] {strides = array<i32>} : memref<128x128xf32, #tpu.memory_space<vmem>>, vector<1x16xf32>,
        %parallel_loop3A_276 = vector.shape_cast %parallel_loop3A_275 : vector<1x16xf32> to vector<16xf32>
        %parallel_loop3A_277 = arith.constant 11.3137083 : f32
        %parallel_loop3A_278 = vector.broadcast %parallel_loop3A_277 : f32 to vector<16xf32>
        %parallel_loop3A_279 = arith.mulf %parallel_loop3A_276, %parallel_loop3A_278 : vector<16xf32>
        %parallel_loop3A_280 = arith.index_cast %parallel_loop3A_236 : i32 to index
        %parallel_loop3A_281 = arith.constant 48 : index
        %parallel_loop3A_282 = tpu.vector_load %arg10[%parallel_loop3A_280, %parallel_loop3A_281] {strides = array<i32>} : memref<128x128xf32, #tpu.memory_space<vmem>>, vector<1x16xf32>,
        %parallel_loop3A_283 = vector.shape_cast %parallel_loop3A_282 : vector<1x16xf32> to vector<16xf32>
        %parallel_loop3A_284 = vector.shape_cast %parallel_loop3A_279 : vector<16xf32> to vector<1x16xf32>
        tpu.vector_store %arg10[%parallel_loop3A_280, %parallel_loop3A_281], %parallel_loop3A_284 {strides = array<i32>} : memref<128x128xf32, #tpu.memory_space<vmem>>, vector<1x16xf32>,
        %parallel_loop3A_285 = arith.index_cast %parallel_loop3A_236 : i32 to index
        %parallel_loop3A_286 = arith.constant 64 : index
        %parallel_loop3A_287 = tpu.vector_load %arg8[%parallel_loop3A_285, %parallel_loop3A_286] {strides = array<i32>} : memref<128x128xf32, #tpu.memory_space<vmem>>, vector<1x16xf32>,
        %parallel_loop3A_288 = vector.shape_cast %parallel_loop3A_287 : vector<1x16xf32> to vector<16xf32>
        %parallel_loop3A_289 = arith.constant 11.3137083 : f32
        %parallel_loop3A_290 = vector.broadcast %parallel_loop3A_289 : f32 to vector<16xf32>
        %parallel_loop3A_291 = arith.mulf %parallel_loop3A_288, %parallel_loop3A_290 : vector<16xf32>
        %parallel_loop3A_292 = arith.index_cast %parallel_loop3A_236 : i32 to index
        %parallel_loop3A_293 = arith.constant 64 : index
        %parallel_loop3A_294 = tpu.vector_load %arg10[%parallel_loop3A_292, %parallel_loop3A_293] {strides = array<i32>} : memref<128x128xf32, #tpu.memory_space<vmem>>, vector<1x16xf32>,
        %parallel_loop3A_295 = vector.shape_cast %parallel_loop3A_294 : vector<1x16xf32> to vector<16xf32>
        %parallel_loop3A_296 = vector.shape_cast %parallel_loop3A_291 : vector<16xf32> to vector<1x16xf32>
        tpu.vector_store %arg10[%parallel_loop3A_292, %parallel_loop3A_293], %parallel_loop3A_296 {strides = array<i32>} : memref<128x128xf32, #tpu.memory_space<vmem>>, vector<1x16xf32>,
        %parallel_loop3A_297 = arith.index_cast %parallel_loop3A_236 : i32 to index
        %parallel_loop3A_298 = arith.constant 80 : index
        %parallel_loop3A_299 = tpu.vector_load %arg8[%parallel_loop3A_297, %parallel_loop3A_298] {strides = array<i32>} : memref<128x128xf32, #tpu.memory_space<vmem>>, vector<1x16xf32>,
        %parallel_loop3A_300 = vector.shape_cast %parallel_loop3A_299 : vector<1x16xf32> to vector<16xf32>
        %parallel_loop3A_301 = arith.constant 11.3137083 : f32
        %parallel_loop3A_302 = vector.broadcast %parallel_loop3A_301 : f32 to vector<16xf32>
        %parallel_loop3A_303 = arith.mulf %parallel_loop3A_300, %parallel_loop3A_302 : vector<16xf32>
        %parallel_loop3A_304 = arith.index_cast %parallel_loop3A_236 : i32 to index
        %parallel_loop3A_305 = arith.constant 80 : index
        %parallel_loop3A_306 = tpu.vector_load %arg10[%parallel_loop3A_304, %parallel_loop3A_305] {strides = array<i32>} : memref<128x128xf32, #tpu.memory_space<vmem>>, vector<1x16xf32>,
        %parallel_loop3A_307 = vector.shape_cast %parallel_loop3A_306 : vector<1x16xf32> to vector<16xf32>
        %parallel_loop3A_308 = vector.shape_cast %parallel_loop3A_303 : vector<16xf32> to vector<1x16xf32>
        tpu.vector_store %arg10[%parallel_loop3A_304, %parallel_loop3A_305], %parallel_loop3A_308 {strides = array<i32>} : memref<128x128xf32, #tpu.memory_space<vmem>>, vector<1x16xf32>,
        %parallel_loop3A_309 = arith.index_cast %parallel_loop3A_236 : i32 to index
        %parallel_loop3A_310 = arith.constant 96 : index
        %parallel_loop3A_311 = tpu.vector_load %arg8[%parallel_loop3A_309, %parallel_loop3A_310] {strides = array<i32>} : memref<128x128xf32, #tpu.memory_space<vmem>>, vector<1x16xf32>,
        %parallel_loop3A_312 = vector.shape_cast %parallel_loop3A_311 : vector<1x16xf32> to vector<16xf32>
        %parallel_loop3A_313 = arith.constant 11.3137083 : f32
        %parallel_loop3A_314 = vector.broadcast %parallel_loop3A_313 : f32 to vector<16xf32>
        %parallel_loop3A_315 = arith.mulf %parallel_loop3A_312, %parallel_loop3A_314 : vector<16xf32>
        %parallel_loop3A_316 = arith.index_cast %parallel_loop3A_236 : i32 to index
        %parallel_loop3A_317 = arith.constant 96 : index
        %parallel_loop3A_318 = tpu.vector_load %arg10[%parallel_loop3A_316, %parallel_loop3A_317] {strides = array<i32>} : memref<128x128xf32, #tpu.memory_space<vmem>>, vector<1x16xf32>,
        %parallel_loop3A_319 = vector.shape_cast %parallel_loop3A_318 : vector<1x16xf32> to vector<16xf32>
        %parallel_loop3A_320 = vector.shape_cast %parallel_loop3A_315 : vector<16xf32> to vector<1x16xf32>
        tpu.vector_store %arg10[%parallel_loop3A_316, %parallel_loop3A_317], %parallel_loop3A_320 {strides = array<i32>} : memref<128x128xf32, #tpu.memory_space<vmem>>, vector<1x16xf32>,
        %parallel_loop3A_321 = arith.index_cast %parallel_loop3A_236 : i32 to index
        %parallel_loop3A_322 = arith.constant 112 : index
        %parallel_loop3A_323 = tpu.vector_load %arg8[%parallel_loop3A_321, %parallel_loop3A_322] {strides = array<i32>} : memref<128x128xf32, #tpu.memory_space<vmem>>, vector<1x16xf32>,
        %parallel_loop3A_324 = vector.shape_cast %parallel_loop3A_323 : vector<1x16xf32> to vector<16xf32>
        %parallel_loop3A_325 = arith.constant 11.3137083 : f32
        %parallel_loop3A_326 = vector.broadcast %parallel_loop3A_325 : f32 to vector<16xf32>
        %parallel_loop3A_327 = arith.mulf %parallel_loop3A_324, %parallel_loop3A_326 : vector<16xf32>
        %parallel_loop3A_328 = arith.index_cast %parallel_loop3A_236 : i32 to index
        %parallel_loop3A_329 = arith.constant 112 : index
        %parallel_loop3A_330 = tpu.vector_load %arg10[%parallel_loop3A_328, %parallel_loop3A_329] {strides = array<i32>} : memref<128x128xf32, #tpu.memory_space<vmem>>, vector<1x16xf32>,
        %parallel_loop3A_331 = vector.shape_cast %parallel_loop3A_330 : vector<1x16xf32> to vector<16xf32>
        %parallel_loop3A_332 = vector.shape_cast %parallel_loop3A_327 : vector<16xf32> to vector<1x16xf32>
        tpu.vector_store %arg10[%parallel_loop3A_328, %parallel_loop3A_329], %parallel_loop3A_332 {strides = array<i32>} : memref<128x128xf32, #tpu.memory_space<vmem>>, vector<1x16xf32>,
      } {sc.loop_unroll_factor = 4 : i64, sc.parallel_access}
      %dma_start3A_193 = arith.constant 0 : i32
      %dma_start3A_194 = tpu.memref_slice %arg4[%mul3A_178, %dma_start3A_193] : memref<204800x128xf32, #tpu.memory_space<hbm>> -> memref<128x128xf32, #tpu.memory_space<hbm>>
      %dma_start3A_195 = arith.constant 0 : i32
      %dma_start3A_196 = tpu.memref_slice %arg4[%mul3A_178, %dma_start3A_195] : memref<204800x128xf32, #tpu.memory_space<hbm>> -> memref<128x128xf32, #tpu.memory_space<hbm>>
      tpu.enqueue_dma source(%arg10 : memref<128x128xf32, #tpu.memory_space<vmem>>) target(%dma_start3A_196 : memref<128x128xf32, #tpu.memory_space<hbm>>) target_semaphore(%arg16 : memref<!tpu.dma_semaphore, #tpu.memory_space<semaphore_mem>>)
      %add3A_197 = arith.constant 4 : i32
      %add3A_198 = arith.addi %add3A_175, %add3A_197 : i32
      %lt3A_199 = arith.constant 50 : i32
      %lt3A_200 = arith.cmpi slt, %add3A_198, %lt3A_199 : i32
      %convert_element_type3A_201 = arith.extui %lt3A_200 : i1 to i32
      %cond3A_202 = arith.constant 0 : i32
      %cond3A_203 = arith.cmpi ne, %convert_element_type3A_201, %cond3A_202 : i32
      scf.if %cond3A_203 {
        %add3A_236 = arith.constant 4 : i32
        %add3A_237 = arith.addi %add3A_175, %add3A_236 : i32
        %dma_start3A_238 = arith.constant 0 : i32
        %dma_start3A_239 = tpu.memref_slice %arg5[%add3A_237, %dma_start3A_238] : memref<50x128xi32, #tpu.memory_space<vmem>> -> memref<1x128xi32, #tpu.memory_space<vmem>>
        %dma_start3A_240 = tpu.memref_squeeze %dma_start3A_239 : memref<1x128xi32, #tpu.memory_space<vmem>> -> memref<128xi32, #tpu.memory_space<vmem>>
        %dma_start3A_241 = arith.constant 0 : i32
        %dma_start3A_242 = arith.constant 0 : i32
        %dma_start3A_243 = tpu.memref_slice %arg2[%dma_start3A_241, %dma_start3A_242] : memref<100000x128xf32, #tpu.memory_space<hbm>> -> memref<100000x128xf32, #tpu.memory_space<hbm>>
        tpu.enqueue_indirect_dma source(%dma_start3A_243 : memref<100000x128xf32, #tpu.memory_space<hbm>>) target(%arg8 : memref<128x128xf32, #tpu.memory_space<vmem>>) offsets(%dma_start3A_240 : memref<128xi32, #tpu.memory_space<vmem>>) semaphore(%arg14 : memref<!tpu.dma_semaphore, #tpu.memory_space<semaphore_mem>>)
      } else {
      }
      %mul3A_204 = arith.constant 4 : i32
      %mul3A_205 = arith.muli %scan3A_107, %mul3A_204 : i32
      %add3A_206 = arith.constant 3 : i32
      %add3A_207 = arith.addi %mul3A_205, %add3A_206 : i32
      %add3A_208 = arith.addi %mul3A_2, %add3A_207 : i32
      %mul3A_209 = arith.constant 128 : i32
      %mul3A_210 = arith.muli %add3A_208, %mul3A_209 : i32
      %dma_wait3A_211 = arith.constant 0 : i32
      %dma_wait3A_212 = tpu.memref_slice %arg5[%add3A_207, %dma_wait3A_211] : memref<50x128xi32, #tpu.memory_space<vmem>> -> memref<1x128xi32, #tpu.memory_space<vmem>>
      %dma_wait3A_213 = tpu.memref_squeeze %dma_wait3A_212 : memref<1x128xi32, #tpu.memory_space<vmem>> -> memref<128xi32, #tpu.memory_space<vmem>>
      %dma_wait3A_214 = arith.constant 0 : i32
      %dma_wait3A_215 = arith.constant 0 : i32
      %dma_wait3A_216 = tpu.memref_slice %arg2[%dma_wait3A_214, %dma_wait3A_215] : memref<100000x128xf32, #tpu.memory_space<hbm>> -> memref<100000x128xf32, #tpu.memory_space<hbm>>
      tpu.wait_indirect_dma semaphore(%arg15 : memref<!tpu.dma_semaphore, #tpu.memory_space<semaphore_mem>>) src(%dma_wait3A_216 : memref<100000x128xf32, #tpu.memory_space<hbm>>) dst(%arg9 : memref<128x128xf32, #tpu.memory_space<vmem>>)
      %ge3A_217 = arith.constant 2 : i32
      %ge3A_218 = arith.cmpi sge, %add3A_207, %ge3A_217 : i32
      %convert_element_type3A_219 = arith.extui %ge3A_218 : i1 to i32
      %cond3A_220 = arith.constant 0 : i32
      %cond3A_221 = arith.cmpi ne, %convert_element_type3A_219, %cond3A_220 : i32
      scf.if %cond3A_221 {
        %dma_wait3A_236 = arith.constant 0 : i32
        %dma_wait3A_237 = tpu.memref_slice %arg4[%mul3A_210, %dma_wait3A_236] : memref<204800x128xf32, #tpu.memory_space<hbm>> -> memref<128x128xf32, #tpu.memory_space<hbm>>
        %dma_wait3A_238 = arith.constant 0 : i32
        %dma_wait3A_239 = tpu.memref_slice %arg4[%mul3A_210, %dma_wait3A_238] : memref<204800x128xf32, #tpu.memory_space<hbm>> -> memref<128x128xf32, #tpu.memory_space<hbm>>
        tpu.wait_dma2 semaphore(%arg17 : memref<!tpu.dma_semaphore, #tpu.memory_space<semaphore_mem>>) src(%arg11 : memref<128x128xf32, #tpu.memory_space<vmem>>) dst(%dma_wait3A_239 : memref<128x128xf32, #tpu.memory_space<hbm>>)
      } else {
      }
      %parallel_loop3A_222 = arith.constant 0 : i32
      %parallel_loop3A_223 = arith.constant 128 : i32
      %parallel_loop3A_224 = arith.constant 1 : i32
      scf.for %parallel_loop3A_236 = %parallel_loop3A_222 to %parallel_loop3A_223 step %parallel_loop3A_224  : i32 {
        %parallel_loop3A_237 = arith.index_cast %parallel_loop3A_236 : i32 to index
        %parallel_loop3A_238 = arith.constant 0 : index
        %parallel_loop3A_239 = tpu.vector_load %arg9[%parallel_loop3A_237, %parallel_loop3A_238] {strides = array<i32>} : memref<128x128xf32, #tpu.memory_space<vmem>>, vector<1x16xf32>,
        %parallel_loop3A_240 = vector.shape_cast %parallel_loop3A_239 : vector<1x16xf32> to vector<16xf32>
        %parallel_loop3A_241 = arith.constant 11.3137083 : f32
        %parallel_loop3A_242 = vector.broadcast %parallel_loop3A_241 : f32 to vector<16xf32>
        %parallel_loop3A_243 = arith.mulf %parallel_loop3A_240, %parallel_loop3A_242 : vector<16xf32>
        %parallel_loop3A_244 = arith.index_cast %parallel_loop3A_236 : i32 to index
        %parallel_loop3A_245 = arith.constant 0 : index
        %parallel_loop3A_246 = tpu.vector_load %arg11[%parallel_loop3A_244, %parallel_loop3A_245] {strides = array<i32>} : memref<128x128xf32, #tpu.memory_space<vmem>>, vector<1x16xf32>,
        %parallel_loop3A_247 = vector.shape_cast %parallel_loop3A_246 : vector<1x16xf32> to vector<16xf32>
        %parallel_loop3A_248 = vector.shape_cast %parallel_loop3A_243 : vector<16xf32> to vector<1x16xf32>
        tpu.vector_store %arg11[%parallel_loop3A_244, %parallel_loop3A_245], %parallel_loop3A_248 {strides = array<i32>} : memref<128x128xf32, #tpu.memory_space<vmem>>, vector<1x16xf32>,
        %parallel_loop3A_249 = arith.index_cast %parallel_loop3A_236 : i32 to index
        %parallel_loop3A_250 = arith.constant 16 : index
        %parallel_loop3A_251 = tpu.vector_load %arg9[%parallel_loop3A_249, %parallel_loop3A_250] {strides = array<i32>} : memref<128x128xf32, #tpu.memory_space<vmem>>, vector<1x16xf32>,
        %parallel_loop3A_252 = vector.shape_cast %parallel_loop3A_251 : vector<1x16xf32> to vector<16xf32>
        %parallel_loop3A_253 = arith.constant 11.3137083 : f32
        %parallel_loop3A_254 = vector.broadcast %parallel_loop3A_253 : f32 to vector<16xf32>
        %parallel_loop3A_255 = arith.mulf %parallel_loop3A_252, %parallel_loop3A_254 : vector<16xf32>
        %parallel_loop3A_256 = arith.index_cast %parallel_loop3A_236 : i32 to index
        %parallel_loop3A_257 = arith.constant 16 : index
        %parallel_loop3A_258 = tpu.vector_load %arg11[%parallel_loop3A_256, %parallel_loop3A_257] {strides = array<i32>} : memref<128x128xf32, #tpu.memory_space<vmem>>, vector<1x16xf32>,
        %parallel_loop3A_259 = vector.shape_cast %parallel_loop3A_258 : vector<1x16xf32> to vector<16xf32>
        %parallel_loop3A_260 = vector.shape_cast %parallel_loop3A_255 : vector<16xf32> to vector<1x16xf32>
        tpu.vector_store %arg11[%parallel_loop3A_256, %parallel_loop3A_257], %parallel_loop3A_260 {strides = array<i32>} : memref<128x128xf32, #tpu.memory_space<vmem>>, vector<1x16xf32>,
        %parallel_loop3A_261 = arith.index_cast %parallel_loop3A_236 : i32 to index
        %parallel_loop3A_262 = arith.constant 32 : index
        %parallel_loop3A_263 = tpu.vector_load %arg9[%parallel_loop3A_261, %parallel_loop3A_262] {strides = array<i32>} : memref<128x128xf32, #tpu.memory_space<vmem>>, vector<1x16xf32>,
        %parallel_loop3A_264 = vector.shape_cast %parallel_loop3A_263 : vector<1x16xf32> to vector<16xf32>
        %parallel_loop3A_265 = arith.constant 11.3137083 : f32
        %parallel_loop3A_266 = vector.broadcast %parallel_loop3A_265 : f32 to vector<16xf32>
        %parallel_loop3A_267 = arith.mulf %parallel_loop3A_264, %parallel_loop3A_266 : vector<16xf32>
        %parallel_loop3A_268 = arith.index_cast %parallel_loop3A_236 : i32 to index
        %parallel_loop3A_269 = arith.constant 32 : index
        %parallel_loop3A_270 = tpu.vector_load %arg11[%parallel_loop3A_268, %parallel_loop3A_269] {strides = array<i32>} : memref<128x128xf32, #tpu.memory_space<vmem>>, vector<1x16xf32>,
        %parallel_loop3A_271 = vector.shape_cast %parallel_loop3A_270 : vector<1x16xf32> to vector<16xf32>
        %parallel_loop3A_272 = vector.shape_cast %parallel_loop3A_267 : vector<16xf32> to vector<1x16xf32>
        tpu.vector_store %arg11[%parallel_loop3A_268, %parallel_loop3A_269], %parallel_loop3A_272 {strides = array<i32>} : memref<128x128xf32, #tpu.memory_space<vmem>>, vector<1x16xf32>,
        %parallel_loop3A_273 = arith.index_cast %parallel_loop3A_236 : i32 to index
        %parallel_loop3A_274 = arith.constant 48 : index
        %parallel_loop3A_275 = tpu.vector_load %arg9[%parallel_loop3A_273, %parallel_loop3A_274] {strides = array<i32>} : memref<128x128xf32, #tpu.memory_space<vmem>>, vector<1x16xf32>,
        %parallel_loop3A_276 = vector.shape_cast %parallel_loop3A_275 : vector<1x16xf32> to vector<16xf32>
        %parallel_loop3A_277 = arith.constant 11.3137083 : f32
        %parallel_loop3A_278 = vector.broadcast %parallel_loop3A_277 : f32 to vector<16xf32>
        %parallel_loop3A_279 = arith.mulf %parallel_loop3A_276, %parallel_loop3A_278 : vector<16xf32>
        %parallel_loop3A_280 = arith.index_cast %parallel_loop3A_236 : i32 to index
        %parallel_loop3A_281 = arith.constant 48 : index
        %parallel_loop3A_282 = tpu.vector_load %arg11[%parallel_loop3A_280, %parallel_loop3A_281] {strides = array<i32>} : memref<128x128xf32, #tpu.memory_space<vmem>>, vector<1x16xf32>,
        %parallel_loop3A_283 = vector.shape_cast %parallel_loop3A_282 : vector<1x16xf32> to vector<16xf32>
        %parallel_loop3A_284 = vector.shape_cast %parallel_loop3A_279 : vector<16xf32> to vector<1x16xf32>
        tpu.vector_store %arg11[%parallel_loop3A_280, %parallel_loop3A_281], %parallel_loop3A_284 {strides = array<i32>} : memref<128x128xf32, #tpu.memory_space<vmem>>, vector<1x16xf32>,
        %parallel_loop3A_285 = arith.index_cast %parallel_loop3A_236 : i32 to index
        %parallel_loop3A_286 = arith.constant 64 : index
        %parallel_loop3A_287 = tpu.vector_load %arg9[%parallel_loop3A_285, %parallel_loop3A_286] {strides = array<i32>} : memref<128x128xf32, #tpu.memory_space<vmem>>, vector<1x16xf32>,
        %parallel_loop3A_288 = vector.shape_cast %parallel_loop3A_287 : vector<1x16xf32> to vector<16xf32>
        %parallel_loop3A_289 = arith.constant 11.3137083 : f32
        %parallel_loop3A_290 = vector.broadcast %parallel_loop3A_289 : f32 to vector<16xf32>
        %parallel_loop3A_291 = arith.mulf %parallel_loop3A_288, %parallel_loop3A_290 : vector<16xf32>
        %parallel_loop3A_292 = arith.index_cast %parallel_loop3A_236 : i32 to index
        %parallel_loop3A_293 = arith.constant 64 : index
        %parallel_loop3A_294 = tpu.vector_load %arg11[%parallel_loop3A_292, %parallel_loop3A_293] {strides = array<i32>} : memref<128x128xf32, #tpu.memory_space<vmem>>, vector<1x16xf32>,
        %parallel_loop3A_295 = vector.shape_cast %parallel_loop3A_294 : vector<1x16xf32> to vector<16xf32>
        %parallel_loop3A_296 = vector.shape_cast %parallel_loop3A_291 : vector<16xf32> to vector<1x16xf32>
        tpu.vector_store %arg11[%parallel_loop3A_292, %parallel_loop3A_293], %parallel_loop3A_296 {strides = array<i32>} : memref<128x128xf32, #tpu.memory_space<vmem>>, vector<1x16xf32>,
        %parallel_loop3A_297 = arith.index_cast %parallel_loop3A_236 : i32 to index
        %parallel_loop3A_298 = arith.constant 80 : index
        %parallel_loop3A_299 = tpu.vector_load %arg9[%parallel_loop3A_297, %parallel_loop3A_298] {strides = array<i32>} : memref<128x128xf32, #tpu.memory_space<vmem>>, vector<1x16xf32>,
        %parallel_loop3A_300 = vector.shape_cast %parallel_loop3A_299 : vector<1x16xf32> to vector<16xf32>
        %parallel_loop3A_301 = arith.constant 11.3137083 : f32
        %parallel_loop3A_302 = vector.broadcast %parallel_loop3A_301 : f32 to vector<16xf32>
        %parallel_loop3A_303 = arith.mulf %parallel_loop3A_300, %parallel_loop3A_302 : vector<16xf32>
        %parallel_loop3A_304 = arith.index_cast %parallel_loop3A_236 : i32 to index
        %parallel_loop3A_305 = arith.constant 80 : index
        %parallel_loop3A_306 = tpu.vector_load %arg11[%parallel_loop3A_304, %parallel_loop3A_305] {strides = array<i32>} : memref<128x128xf32, #tpu.memory_space<vmem>>, vector<1x16xf32>,
        %parallel_loop3A_307 = vector.shape_cast %parallel_loop3A_306 : vector<1x16xf32> to vector<16xf32>
        %parallel_loop3A_308 = vector.shape_cast %parallel_loop3A_303 : vector<16xf32> to vector<1x16xf32>
        tpu.vector_store %arg11[%parallel_loop3A_304, %parallel_loop3A_305], %parallel_loop3A_308 {strides = array<i32>} : memref<128x128xf32, #tpu.memory_space<vmem>>, vector<1x16xf32>,
        %parallel_loop3A_309 = arith.index_cast %parallel_loop3A_236 : i32 to index
        %parallel_loop3A_310 = arith.constant 96 : index
        %parallel_loop3A_311 = tpu.vector_load %arg9[%parallel_loop3A_309, %parallel_loop3A_310] {strides = array<i32>} : memref<128x128xf32, #tpu.memory_space<vmem>>, vector<1x16xf32>,
        %parallel_loop3A_312 = vector.shape_cast %parallel_loop3A_311 : vector<1x16xf32> to vector<16xf32>
        %parallel_loop3A_313 = arith.constant 11.3137083 : f32
        %parallel_loop3A_314 = vector.broadcast %parallel_loop3A_313 : f32 to vector<16xf32>
        %parallel_loop3A_315 = arith.mulf %parallel_loop3A_312, %parallel_loop3A_314 : vector<16xf32>
        %parallel_loop3A_316 = arith.index_cast %parallel_loop3A_236 : i32 to index
        %parallel_loop3A_317 = arith.constant 96 : index
        %parallel_loop3A_318 = tpu.vector_load %arg11[%parallel_loop3A_316, %parallel_loop3A_317] {strides = array<i32>} : memref<128x128xf32, #tpu.memory_space<vmem>>, vector<1x16xf32>,
        %parallel_loop3A_319 = vector.shape_cast %parallel_loop3A_318 : vector<1x16xf32> to vector<16xf32>
        %parallel_loop3A_320 = vector.shape_cast %parallel_loop3A_315 : vector<16xf32> to vector<1x16xf32>
        tpu.vector_store %arg11[%parallel_loop3A_316, %parallel_loop3A_317], %parallel_loop3A_320 {strides = array<i32>} : memref<128x128xf32, #tpu.memory_space<vmem>>, vector<1x16xf32>,
        %parallel_loop3A_321 = arith.index_cast %parallel_loop3A_236 : i32 to index
        %parallel_loop3A_322 = arith.constant 112 : index
        %parallel_loop3A_323 = tpu.vector_load %arg9[%parallel_loop3A_321, %parallel_loop3A_322] {strides = array<i32>} : memref<128x128xf32, #tpu.memory_space<vmem>>, vector<1x16xf32>,
        %parallel_loop3A_324 = vector.shape_cast %parallel_loop3A_323 : vector<1x16xf32> to vector<16xf32>
        %parallel_loop3A_325 = arith.constant 11.3137083 : f32
        %parallel_loop3A_326 = vector.broadcast %parallel_loop3A_325 : f32 to vector<16xf32>
        %parallel_loop3A_327 = arith.mulf %parallel_loop3A_324, %parallel_loop3A_326 : vector<16xf32>
        %parallel_loop3A_328 = arith.index_cast %parallel_loop3A_236 : i32 to index
        %parallel_loop3A_329 = arith.constant 112 : index
        %parallel_loop3A_330 = tpu.vector_load %arg11[%parallel_loop3A_328, %parallel_loop3A_329] {strides = array<i32>} : memref<128x128xf32, #tpu.memory_space<vmem>>, vector<1x16xf32>,
        %parallel_loop3A_331 = vector.shape_cast %parallel_loop3A_330 : vector<1x16xf32> to vector<16xf32>
        %parallel_loop3A_332 = vector.shape_cast %parallel_loop3A_327 : vector<16xf32> to vector<1x16xf32>
        tpu.vector_store %arg11[%parallel_loop3A_328, %parallel_loop3A_329], %parallel_loop3A_332 {strides = array<i32>} : memref<128x128xf32, #tpu.memory_space<vmem>>, vector<1x16xf32>,
      } {sc.loop_unroll_factor = 4 : i64, sc.parallel_access}
      %dma_start3A_225 = arith.constant 0 : i32
      %dma_start3A_226 = tpu.memref_slice %arg4[%mul3A_210, %dma_start3A_225] : memref<204800x128xf32, #tpu.memory_space<hbm>> -> memref<128x128xf32, #tpu.memory_space<hbm>>
      %dma_start3A_227 = arith.constant 0 : i32
      %dma_start3A_228 = tpu.memref_slice %arg4[%mul3A_210, %dma_start3A_227] : memref<204800x128xf32, #tpu.memory_space<hbm>> -> memref<128x128xf32, #tpu.memory_space<hbm>>
      tpu.enqueue_dma source(%arg11 : memref<128x128xf32, #tpu.memory_space<vmem>>) target(%dma_start3A_228 : memref<128x128xf32, #tpu.memory_space<hbm>>) target_semaphore(%arg17 : memref<!tpu.dma_semaphore, #tpu.memory_space<semaphore_mem>>)
      %add3A_229 = arith.constant 4 : i32
      %add3A_230 = arith.addi %add3A_207, %add3A_229 : i32
      %lt3A_231 = arith.constant 50 : i32
      %lt3A_232 = arith.cmpi slt, %add3A_230, %lt3A_231 : i32
      %convert_element_type3A_233 = arith.extui %lt3A_232 : i1 to i32
      %cond3A_234 = arith.constant 0 : i32
      %cond3A_235 = arith.cmpi ne, %convert_element_type3A_233, %cond3A_234 : i32
      scf.if %cond3A_235 {
        %add3A_236 = arith.constant 4 : i32
        %add3A_237 = arith.addi %add3A_207, %add3A_236 : i32
        %dma_start3A_238 = arith.constant 0 : i32
        %dma_start3A_239 = tpu.memref_slice %arg5[%add3A_237, %dma_start3A_238] : memref<50x128xi32, #tpu.memory_space<vmem>> -> memref<1x128xi32, #tpu.memory_space<vmem>>
        %dma_start3A_240 = tpu.memref_squeeze %dma_start3A_239 : memref<1x128xi32, #tpu.memory_space<vmem>> -> memref<128xi32, #tpu.memory_space<vmem>>
        %dma_start3A_241 = arith.constant 0 : i32
        %dma_start3A_242 = arith.constant 0 : i32
        %dma_start3A_243 = tpu.memref_slice %arg2[%dma_start3A_241, %dma_start3A_242] : memref<100000x128xf32, #tpu.memory_space<hbm>> -> memref<100000x128xf32, #tpu.memory_space<hbm>>
        tpu.enqueue_indirect_dma source(%dma_start3A_243 : memref<100000x128xf32, #tpu.memory_space<hbm>>) target(%arg9 : memref<128x128xf32, #tpu.memory_space<vmem>>) offsets(%dma_start3A_240 : memref<128xi32, #tpu.memory_space<vmem>>) semaphore(%arg15 : memref<!tpu.dma_semaphore, #tpu.memory_space<semaphore_mem>>)
      } else {
      }
    }
    %scan3A_34 = arith.constant 12 : i32
    %add3A_35 = arith.constant 48 : i32
    %add3A_36 = arith.addi %mul3A_2, %add3A_35 : i32
    %mul3A_37 = arith.constant 128 : i32
    %mul3A_38 = arith.muli %add3A_36, %mul3A_37 : i32
    %dma_wait3A = arith.constant 48 : i32
    %dma_wait3A_39 = arith.constant 0 : i32
    %dma_wait3A_40 = tpu.memref_slice %arg5[%dma_wait3A, %dma_wait3A_39] : memref<50x128xi32, #tpu.memory_space<vmem>> -> memref<1x128xi32, #tpu.memory_space<vmem>>
    %dma_wait3A_41 = tpu.memref_squeeze %dma_wait3A_40 : memref<1x128xi32, #tpu.memory_space<vmem>> -> memref<128xi32, #tpu.memory_space<vmem>>
    %dma_wait3A_42 = arith.constant 0 : i32
    %dma_wait3A_43 = arith.constant 0 : i32
    %dma_wait3A_44 = tpu.memref_slice %arg2[%dma_wait3A_42, %dma_wait3A_43] : memref<100000x128xf32, #tpu.memory_space<hbm>> -> memref<100000x128xf32, #tpu.memory_space<hbm>>
    tpu.wait_indirect_dma semaphore(%arg12 : memref<!tpu.dma_semaphore, #tpu.memory_space<semaphore_mem>>) src(%dma_wait3A_44 : memref<100000x128xf32, #tpu.memory_space<hbm>>) dst(%arg6 : memref<128x128xf32, #tpu.memory_space<vmem>>)
    %ge3A = arith.constant 48 : i32
    %ge3A_45 = arith.constant 2 : i32
    %ge3A_46 = arith.cmpi sge, %ge3A, %ge3A_45 : i32
    %convert_element_type3A = arith.extui %ge3A_46 : i1 to i32
    %cond3A = arith.constant 0 : i32
    %cond3A_47 = arith.cmpi ne, %convert_element_type3A, %cond3A : i32
    scf.if %cond3A_47 {
      %dma_wait3A_107 = arith.constant 0 : i32
      %dma_wait3A_108 = tpu.memref_slice %arg4[%mul3A_38, %dma_wait3A_107] : memref<204800x128xf32, #tpu.memory_space<hbm>> -> memref<128x128xf32, #tpu.memory_space<hbm>>
      %dma_wait3A_109 = arith.constant 0 : i32
      %dma_wait3A_110 = tpu.memref_slice %arg4[%mul3A_38, %dma_wait3A_109] : memref<204800x128xf32, #tpu.memory_space<hbm>> -> memref<128x128xf32, #tpu.memory_space<hbm>>
      tpu.wait_dma2 semaphore(%arg16 : memref<!tpu.dma_semaphore, #tpu.memory_space<semaphore_mem>>) src(%arg10 : memref<128x128xf32, #tpu.memory_space<vmem>>) dst(%dma_wait3A_110 : memref<128x128xf32, #tpu.memory_space<hbm>>)
    } else {
    }
    %parallel_loop3A = arith.constant 0 : i32
    %parallel_loop3A_48 = arith.constant 128 : i32
    %parallel_loop3A_49 = arith.constant 1 : i32
    scf.for %parallel_loop3A_107 = %parallel_loop3A to %parallel_loop3A_48 step %parallel_loop3A_49  : i32 {
      %parallel_loop3A_108 = arith.index_cast %parallel_loop3A_107 : i32 to index
      %parallel_loop3A_109 = arith.constant 0 : index
      %parallel_loop3A_110 = tpu.vector_load %arg6[%parallel_loop3A_108, %parallel_loop3A_109] {strides = array<i32>} : memref<128x128xf32, #tpu.memory_space<vmem>>, vector<1x16xf32>,
      %parallel_loop3A_111 = vector.shape_cast %parallel_loop3A_110 : vector<1x16xf32> to vector<16xf32>
      %parallel_loop3A_112 = arith.constant 11.3137083 : f32
      %parallel_loop3A_113 = vector.broadcast %parallel_loop3A_112 : f32 to vector<16xf32>
      %parallel_loop3A_114 = arith.mulf %parallel_loop3A_111, %parallel_loop3A_113 : vector<16xf32>
      %parallel_loop3A_115 = arith.index_cast %parallel_loop3A_107 : i32 to index
      %parallel_loop3A_116 = arith.constant 0 : index
      %parallel_loop3A_117 = tpu.vector_load %arg10[%parallel_loop3A_115, %parallel_loop3A_116] {strides = array<i32>} : memref<128x128xf32, #tpu.memory_space<vmem>>, vector<1x16xf32>,
      %parallel_loop3A_118 = vector.shape_cast %parallel_loop3A_117 : vector<1x16xf32> to vector<16xf32>
      %parallel_loop3A_119 = vector.shape_cast %parallel_loop3A_114 : vector<16xf32> to vector<1x16xf32>
      tpu.vector_store %arg10[%parallel_loop3A_115, %parallel_loop3A_116], %parallel_loop3A_119 {strides = array<i32>} : memref<128x128xf32, #tpu.memory_space<vmem>>, vector<1x16xf32>,
      %parallel_loop3A_120 = arith.index_cast %parallel_loop3A_107 : i32 to index
      %parallel_loop3A_121 = arith.constant 16 : index
      %parallel_loop3A_122 = tpu.vector_load %arg6[%parallel_loop3A_120, %parallel_loop3A_121] {strides = array<i32>} : memref<128x128xf32, #tpu.memory_space<vmem>>, vector<1x16xf32>,
      %parallel_loop3A_123 = vector.shape_cast %parallel_loop3A_122 : vector<1x16xf32> to vector<16xf32>
      %parallel_loop3A_124 = arith.constant 11.3137083 : f32
      %parallel_loop3A_125 = vector.broadcast %parallel_loop3A_124 : f32 to vector<16xf32>
      %parallel_loop3A_126 = arith.mulf %parallel_loop3A_123, %parallel_loop3A_125 : vector<16xf32>
      %parallel_loop3A_127 = arith.index_cast %parallel_loop3A_107 : i32 to index
      %parallel_loop3A_128 = arith.constant 16 : index
      %parallel_loop3A_129 = tpu.vector_load %arg10[%parallel_loop3A_127, %parallel_loop3A_128] {strides = array<i32>} : memref<128x128xf32, #tpu.memory_space<vmem>>, vector<1x16xf32>,
      %parallel_loop3A_130 = vector.shape_cast %parallel_loop3A_129 : vector<1x16xf32> to vector<16xf32>
      %parallel_loop3A_131 = vector.shape_cast %parallel_loop3A_126 : vector<16xf32> to vector<1x16xf32>
      tpu.vector_store %arg10[%parallel_loop3A_127, %parallel_loop3A_128], %parallel_loop3A_131 {strides = array<i32>} : memref<128x128xf32, #tpu.memory_space<vmem>>, vector<1x16xf32>,
      %parallel_loop3A_132 = arith.index_cast %parallel_loop3A_107 : i32 to index
      %parallel_loop3A_133 = arith.constant 32 : index
      %parallel_loop3A_134 = tpu.vector_load %arg6[%parallel_loop3A_132, %parallel_loop3A_133] {strides = array<i32>} : memref<128x128xf32, #tpu.memory_space<vmem>>, vector<1x16xf32>,
      %parallel_loop3A_135 = vector.shape_cast %parallel_loop3A_134 : vector<1x16xf32> to vector<16xf32>
      %parallel_loop3A_136 = arith.constant 11.3137083 : f32
      %parallel_loop3A_137 = vector.broadcast %parallel_loop3A_136 : f32 to vector<16xf32>
      %parallel_loop3A_138 = arith.mulf %parallel_loop3A_135, %parallel_loop3A_137 : vector<16xf32>
      %parallel_loop3A_139 = arith.index_cast %parallel_loop3A_107 : i32 to index
      %parallel_loop3A_140 = arith.constant 32 : index
      %parallel_loop3A_141 = tpu.vector_load %arg10[%parallel_loop3A_139, %parallel_loop3A_140] {strides = array<i32>} : memref<128x128xf32, #tpu.memory_space<vmem>>, vector<1x16xf32>,
      %parallel_loop3A_142 = vector.shape_cast %parallel_loop3A_141 : vector<1x16xf32> to vector<16xf32>
      %parallel_loop3A_143 = vector.shape_cast %parallel_loop3A_138 : vector<16xf32> to vector<1x16xf32>
      tpu.vector_store %arg10[%parallel_loop3A_139, %parallel_loop3A_140], %parallel_loop3A_143 {strides = array<i32>} : memref<128x128xf32, #tpu.memory_space<vmem>>, vector<1x16xf32>,
      %parallel_loop3A_144 = arith.index_cast %parallel_loop3A_107 : i32 to index
      %parallel_loop3A_145 = arith.constant 48 : index
      %parallel_loop3A_146 = tpu.vector_load %arg6[%parallel_loop3A_144, %parallel_loop3A_145] {strides = array<i32>} : memref<128x128xf32, #tpu.memory_space<vmem>>, vector<1x16xf32>,
      %parallel_loop3A_147 = vector.shape_cast %parallel_loop3A_146 : vector<1x16xf32> to vector<16xf32>
      %parallel_loop3A_148 = arith.constant 11.3137083 : f32
      %parallel_loop3A_149 = vector.broadcast %parallel_loop3A_148 : f32 to vector<16xf32>
      %parallel_loop3A_150 = arith.mulf %parallel_loop3A_147, %parallel_loop3A_149 : vector<16xf32>
      %parallel_loop3A_151 = arith.index_cast %parallel_loop3A_107 : i32 to index
      %parallel_loop3A_152 = arith.constant 48 : index
      %parallel_loop3A_153 = tpu.vector_load %arg10[%parallel_loop3A_151, %parallel_loop3A_152] {strides = array<i32>} : memref<128x128xf32, #tpu.memory_space<vmem>>, vector<1x16xf32>,
      %parallel_loop3A_154 = vector.shape_cast %parallel_loop3A_153 : vector<1x16xf32> to vector<16xf32>
      %parallel_loop3A_155 = vector.shape_cast %parallel_loop3A_150 : vector<16xf32> to vector<1x16xf32>
      tpu.vector_store %arg10[%parallel_loop3A_151, %parallel_loop3A_152], %parallel_loop3A_155 {strides = array<i32>} : memref<128x128xf32, #tpu.memory_space<vmem>>, vector<1x16xf32>,
      %parallel_loop3A_156 = arith.index_cast %parallel_loop3A_107 : i32 to index
      %parallel_loop3A_157 = arith.constant 64 : index
      %parallel_loop3A_158 = tpu.vector_load %arg6[%parallel_loop3A_156, %parallel_loop3A_157] {strides = array<i32>} : memref<128x128xf32, #tpu.memory_space<vmem>>, vector<1x16xf32>,
      %parallel_loop3A_159 = vector.shape_cast %parallel_loop3A_158 : vector<1x16xf32> to vector<16xf32>
      %parallel_loop3A_160 = arith.constant 11.3137083 : f32
      %parallel_loop3A_161 = vector.broadcast %parallel_loop3A_160 : f32 to vector<16xf32>
      %parallel_loop3A_162 = arith.mulf %parallel_loop3A_159, %parallel_loop3A_161 : vector<16xf32>
      %parallel_loop3A_163 = arith.index_cast %parallel_loop3A_107 : i32 to index
      %parallel_loop3A_164 = arith.constant 64 : index
      %parallel_loop3A_165 = tpu.vector_load %arg10[%parallel_loop3A_163, %parallel_loop3A_164] {strides = array<i32>} : memref<128x128xf32, #tpu.memory_space<vmem>>, vector<1x16xf32>,
      %parallel_loop3A_166 = vector.shape_cast %parallel_loop3A_165 : vector<1x16xf32> to vector<16xf32>
      %parallel_loop3A_167 = vector.shape_cast %parallel_loop3A_162 : vector<16xf32> to vector<1x16xf32>
      tpu.vector_store %arg10[%parallel_loop3A_163, %parallel_loop3A_164], %parallel_loop3A_167 {strides = array<i32>} : memref<128x128xf32, #tpu.memory_space<vmem>>, vector<1x16xf32>,
      %parallel_loop3A_168 = arith.index_cast %parallel_loop3A_107 : i32 to index
      %parallel_loop3A_169 = arith.constant 80 : index
      %parallel_loop3A_170 = tpu.vector_load %arg6[%parallel_loop3A_168, %parallel_loop3A_169] {strides = array<i32>} : memref<128x128xf32, #tpu.memory_space<vmem>>, vector<1x16xf32>,
      %parallel_loop3A_171 = vector.shape_cast %parallel_loop3A_170 : vector<1x16xf32> to vector<16xf32>
      %parallel_loop3A_172 = arith.constant 11.3137083 : f32
      %parallel_loop3A_173 = vector.broadcast %parallel_loop3A_172 : f32 to vector<16xf32>
      %parallel_loop3A_174 = arith.mulf %parallel_loop3A_171, %parallel_loop3A_173 : vector<16xf32>
      %parallel_loop3A_175 = arith.index_cast %parallel_loop3A_107 : i32 to index
      %parallel_loop3A_176 = arith.constant 80 : index
      %parallel_loop3A_177 = tpu.vector_load %arg10[%parallel_loop3A_175, %parallel_loop3A_176] {strides = array<i32>} : memref<128x128xf32, #tpu.memory_space<vmem>>, vector<1x16xf32>,
      %parallel_loop3A_178 = vector.shape_cast %parallel_loop3A_177 : vector<1x16xf32> to vector<16xf32>
      %parallel_loop3A_179 = vector.shape_cast %parallel_loop3A_174 : vector<16xf32> to vector<1x16xf32>
      tpu.vector_store %arg10[%parallel_loop3A_175, %parallel_loop3A_176], %parallel_loop3A_179 {strides = array<i32>} : memref<128x128xf32, #tpu.memory_space<vmem>>, vector<1x16xf32>,
      %parallel_loop3A_180 = arith.index_cast %parallel_loop3A_107 : i32 to index
      %parallel_loop3A_181 = arith.constant 96 : index
      %parallel_loop3A_182 = tpu.vector_load %arg6[%parallel_loop3A_180, %parallel_loop3A_181] {strides = array<i32>} : memref<128x128xf32, #tpu.memory_space<vmem>>, vector<1x16xf32>,
      %parallel_loop3A_183 = vector.shape_cast %parallel_loop3A_182 : vector<1x16xf32> to vector<16xf32>
      %parallel_loop3A_184 = arith.constant 11.3137083 : f32
      %parallel_loop3A_185 = vector.broadcast %parallel_loop3A_184 : f32 to vector<16xf32>
      %parallel_loop3A_186 = arith.mulf %parallel_loop3A_183, %parallel_loop3A_185 : vector<16xf32>
      %parallel_loop3A_187 = arith.index_cast %parallel_loop3A_107 : i32 to index
      %parallel_loop3A_188 = arith.constant 96 : index
      %parallel_loop3A_189 = tpu.vector_load %arg10[%parallel_loop3A_187, %parallel_loop3A_188] {strides = array<i32>} : memref<128x128xf32, #tpu.memory_space<vmem>>, vector<1x16xf32>,
      %parallel_loop3A_190 = vector.shape_cast %parallel_loop3A_189 : vector<1x16xf32> to vector<16xf32>
      %parallel_loop3A_191 = vector.shape_cast %parallel_loop3A_186 : vector<16xf32> to vector<1x16xf32>
      tpu.vector_store %arg10[%parallel_loop3A_187, %parallel_loop3A_188], %parallel_loop3A_191 {strides = array<i32>} : memref<128x128xf32, #tpu.memory_space<vmem>>, vector<1x16xf32>,
      %parallel_loop3A_192 = arith.index_cast %parallel_loop3A_107 : i32 to index
      %parallel_loop3A_193 = arith.constant 112 : index
      %parallel_loop3A_194 = tpu.vector_load %arg6[%parallel_loop3A_192, %parallel_loop3A_193] {strides = array<i32>} : memref<128x128xf32, #tpu.memory_space<vmem>>, vector<1x16xf32>,
      %parallel_loop3A_195 = vector.shape_cast %parallel_loop3A_194 : vector<1x16xf32> to vector<16xf32>
      %parallel_loop3A_196 = arith.constant 11.3137083 : f32
      %parallel_loop3A_197 = vector.broadcast %parallel_loop3A_196 : f32 to vector<16xf32>
      %parallel_loop3A_198 = arith.mulf %parallel_loop3A_195, %parallel_loop3A_197 : vector<16xf32>
      %parallel_loop3A_199 = arith.index_cast %parallel_loop3A_107 : i32 to index
      %parallel_loop3A_200 = arith.constant 112 : index
      %parallel_loop3A_201 = tpu.vector_load %arg10[%parallel_loop3A_199, %parallel_loop3A_200] {strides = array<i32>} : memref<128x128xf32, #tpu.memory_space<vmem>>, vector<1x16xf32>,
      %parallel_loop3A_202 = vector.shape_cast %parallel_loop3A_201 : vector<1x16xf32> to vector<16xf32>
      %parallel_loop3A_203 = vector.shape_cast %parallel_loop3A_198 : vector<16xf32> to vector<1x16xf32>
      tpu.vector_store %arg10[%parallel_loop3A_199, %parallel_loop3A_200], %parallel_loop3A_203 {strides = array<i32>} : memref<128x128xf32, #tpu.memory_space<vmem>>, vector<1x16xf32>,
    } {sc.loop_unroll_factor = 4 : i64, sc.parallel_access}
    %dma_start3A_50 = arith.constant 0 : i32
    %dma_start3A_51 = tpu.memref_slice %arg4[%mul3A_38, %dma_start3A_50] : memref<204800x128xf32, #tpu.memory_space<hbm>> -> memref<128x128xf32, #tpu.memory_space<hbm>>
    %dma_start3A_52 = arith.constant 0 : i32
    %dma_start3A_53 = tpu.memref_slice %arg4[%mul3A_38, %dma_start3A_52] : memref<204800x128xf32, #tpu.memory_space<hbm>> -> memref<128x128xf32, #tpu.memory_space<hbm>>
    tpu.enqueue_dma source(%arg10 : memref<128x128xf32, #tpu.memory_space<vmem>>) target(%dma_start3A_53 : memref<128x128xf32, #tpu.memory_space<hbm>>) target_semaphore(%arg16 : memref<!tpu.dma_semaphore, #tpu.memory_space<semaphore_mem>>)
    %add3A_54 = arith.constant 48 : i32
    %add3A_55 = arith.constant 4 : i32
    %add3A_56 = arith.addi %add3A_54, %add3A_55 : i32
    %lt3A = arith.constant 50 : i32
    %lt3A_57 = arith.cmpi slt, %add3A_56, %lt3A : i32
    %convert_element_type3A_58 = arith.extui %lt3A_57 : i1 to i32
    %cond3A_59 = arith.constant 48 : i32
    %cond3A_60 = arith.constant 0 : i32
    %cond3A_61 = arith.cmpi ne, %convert_element_type3A_58, %cond3A_60 : i32
    scf.if %cond3A_61 {
      %add3A_107 = arith.constant 4 : i32
      %add3A_108 = arith.addi %cond3A_59, %add3A_107 : i32
      %dma_start3A_109 = arith.constant 0 : i32
      %dma_start3A_110 = tpu.memref_slice %arg5[%add3A_108, %dma_start3A_109] : memref<50x128xi32, #tpu.memory_space<vmem>> -> memref<1x128xi32, #tpu.memory_space<vmem>>
      %dma_start3A_111 = tpu.memref_squeeze %dma_start3A_110 : memref<1x128xi32, #tpu.memory_space<vmem>> -> memref<128xi32, #tpu.memory_space<vmem>>
      %dma_start3A_112 = arith.constant 0 : i32
      %dma_start3A_113 = arith.constant 0 : i32
      %dma_start3A_114 = tpu.memref_slice %arg2[%dma_start3A_112, %dma_start3A_113] : memref<100000x128xf32, #tpu.memory_space<hbm>> -> memref<100000x128xf32, #tpu.memory_space<hbm>>
      tpu.enqueue_indirect_dma source(%dma_start3A_114 : memref<100000x128xf32, #tpu.memory_space<hbm>>) target(%arg6 : memref<128x128xf32, #tpu.memory_space<vmem>>) offsets(%dma_start3A_111 : memref<128xi32, #tpu.memory_space<vmem>>) semaphore(%arg12 : memref<!tpu.dma_semaphore, #tpu.memory_space<semaphore_mem>>)
    } else {
    }
    %add3A_62 = arith.constant 49 : i32
    %add3A_63 = arith.addi %mul3A_2, %add3A_62 : i32
    %mul3A_64 = arith.constant 128 : i32
    %mul3A_65 = arith.muli %add3A_63, %mul3A_64 : i32
    %dma_wait3A_66 = arith.constant 49 : i32
    %dma_wait3A_67 = arith.constant 0 : i32
    %dma_wait3A_68 = tpu.memref_slice %arg5[%dma_wait3A_66, %dma_wait3A_67] : memref<50x128xi32, #tpu.memory_space<vmem>> -> memref<1x128xi32, #tpu.memory_space<vmem>>
    %dma_wait3A_69 = tpu.memref_squeeze %dma_wait3A_68 : memref<1x128xi32, #tpu.memory_space<vmem>> -> memref<128xi32, #tpu.memory_space<vmem>>
    %dma_wait3A_70 = arith.constant 0 : i32
    %dma_wait3A_71 = arith.constant 0 : i32
    %dma_wait3A_72 = tpu.memref_slice %arg2[%dma_wait3A_70, %dma_wait3A_71] : memref<100000x128xf32, #tpu.memory_space<hbm>> -> memref<100000x128xf32, #tpu.memory_space<hbm>>
    tpu.wait_indirect_dma semaphore(%arg13 : memref<!tpu.dma_semaphore, #tpu.memory_space<semaphore_mem>>) src(%dma_wait3A_72 : memref<100000x128xf32, #tpu.memory_space<hbm>>) dst(%arg7 : memref<128x128xf32, #tpu.memory_space<vmem>>)
    %ge3A_73 = arith.constant 49 : i32
    %ge3A_74 = arith.constant 2 : i32
    %ge3A_75 = arith.cmpi sge, %ge3A_73, %ge3A_74 : i32
    %convert_element_type3A_76 = arith.extui %ge3A_75 : i1 to i32
    %cond3A_77 = arith.constant 0 : i32
    %cond3A_78 = arith.cmpi ne, %convert_element_type3A_76, %cond3A_77 : i32
    scf.if %cond3A_78 {
      %dma_wait3A_107 = arith.constant 0 : i32
      %dma_wait3A_108 = tpu.memref_slice %arg4[%mul3A_65, %dma_wait3A_107] : memref<204800x128xf32, #tpu.memory_space<hbm>> -> memref<128x128xf32, #tpu.memory_space<hbm>>
      %dma_wait3A_109 = arith.constant 0 : i32
      %dma_wait3A_110 = tpu.memref_slice %arg4[%mul3A_65, %dma_wait3A_109] : memref<204800x128xf32, #tpu.memory_space<hbm>> -> memref<128x128xf32, #tpu.memory_space<hbm>>
      tpu.wait_dma2 semaphore(%arg17 : memref<!tpu.dma_semaphore, #tpu.memory_space<semaphore_mem>>) src(%arg11 : memref<128x128xf32, #tpu.memory_space<vmem>>) dst(%dma_wait3A_110 : memref<128x128xf32, #tpu.memory_space<hbm>>)
    } else {
    }
    %parallel_loop3A_79 = arith.constant 0 : i32
    %parallel_loop3A_80 = arith.constant 128 : i32
    %parallel_loop3A_81 = arith.constant 1 : i32
    scf.for %parallel_loop3A_107 = %parallel_loop3A_79 to %parallel_loop3A_80 step %parallel_loop3A_81  : i32 {
      %parallel_loop3A_108 = arith.index_cast %parallel_loop3A_107 : i32 to index
      %parallel_loop3A_109 = arith.constant 0 : index
      %parallel_loop3A_110 = tpu.vector_load %arg7[%parallel_loop3A_108, %parallel_loop3A_109] {strides = array<i32>} : memref<128x128xf32, #tpu.memory_space<vmem>>, vector<1x16xf32>,
      %parallel_loop3A_111 = vector.shape_cast %parallel_loop3A_110 : vector<1x16xf32> to vector<16xf32>
      %parallel_loop3A_112 = arith.constant 11.3137083 : f32
      %parallel_loop3A_113 = vector.broadcast %parallel_loop3A_112 : f32 to vector<16xf32>
      %parallel_loop3A_114 = arith.mulf %parallel_loop3A_111, %parallel_loop3A_113 : vector<16xf32>
      %parallel_loop3A_115 = arith.index_cast %parallel_loop3A_107 : i32 to index
      %parallel_loop3A_116 = arith.constant 0 : index
      %parallel_loop3A_117 = tpu.vector_load %arg11[%parallel_loop3A_115, %parallel_loop3A_116] {strides = array<i32>} : memref<128x128xf32, #tpu.memory_space<vmem>>, vector<1x16xf32>,
      %parallel_loop3A_118 = vector.shape_cast %parallel_loop3A_117 : vector<1x16xf32> to vector<16xf32>
      %parallel_loop3A_119 = vector.shape_cast %parallel_loop3A_114 : vector<16xf32> to vector<1x16xf32>
      tpu.vector_store %arg11[%parallel_loop3A_115, %parallel_loop3A_116], %parallel_loop3A_119 {strides = array<i32>} : memref<128x128xf32, #tpu.memory_space<vmem>>, vector<1x16xf32>,
      %parallel_loop3A_120 = arith.index_cast %parallel_loop3A_107 : i32 to index
      %parallel_loop3A_121 = arith.constant 16 : index
      %parallel_loop3A_122 = tpu.vector_load %arg7[%parallel_loop3A_120, %parallel_loop3A_121] {strides = array<i32>} : memref<128x128xf32, #tpu.memory_space<vmem>>, vector<1x16xf32>,
      %parallel_loop3A_123 = vector.shape_cast %parallel_loop3A_122 : vector<1x16xf32> to vector<16xf32>
      %parallel_loop3A_124 = arith.constant 11.3137083 : f32
      %parallel_loop3A_125 = vector.broadcast %parallel_loop3A_124 : f32 to vector<16xf32>
      %parallel_loop3A_126 = arith.mulf %parallel_loop3A_123, %parallel_loop3A_125 : vector<16xf32>
      %parallel_loop3A_127 = arith.index_cast %parallel_loop3A_107 : i32 to index
      %parallel_loop3A_128 = arith.constant 16 : index
      %parallel_loop3A_129 = tpu.vector_load %arg11[%parallel_loop3A_127, %parallel_loop3A_128] {strides = array<i32>} : memref<128x128xf32, #tpu.memory_space<vmem>>, vector<1x16xf32>,
      %parallel_loop3A_130 = vector.shape_cast %parallel_loop3A_129 : vector<1x16xf32> to vector<16xf32>
      %parallel_loop3A_131 = vector.shape_cast %parallel_loop3A_126 : vector<16xf32> to vector<1x16xf32>
      tpu.vector_store %arg11[%parallel_loop3A_127, %parallel_loop3A_128], %parallel_loop3A_131 {strides = array<i32>} : memref<128x128xf32, #tpu.memory_space<vmem>>, vector<1x16xf32>,
      %parallel_loop3A_132 = arith.index_cast %parallel_loop3A_107 : i32 to index
      %parallel_loop3A_133 = arith.constant 32 : index
      %parallel_loop3A_134 = tpu.vector_load %arg7[%parallel_loop3A_132, %parallel_loop3A_133] {strides = array<i32>} : memref<128x128xf32, #tpu.memory_space<vmem>>, vector<1x16xf32>,
      %parallel_loop3A_135 = vector.shape_cast %parallel_loop3A_134 : vector<1x16xf32> to vector<16xf32>
      %parallel_loop3A_136 = arith.constant 11.3137083 : f32
      %parallel_loop3A_137 = vector.broadcast %parallel_loop3A_136 : f32 to vector<16xf32>
      %parallel_loop3A_138 = arith.mulf %parallel_loop3A_135, %parallel_loop3A_137 : vector<16xf32>
      %parallel_loop3A_139 = arith.index_cast %parallel_loop3A_107 : i32 to index
      %parallel_loop3A_140 = arith.constant 32 : index
      %parallel_loop3A_141 = tpu.vector_load %arg11[%parallel_loop3A_139, %parallel_loop3A_140] {strides = array<i32>} : memref<128x128xf32, #tpu.memory_space<vmem>>, vector<1x16xf32>,
      %parallel_loop3A_142 = vector.shape_cast %parallel_loop3A_141 : vector<1x16xf32> to vector<16xf32>
      %parallel_loop3A_143 = vector.shape_cast %parallel_loop3A_138 : vector<16xf32> to vector<1x16xf32>
      tpu.vector_store %arg11[%parallel_loop3A_139, %parallel_loop3A_140], %parallel_loop3A_143 {strides = array<i32>} : memref<128x128xf32, #tpu.memory_space<vmem>>, vector<1x16xf32>,
      %parallel_loop3A_144 = arith.index_cast %parallel_loop3A_107 : i32 to index
      %parallel_loop3A_145 = arith.constant 48 : index
      %parallel_loop3A_146 = tpu.vector_load %arg7[%parallel_loop3A_144, %parallel_loop3A_145] {strides = array<i32>} : memref<128x128xf32, #tpu.memory_space<vmem>>, vector<1x16xf32>,
      %parallel_loop3A_147 = vector.shape_cast %parallel_loop3A_146 : vector<1x16xf32> to vector<16xf32>
      %parallel_loop3A_148 = arith.constant 11.3137083 : f32
      %parallel_loop3A_149 = vector.broadcast %parallel_loop3A_148 : f32 to vector<16xf32>
      %parallel_loop3A_150 = arith.mulf %parallel_loop3A_147, %parallel_loop3A_149 : vector<16xf32>
      %parallel_loop3A_151 = arith.index_cast %parallel_loop3A_107 : i32 to index
      %parallel_loop3A_152 = arith.constant 48 : index
      %parallel_loop3A_153 = tpu.vector_load %arg11[%parallel_loop3A_151, %parallel_loop3A_152] {strides = array<i32>} : memref<128x128xf32, #tpu.memory_space<vmem>>, vector<1x16xf32>,
      %parallel_loop3A_154 = vector.shape_cast %parallel_loop3A_153 : vector<1x16xf32> to vector<16xf32>
      %parallel_loop3A_155 = vector.shape_cast %parallel_loop3A_150 : vector<16xf32> to vector<1x16xf32>
      tpu.vector_store %arg11[%parallel_loop3A_151, %parallel_loop3A_152], %parallel_loop3A_155 {strides = array<i32>} : memref<128x128xf32, #tpu.memory_space<vmem>>, vector<1x16xf32>,
      %parallel_loop3A_156 = arith.index_cast %parallel_loop3A_107 : i32 to index
      %parallel_loop3A_157 = arith.constant 64 : index
      %parallel_loop3A_158 = tpu.vector_load %arg7[%parallel_loop3A_156, %parallel_loop3A_157] {strides = array<i32>} : memref<128x128xf32, #tpu.memory_space<vmem>>, vector<1x16xf32>,
      %parallel_loop3A_159 = vector.shape_cast %parallel_loop3A_158 : vector<1x16xf32> to vector<16xf32>
      %parallel_loop3A_160 = arith.constant 11.3137083 : f32
      %parallel_loop3A_161 = vector.broadcast %parallel_loop3A_160 : f32 to vector<16xf32>
      %parallel_loop3A_162 = arith.mulf %parallel_loop3A_159, %parallel_loop3A_161 : vector<16xf32>
      %parallel_loop3A_163 = arith.index_cast %parallel_loop3A_107 : i32 to index
      %parallel_loop3A_164 = arith.constant 64 : index
      %parallel_loop3A_165 = tpu.vector_load %arg11[%parallel_loop3A_163, %parallel_loop3A_164] {strides = array<i32>} : memref<128x128xf32, #tpu.memory_space<vmem>>, vector<1x16xf32>,
      %parallel_loop3A_166 = vector.shape_cast %parallel_loop3A_165 : vector<1x16xf32> to vector<16xf32>
      %parallel_loop3A_167 = vector.shape_cast %parallel_loop3A_162 : vector<16xf32> to vector<1x16xf32>
      tpu.vector_store %arg11[%parallel_loop3A_163, %parallel_loop3A_164], %parallel_loop3A_167 {strides = array<i32>} : memref<128x128xf32, #tpu.memory_space<vmem>>, vector<1x16xf32>,
      %parallel_loop3A_168 = arith.index_cast %parallel_loop3A_107 : i32 to index
      %parallel_loop3A_169 = arith.constant 80 : index
      %parallel_loop3A_170 = tpu.vector_load %arg7[%parallel_loop3A_168, %parallel_loop3A_169] {strides = array<i32>} : memref<128x128xf32, #tpu.memory_space<vmem>>, vector<1x16xf32>,
      %parallel_loop3A_171 = vector.shape_cast %parallel_loop3A_170 : vector<1x16xf32> to vector<16xf32>
      %parallel_loop3A_172 = arith.constant 11.3137083 : f32
      %parallel_loop3A_173 = vector.broadcast %parallel_loop3A_172 : f32 to vector<16xf32>
      %parallel_loop3A_174 = arith.mulf %parallel_loop3A_171, %parallel_loop3A_173 : vector<16xf32>
      %parallel_loop3A_175 = arith.index_cast %parallel_loop3A_107 : i32 to index
      %parallel_loop3A_176 = arith.constant 80 : index
      %parallel_loop3A_177 = tpu.vector_load %arg11[%parallel_loop3A_175, %parallel_loop3A_176] {strides = array<i32>} : memref<128x128xf32, #tpu.memory_space<vmem>>, vector<1x16xf32>,
      %parallel_loop3A_178 = vector.shape_cast %parallel_loop3A_177 : vector<1x16xf32> to vector<16xf32>
      %parallel_loop3A_179 = vector.shape_cast %parallel_loop3A_174 : vector<16xf32> to vector<1x16xf32>
      tpu.vector_store %arg11[%parallel_loop3A_175, %parallel_loop3A_176], %parallel_loop3A_179 {strides = array<i32>} : memref<128x128xf32, #tpu.memory_space<vmem>>, vector<1x16xf32>,
      %parallel_loop3A_180 = arith.index_cast %parallel_loop3A_107 : i32 to index
      %parallel_loop3A_181 = arith.constant 96 : index
      %parallel_loop3A_182 = tpu.vector_load %arg7[%parallel_loop3A_180, %parallel_loop3A_181] {strides = array<i32>} : memref<128x128xf32, #tpu.memory_space<vmem>>, vector<1x16xf32>,
      %parallel_loop3A_183 = vector.shape_cast %parallel_loop3A_182 : vector<1x16xf32> to vector<16xf32>
      %parallel_loop3A_184 = arith.constant 11.3137083 : f32
      %parallel_loop3A_185 = vector.broadcast %parallel_loop3A_184 : f32 to vector<16xf32>
      %parallel_loop3A_186 = arith.mulf %parallel_loop3A_183, %parallel_loop3A_185 : vector<16xf32>
      %parallel_loop3A_187 = arith.index_cast %parallel_loop3A_107 : i32 to index
      %parallel_loop3A_188 = arith.constant 96 : index
      %parallel_loop3A_189 = tpu.vector_load %arg11[%parallel_loop3A_187, %parallel_loop3A_188] {strides = array<i32>} : memref<128x128xf32, #tpu.memory_space<vmem>>, vector<1x16xf32>,
      %parallel_loop3A_190 = vector.shape_cast %parallel_loop3A_189 : vector<1x16xf32> to vector<16xf32>
      %parallel_loop3A_191 = vector.shape_cast %parallel_loop3A_186 : vector<16xf32> to vector<1x16xf32>
      tpu.vector_store %arg11[%parallel_loop3A_187, %parallel_loop3A_188], %parallel_loop3A_191 {strides = array<i32>} : memref<128x128xf32, #tpu.memory_space<vmem>>, vector<1x16xf32>,
      %parallel_loop3A_192 = arith.index_cast %parallel_loop3A_107 : i32 to index
      %parallel_loop3A_193 = arith.constant 112 : index
      %parallel_loop3A_194 = tpu.vector_load %arg7[%parallel_loop3A_192, %parallel_loop3A_193] {strides = array<i32>} : memref<128x128xf32, #tpu.memory_space<vmem>>, vector<1x16xf32>,
      %parallel_loop3A_195 = vector.shape_cast %parallel_loop3A_194 : vector<1x16xf32> to vector<16xf32>
      %parallel_loop3A_196 = arith.constant 11.3137083 : f32
      %parallel_loop3A_197 = vector.broadcast %parallel_loop3A_196 : f32 to vector<16xf32>
      %parallel_loop3A_198 = arith.mulf %parallel_loop3A_195, %parallel_loop3A_197 : vector<16xf32>
      %parallel_loop3A_199 = arith.index_cast %parallel_loop3A_107 : i32 to index
      %parallel_loop3A_200 = arith.constant 112 : index
      %parallel_loop3A_201 = tpu.vector_load %arg11[%parallel_loop3A_199, %parallel_loop3A_200] {strides = array<i32>} : memref<128x128xf32, #tpu.memory_space<vmem>>, vector<1x16xf32>,
      %parallel_loop3A_202 = vector.shape_cast %parallel_loop3A_201 : vector<1x16xf32> to vector<16xf32>
      %parallel_loop3A_203 = vector.shape_cast %parallel_loop3A_198 : vector<16xf32> to vector<1x16xf32>
      tpu.vector_store %arg11[%parallel_loop3A_199, %parallel_loop3A_200], %parallel_loop3A_203 {strides = array<i32>} : memref<128x128xf32, #tpu.memory_space<vmem>>, vector<1x16xf32>,
    } {sc.loop_unroll_factor = 4 : i64, sc.parallel_access}
    %dma_start3A_82 = arith.constant 0 : i32
    %dma_start3A_83 = tpu.memref_slice %arg4[%mul3A_65, %dma_start3A_82] : memref<204800x128xf32, #tpu.memory_space<hbm>> -> memref<128x128xf32, #tpu.memory_space<hbm>>
    %dma_start3A_84 = arith.constant 0 : i32
    %dma_start3A_85 = tpu.memref_slice %arg4[%mul3A_65, %dma_start3A_84] : memref<204800x128xf32, #tpu.memory_space<hbm>> -> memref<128x128xf32, #tpu.memory_space<hbm>>
    tpu.enqueue_dma source(%arg11 : memref<128x128xf32, #tpu.memory_space<vmem>>) target(%dma_start3A_85 : memref<128x128xf32, #tpu.memory_space<hbm>>) target_semaphore(%arg17 : memref<!tpu.dma_semaphore, #tpu.memory_space<semaphore_mem>>)
    %add3A_86 = arith.constant 49 : i32
    %add3A_87 = arith.constant 4 : i32
    %add3A_88 = arith.addi %add3A_86, %add3A_87 : i32
    %lt3A_89 = arith.constant 50 : i32
    %lt3A_90 = arith.cmpi slt, %add3A_88, %lt3A_89 : i32
    %convert_element_type3A_91 = arith.extui %lt3A_90 : i1 to i32
    %cond3A_92 = arith.constant 49 : i32
    %cond3A_93 = arith.constant 0 : i32
    %cond3A_94 = arith.cmpi ne, %convert_element_type3A_91, %cond3A_93 : i32
    scf.if %cond3A_94 {
      %add3A_107 = arith.constant 4 : i32
      %add3A_108 = arith.addi %cond3A_92, %add3A_107 : i32
      %dma_start3A_109 = arith.constant 0 : i32
      %dma_start3A_110 = tpu.memref_slice %arg5[%add3A_108, %dma_start3A_109] : memref<50x128xi32, #tpu.memory_space<vmem>> -> memref<1x128xi32, #tpu.memory_space<vmem>>
      %dma_start3A_111 = tpu.memref_squeeze %dma_start3A_110 : memref<1x128xi32, #tpu.memory_space<vmem>> -> memref<128xi32, #tpu.memory_space<vmem>>
      %dma_start3A_112 = arith.constant 0 : i32
      %dma_start3A_113 = arith.constant 0 : i32
      %dma_start3A_114 = tpu.memref_slice %arg2[%dma_start3A_112, %dma_start3A_113] : memref<100000x128xf32, #tpu.memory_space<hbm>> -> memref<100000x128xf32, #tpu.memory_space<hbm>>
      tpu.enqueue_indirect_dma source(%dma_start3A_114 : memref<100000x128xf32, #tpu.memory_space<hbm>>) target(%arg7 : memref<128x128xf32, #tpu.memory_space<vmem>>) offsets(%dma_start3A_111 : memref<128xi32, #tpu.memory_space<vmem>>) semaphore(%arg13 : memref<!tpu.dma_semaphore, #tpu.memory_space<semaphore_mem>>)
    } else {
    }
    %dma_wait3A_95 = arith.constant 0 : i32
    %dma_wait3A_96 = arith.constant 0 : i32
    %dma_wait3A_97 = tpu.memref_slice %arg4[%dma_wait3A_95, %dma_wait3A_96] : memref<204800x128xf32, #tpu.memory_space<hbm>> -> memref<128x128xf32, #tpu.memory_space<hbm>>
    %dma_wait3A_98 = arith.constant 0 : i32
    %dma_wait3A_99 = arith.constant 0 : i32
    %dma_wait3A_100 = tpu.memref_slice %arg4[%dma_wait3A_98, %dma_wait3A_99] : memref<204800x128xf32, #tpu.memory_space<hbm>> -> memref<128x128xf32, #tpu.memory_space<hbm>>
    tpu.wait_dma2 semaphore(%arg16 : memref<!tpu.dma_semaphore, #tpu.memory_space<semaphore_mem>>) src(%arg10 : memref<128x128xf32, #tpu.memory_space<vmem>>) dst(%dma_wait3A_100 : memref<128x128xf32, #tpu.memory_space<hbm>>)
    %dma_wait3A_101 = arith.constant 0 : i32
    %dma_wait3A_102 = arith.constant 0 : i32
    %dma_wait3A_103 = tpu.memref_slice %arg4[%dma_wait3A_101, %dma_wait3A_102] : memref<204800x128xf32, #tpu.memory_space<hbm>> -> memref<128x128xf32, #tpu.memory_space<hbm>>
    %dma_wait3A_104 = arith.constant 0 : i32
    %dma_wait3A_105 = arith.constant 0 : i32
    %dma_wait3A_106 = tpu.memref_slice %arg4[%dma_wait3A_104, %dma_wait3A_105] : memref<204800x128xf32, #tpu.memory_space<hbm>> -> memref<128x128xf32, #tpu.memory_space<hbm>>
    tpu.wait_dma2 semaphore(%arg17 : memref<!tpu.dma_semaphore, #tpu.memory_space<semaphore_mem>>) src(%arg11 : memref<128x128xf32, #tpu.memory_space<vmem>>) dst(%dma_wait3A_106 : memref<128x128xf32, #tpu.memory_space<hbm>>)
    return
  }
}

</mosaic_0001>

<sc_bundles>
// kernel: kernel.3.cloned.1.call-start
scs
__scs_entry_jumppad:
0x0: {  	(pc) =	sbr.rel $0x88, $3  }
0x1: {  	(tag) =	ssettag $0x0;
	lr =	simm.s32 $0x1  }
0x2: {  	[smem:$0x3F9F] =	sst lr;
	_ =	strace $0xD0000000  }
0x3: {  	_ = 	snop  }
0x4: {  	_ = 	snop  }
0x5: {  	_ = 	snop  }
0x6: {  	_ = 	snop  }
0x7: {  	_ = 	snop  }
__scs_overlays_trampoline_lowered:
0x8: {  	[smem:$0x3FAE] =	sst s0  }
0x9: {  	[smem:$0x3FAF] =	sst s1  }
0xa: {  	[smem:$0x3FB0] =	sst s2  }
0xb: {  	[smem:$0x3FB1] =	sst s3  }
0xc: {  	[smem:$0x3FB2] =	sst s4  }
0xd: {  	[smem:$0x3FB3] =	sst s5  }
0xe: {  	[smem:$0x3FB4] =	sst s6  }
0xf: {  	[smem:$0x3FB5] =	sst s7  }
0x10: {  	[smem:$0x3FB6] =	sst s8  }
0x11: {  	[smem:$0x3FB7] =	sst s9;
	s0 =	simm.s32 @!p0 $0x0  }
0x12: {  	s1 =	sld [smem:$0x3F9D];
	s0 =	simm.s32 @p0 $0x1  }
0x13: {  	[smem:$0x3FB8] =	sst s0;
	s0 =	simm.s32 @!p1 $0x0  }
0x14: {  	s2 =	sld [smem:$0x3F9C];
	s0 =	simm.s32 @p1 $0x1  }
0x15: {  	[smem:$0x3FB9] =	sst s0;
	s0 =	simm.s32 @!p2 $0x0  }
0x16: {  	s3 =	sld [smem:$0x3FDB];
	s0 =	simm.s32 @p2 $0x1  }
0x17: {  	s4 =	simm.s32 $0x1BF5;
	[smem:$0x3FBB] =	sst s0  }
0x18: {  	s0 =	sld [smem:$0x3F9E];
	_ =	swait.ge [sflag:s4], $0x0  }
0x19: {  	s7 =	sld [smem:$0x3F9F]  }
0x1a: {  	s8 =	sadd.s32 $0xFFFFE003, lr  }
0x1b: {  	s9 =	sadd.s32 $0xFFFFFEF7, lr;
	s5 =	simm.s32 $0xFFFFFFFF;
	p2 =	slt.u32 s8, $0xFFFFF086  }
0x1c: {  	p1 =	slt.u32 s9, $0xF7A;
	s5 =	simm.s32 @!p2 $0x0  }
0x1d: {  	s5 =	simm.s32 @p1 $0x1;
	p0 =	seq.s32 s7, s2  }
0x1e: {  	s7 =	smul.u32 @!p0 $0xF7A, s2;
	p2 =	seq.s32 @!p0 s5, $0x0  }
0x1f: {  	s9 =	smul.u32 $0xF7A, s1;
	s8 =	simm.s32 @!p0 $0x1BF5;
	p2 =	por !p2, p0  }
0x20: {  	[sflag:s8] =	ssyncset.s32 @!p0 $0xFFFFF086;
	s6 =	sadd.s32 @!p0 s3, s7;
	s7 =	simm.s32 @!p0 $0x108  }
0x21: {  	s3 =	sadd.s32 s3, s9;
	s6 =	sadd.s32 @!p0 $0x88, s6;
	s7 =	simm.s32 @p2 $0x1082  }
0x22: {  	[simem:s7], [sflag:s8] =	dma.local @!p0 [hbm:s6], $0xF7A  }
0x23: {  	s9 =	sor.u32 $0xD0000000, s2;
	s6 =	simm.s32 $0x108;
	_ =	swait.ge @!p0 [sflag:s8], $0x0  }
0x24: {  	s3 =	sadd.s32 $0x88, s3;
	s6 =	simm.s32 @!p1 $0x1082;
	[sflag:s4] =	ssyncset.s32 $0xFFFFF086  }
0x25: {  	[simem:s6], [sflag:s4] =	dma.local [hbm:s3], $0xF7A  }
0x26: {  	[smem:$0x3F9F] =	sst s1;
	(tag) =	ssettag s2;
	_ =	strace s9  }
0x27: {  	s1 =	sld [smem:$0x3FAF]  }
0x28: {  	s2 =	sld [smem:$0x3FB0]  }
0x29: {  	s4 =	sld [smem:$0x3FB2]  }
0x2a: {  	p0 =	seq.s32 s5, $0x0;
	s5 =	sld [smem:$0x3FB3]  }
0x2b: {  	s6 =	sld [smem:$0x3FB4]  }
0x2c: {  	s7 =	sld [smem:$0x3FB5]  }
0x2d: {  	s3 =	simm.s32 $0x108;
	s8 =	sld [smem:$0x3FB6]  }
0x2e: {  	s3 =	simm.s32 @!p0 $0x1082;
	s9 =	sld [smem:$0x3FB7]  }
0x2f: {  	lr =	sadd.s32 s0, s3;
	s0 =	sld [smem:$0x3FAE]  }
0x30: {  	s3 =	sld [smem:$0x3FB1]  }
0x31: {  	[smem:$0x3FBA] =	sst s10  }
0x32: {  	s10 =	sld [smem:$0x3FB8];
	_ =	sdelay $0x3  }
0x33: {  	p0 =	seq.s32 s10, $0x1;
	s10 =	sld [smem:$0x3FBA];
	_ =	sdelay $0x3  }
0x34: {  	[smem:$0x3FBA] =	sst s10  }
0x35: {  	s10 =	sld [smem:$0x3FB9];
	_ =	sdelay $0x3  }
0x36: {  	p1 =	seq.s32 s10, $0x1;
	s10 =	sld [smem:$0x3FBA];
	_ =	sdelay $0x3  }
0x37: {  	[smem:$0x3FBA] =	sst s10  }
0x38: {  	s10 =	sld [smem:$0x3FBB]  }
0x39: {  	_ = 	snop;
	(pc) =	sbr.ind lr, $3  }
0x3a: {  	_ = 	snop  }
0x3b: {  	_ = 	snop  }
0x3c: {  	p2 =	seq.s32 s10, $0x1;
	s10 =	sld [smem:$0x3FBA]  }
0x3d: {  	_ =	shalt  }
0x3e: {  	_ =	shalt  }
0x3f: {  	_ =	shalt  }
0x40: {  	_ =	shalt  }
0x41: {  	_ =	shalt  }
0x42: {  	_ =	shalt  }
0x43: {  	_ =	shalt  }
0x44: {  	_ =	shalt  }
0x45: {  	_ =	shalt  }
0x46: {  	_ =	shalt  }
0x47: {  	_ =	shalt  }
0x48: {  	_ =	shalt  }
0x49: {  	_ =	shalt  }
0x4a: {  	_ =	shalt  }
0x4b: {  	_ =	shalt  }
0x4c: {  	_ =	shalt  }
0x4d: {  	_ =	shalt  }
0x4e: {  	_ =	shalt  }
0x4f: {  	_ =	shalt  }
0x50: {  	_ =	shalt  }
0x51: {  	_ =	shalt  }
0x52: {  	_ =	shalt  }
0x53: {  	_ =	shalt  }
0x54: {  	_ =	shalt  }
0x55: {  	_ =	shalt  }
0x56: {  	_ =	shalt  }
0x57: {  	_ =	shalt  }
0x58: {  	_ =	shalt  }
0x59: {  	_ =	shalt  }
0x5a: {  	_ =	shalt  }
0x5b: {  	_ =	shalt  }
0x5c: {  	_ =	shalt  }
0x5d: {  	_ =	shalt  }
0x5e: {  	_ =	shalt  }
0x5f: {  	_ =	shalt  }
0x60: {  	_ =	shalt  }
0x61: {  	_ =	shalt  }
0x62: {  	_ =	shalt  }
0x63: {  	_ =	shalt  }
0x64: {  	_ =	shalt  }
0x65: {  	_ =	shalt  }
0x66: {  	_ =	shalt  }
0x67: {  	_ =	shalt  }
0x68: {  	_ =	shalt  }
0x69: {  	_ =	shalt  }
0x6a: {  	_ =	shalt  }
0x6b: {  	_ =	shalt  }
0x6c: {  	_ =	shalt  }
0x6d: {  	_ =	shalt  }
0x6e: {  	_ =	shalt  }
0x6f: {  	_ =	shalt  }
0x70: {  	_ =	shalt  }
0x71: {  	_ =	shalt  }
0x72: {  	_ =	shalt  }
0x73: {  	_ =	shalt  }
0x74: {  	_ =	shalt  }
0x75: {  	_ =	shalt  }
0x76: {  	_ =	shalt  }
0x77: {  	_ =	shalt  }
0x78: {  	_ =	shalt  }
0x79: {  	_ =	shalt  }
0x7a: {  	_ =	shalt  }
0x7b: {  	_ =	shalt  }
0x7c: {  	_ =	shalt  }
0x7d: {  	_ =	shalt  }
0x7e: {  	_ =	shalt  }
0x7f: {  	_ =	shalt  }
0x80: {  	_ =	shalt  }
0x81: {  	_ =	shalt  }
0x82: {  	_ =	shalt  }
0x83: {  	_ =	shalt  }
0x84: {  	_ =	shalt  }
0x85: {  	_ =	shalt  }
0x86: {  	_ =	shalt  }
0x87: {  	_ =	shalt  }
.Lfunc_end0:
.L_simem_size_0:
called_computation_lowered:
.L_overlay_start_0:
0x88: {  	s2 =	sld [smem:$0x3FD9]  }
0x89: {  	s3 =	sld [smem:$0x3FFE];
	_ =	sdelay $0x1  }
0x8a: {  	s1 =	srdreg.scid  }
0x8b: {  	s0 =	sand.u32 $0x1, s1  }
0x8c: {  	s17 =	sshll.u32 s0, $0xA;
	s2 =	sadd.s32 s3, s2  }
0x8d: {  	s2 =	sadd.s32 s2, s17  }
0x8e: {  	[smem:$0x3FC6] =	sst s2  }
0x8f: {  	_ = 	snop  }
0x90: {  	s2 =	sld [smem:$0x3FC8]  }
0x91: {  	s18 =	sld [smem:$0x3FD0];
	(tm) =	ssettm $0x1  }
0x92: {  	s4 =	sld [smem:$0x3FFB];
	_ =	sdelay $0x3  }
0x93: {  	_ =	strace s4  }
0x94: {  	s4 =	sld [smem:$0x3FFC];
	_ =	sdelay $0x3  }
0x95: {  	_ =	strace s4  }
0x96: {  	s4 =	sld [smem:$0x3FFD];
	_ =	sdelay $0x3  }
0x97: {  	_ =	strace s4  }
0x98: {  	_ =	strace $0x8FFFFFFF  }
0x99: {  	s19 =	sld [smem:$0x3FDB];
	_ =	sdelay $0x1  }
0x9a: {  	s5 =	simm.s32 $_scs_section_size  }
0x9b: {  	s6 =	simm.s32 $_size__tile_overlayer_lowered;
	s7 =	simm.s32 $_tile_overlayer_lowered  }
0x9c: {  	s22 =	simm.s32 $0x1BFF;
	s21 =	sshll.u32 s7, $0x1;
	s4 =	sadd.s32 s5, s19  }
0x9d: {  	s8 =	simm.s32 $0x0;
	s20 =	sshll.u32 s6, $0x1;
	s6 =	sadd.s32 s21, s4  }
0x9e: {  	[timem:s8], [sflag:s22] =	dma.local [hbm:s6], s20  }
0x9f: {  	_ =	swait.ge [sflag:s22], s20  }
0xa0: {  	s5 =	ssub.s32 $0x0, s20;
	[sflag:s22] =	ssyncset.done $0x0  }
0xa1: {  	[sflag:s22] =	ssyncadd.s32 s5;
	_ =	sdelay $0x1  }
0xa2: {  	s23 =	simm.s32 $0x1B8B  }
0xa3: {  	_ =	swait.ge [sflag:s23], $0x1  }
0xa4: {  	[sflag:s23] =	ssyncset.done $0x0  }
0xa5: {  	s25 =	simm.s32 $0x1B8E;
	s24 =	sld [smem:$0x3FFE];
	[sflag:s23] =	ssyncadd.s32 $0xFFFFFFFF  }
0xa6: {  	s26 =	simm.s32 $execute0_lowered;
	[smem:$0x3FD2] =	sst s25  }
0xa7: {  	s6 =	sshll.u32 s26, $0x1;
	_ =	strace $0x80000046;
	[dreg:$0x1] =	wrdreg $0xFFFFFFFF  }
0xa8: {  	s28 =	simm.s32 $_size_execute0_lowered;
	s4 =	sadd.s32 s4, s6;
	[dreg:$0x0] =	wrdreg $0x0  }
0xa9: {  	s6 =	sshll.u32 s28, $0x1;
	[dreg:$0x2] =	wrdreg s4  }
0xaa: {  	[dreg:$0x3] =	wrdreg s6  }
0xab: {  	[dreg:$0x4] =	wrdreg $0xC0  }
0xac: {  	_ =	task [dreg:s8], $0x5FFFF  }
0xad: {  	[dreg:$0x1] =	wrdreg $0xFFFFFFFF  }
0xae: {  	[dreg:$0x0] =	wrdreg $0x60  }
0xaf: {  	[dreg:$0x2] =	wrdreg s2  }
0xb0: {  	[dreg:$0x3] =	wrdreg s24  }
0xb1: {  	[dreg:$0x4] =	wrdreg s18  }
0xb2: {  	[dreg:$0x5] =	wrdreg $0x9  }
0xb3: {  	_ =	task.clear_ibuf [dreg:s8], $0x6FFFF;
	_ =	strace $0x90000046  }
0xb4: {  	s29 =	simm.s32 $0x9;
	_ =	strace $0x80000048  }
0xb5: {  	_ =	swait.ge [sflag:s29], $0x1  }
0xb6: {  	[sflag:s29] =	ssyncadd.s32 $0xFFFFFFFF  }
0xb7: {  	_ =	strace $0x90000048  }
0xb8: {  	_ =	sfence  }
0xb9: {  	s30 =	sld [smem:$0x0];
	_ =	sdelay $0x2  }
0xba: {  	s31 =	sshll.u32 s1, $0xD;
	s1 =	sshrl.u32 s1, $0x2  }
0xbb: {  	s3 =	sand.u32 $0x4000, s31;
	s1 =	sadd.s32 s1, s30  }
0xbc: {  	s0 =	sor.u32 s3, s0;
	s1 =	sshll.u32 s1, $0x11  }
0xbd: {  	s0 =	sor.u32 s1, s0  }
0xbe: {  	s0 =	sadd.s32 $0x8F2B, s0  }
0xbf: {  	[sflag:s0] =	ssyncadd.remote.s32 $0x1  }
0xc0: {  	_ =	sfence.sel $0xFFFF  }
0xc1: {  	[dreg:$0x0] =	wrdreg $0xFFFFFFFF;
	(pc) =	sbr.abs _section_cstart, $3  }
0xc2: {  	[dreg:$0x1] =	wrdreg $0xFFFFFFFF  }
0xc3: {  	_ =	task.clear_ibuf [dreg:s8], $0x2FFFF;
	_ =	strace $0x9FFFFFFF  }
0xc4: {  	(tm) =	ssettm $0x7FFFFFFF  }
0xc5: {  	_ =	shalt  }
tec
execute0_lowered:
.L_overlay_start_1:
0x0: {  	(tag) =	ssettag $0x1  }
0x1: {  	s1 =	rddreg [dreg:$0x0]  }
0x2: {  	s0 =	rddreg [dreg:$0x1]  }
0x3: {  	s2 =	srdreg.scid;
	s4 =	stileid.u32  }
0x4: {  	s3 =	rddreg [dreg:$0x2];
	s13 =	simm.s32 $0x7;
	s14 =	simm.s32 $0x80  }
0x5: {  	s15 =	simm.s32 $0x1C00;
	s16 =	simm.s32 $0x5C00;
	s20 =	simm.s32 $0xDC00  }
0x6: {  	s21 =	simm.s32 $0x1;
	s22 =	simm.s32 $0x11C00;
	s23 =	simm.s32 $0x2  }
0x7: {  	s28 =	simm.s32 $0x4;
	s2 =	sand.u32 $0x1, s2;
	s5 =	sshll.u32 s4, $0x1  }
0x8: {  	s29 =	simm.s32 $0x6;
	s30 =	simm.s32 $0x0;
	s5 =	sor.u32 s2, s5  }
0x9: {  	s12 =	simm.s32 $0x5D00;
	s4 =	simm.s32 $0x0;
	s6 =	smul.u32 $0x380, s5  }
0xa: {  	[smem:$0x7FF] =	sst s4;
	s2 =	ssub.s32 $0x2, s2;
	s7 =	smul.u32 $0xC8000, s5  }
0xb: {  	_ =	strace $0x80000047;
	s24 =	sshrl.u32 s2, $0x1;
	s5 =	smul.u32 $0x32, s5  }
0xc: {  	s2 =	ssub.s32 s2, s24;
	s24 =	simm.s32 $0x15C00;
	s0 =	sadd.s32 s6, s0  }
0xd: {  	s25 =	sshrl.u32 s7, $0x3;
	s7 =	sor.u32 $0x1, s5;
	s0 =	sadd.s32 $0x400, s0  }
0xe: {  	s31 =	smax.u32 s2, $0x1;
	[dreg:$0x4] =	wrdreg s0;
	s0 =	sadd.s32 s3, s25  }
0xf: {  	s8 =	sadd.s32 $0x2, s5;
	[dreg:$0x7] =	wrdreg s31;
	s26 =	sadd.s32 $0x18000, s0  }
0x10: {  	s9 =	sadd.s32 $0x3, s5;
	s0 =	sadd.s32 $0x18800, s0;
	[dreg:$0x5] =	wrdreg s26  }
0x11: {  	s25 =	simm.s32 $0x3;
	[dreg:$0x6] =	wrdreg s0;
	s26 =	simm.s32 $0x5  }
.LBB2_1:
0x12: {  	s0 =	rddreg [dreg:$0x4]  }
0x13: {  	[tilespmem:s4], [sflag:$0x7] =	stream.linear.gather [hbm4b:s0+s4], $0x1900, $0x38;
	[tilespmem:$0x19C00] =	vst v63  }
0x14: {  	_ =	swait.ge [sflag:s13], $0x1900  }
0x15: {  	[sflag:s13] =	ssyncset.done $0x0  }
0x16: {  	[sflag:s13] =	ssyncadd.s32 $0xFFFFE700  }
0x17: {  	[tilespmem:s15], [sflag:$0x1] =	stream.indirect.gather [hbm4b:s1+s14], $0x80, s4, s14, $0xb8;
	[tilespmem:$0x19C00] =	vst v63  }
0x18: {  	_ = 	snop  }
0x19: {  	[tilespmem:s16], [sflag:$0x2] =	stream.indirect.gather [hbm4b:s1+s14], $0x80, s14, s14, $0xb8;
	[tilespmem:$0x19C00] =	vst v63  }
0x1a: {  	s18 =	simm.s32 $0x100;
	s2 =	simm.s32 $0x9C00  }
0x1b: {  	[tilespmem:s2], [sflag:$0x3] =	stream.indirect.gather [hbm4b:s1+s14], $0x80, s18, s14, $0xb8;
	[tilespmem:$0x19C00] =	vst v63  }
0x1c: {  	s19 =	simm.s32 $0x180;
	s31 =	simm.s32 $0x0  }
0x1d: {  	[tilespmem:s20], [sflag:$0x4] =	stream.indirect.gather [hbm4b:s1+s14], $0x80, s19, s14, $0xb8;
	[tilespmem:$0x19C00] =	vst v63  }
.LBB2_2:
0x1e: {  	_ =	swait.ge [sflag:s21], $0x4000  }
0x1f: {  	p0 =	seq.s32 s31, $0x0;
	[sflag:s21] =	ssyncset.done $0x0  }
0x20: {  	s0 =	simm.s32 @!p0 $0x5;
	[sflag:s21] =	ssyncadd.s32 $0xFFFFC000  }
0x21: {  	_ =	swait.ge @!p0 [sflag:s0], $0x4000  }
0x22: {  	[sflag:s0] =	ssyncset.done @!p0 $0x0  }
0x23: {  	s10 =	simm.s32 $0x1D00;
	[sflag:s0] =	ssyncadd.s32 @!p0 $0xFFFFC000  }
0x24: {  	v0 =	vld [tilespmem:s10+$0x80];
	_ =	sdelay $0x3  }
0x25: {  	v1 =	vld [tilespmem:s10+$0xFFFFFF00]  }
0x26: {  	v2 =	vld [tilespmem:s10+$0xFFFFFF80];
	v0 =	vmul.f32 $1.131370830e+01, v0  }
0x27: {  	s0 =	simm.s32 $0x11D00;
	v3 =	vld [tilespmem:s10+$0x0]  }
0x28: {  	[tilespmem:s0+$0x80] =	vst v0  }
0x29: {  	v0 =	vld [tilespmem:s10+$0x90]  }
0x2a: {  	v1 =	vmul.f32 $1.131370830e+01, v1  }
0x2b: {  	v2 =	vmul.f32 $1.131370830e+01, v2  }
0x2c: {  	v3 =	vmul.f32 $1.131370830e+01, v3;
	[tilespmem:s0+$0xFFFFFF00] =	vst v1  }
0x2d: {  	[tilespmem:s0+$0xFFFFFF80] =	vst v2;
	v1 =	vld [tilespmem:s10+$0xFFFFFF10]  }
0x2e: {  	[tilespmem:s0+$0x0] =	vst v3;
	v2 =	vld [tilespmem:s10+$0xFFFFFF90];
	v0 =	vmul.f32 $1.131370830e+01, v0  }
0x2f: {  	v3 =	vld [tilespmem:s10+$0x10]  }
0x30: {  	[tilespmem:s0+$0x90] =	vst v0  }
0x31: {  	v0 =	vld [tilespmem:s10+$0xA0]  }
0x32: {  	v1 =	vmul.f32 $1.131370830e+01, v1  }
0x33: {  	v2 =	vmul.f32 $1.131370830e+01, v2  }
0x34: {  	v3 =	vmul.f32 $1.131370830e+01, v3;
	[tilespmem:s0+$0xFFFFFF10] =	vst v1  }
0x35: {  	[tilespmem:s0+$0xFFFFFF90] =	vst v2;
	v1 =	vld [tilespmem:s10+$0xFFFFFF20]  }
0x36: {  	[tilespmem:s0+$0x10] =	vst v3;
	v2 =	vld [tilespmem:s10+$0xFFFFFFA0];
	v0 =	vmul.f32 $1.131370830e+01, v0  }
0x37: {  	v3 =	vld [tilespmem:s10+$0x20]  }
0x38: {  	[tilespmem:s0+$0xA0] =	vst v0  }
0x39: {  	v0 =	vld [tilespmem:s10+$0xB0]  }
0x3a: {  	v1 =	vmul.f32 $1.131370830e+01, v1  }
0x3b: {  	v2 =	vmul.f32 $1.131370830e+01, v2  }
0x3c: {  	v3 =	vmul.f32 $1.131370830e+01, v3;
	[tilespmem:s0+$0xFFFFFF20] =	vst v1  }
0x3d: {  	[tilespmem:s0+$0xFFFFFFA0] =	vst v2;
	v1 =	vld [tilespmem:s10+$0xFFFFFF30]  }
0x3e: {  	[tilespmem:s0+$0x20] =	vst v3;
	v2 =	vld [tilespmem:s10+$0xFFFFFFB0];
	v0 =	vmul.f32 $1.131370830e+01, v0  }
0x3f: {  	s17 =	simm.s32 $0x1F00;
	v3 =	vld [tilespmem:s10+$0x30]  }
0x40: {  	[tilespmem:s0+$0xB0] =	vst v0;
	v0 =	vld [tilespmem:s17+$0x80]  }
0x41: {  	v4 =	vld [tilespmem:s10+$0xC0]  }
0x42: {  	v5 =	vld [tilespmem:s17+$0xFFFFFF80];
	v1 =	vmul.f32 $1.131370830e+01, v1  }
0x43: {  	v6 =	vld [tilespmem:s17+$0x0];
	v2 =	vmul.f32 $1.131370830e+01, v2  }
0x44: {  	v3 =	vmul.f32 $1.131370830e+01, v3;
	[tilespmem:s0+$0xFFFFFF30] =	vst v1;
	v1 =	vld [tilespmem:s17+$0xFFFFFF00]  }
0x45: {  	[tilespmem:s0+$0xFFFFFFB0] =	vst v2;
	v2 =	vld [tilespmem:s10+$0xFFFFFF40];
	v0 =	vmul.f32 $1.131370830e+01, v0  }
0x46: {  	s18 =	simm.s32 $0x11F00;
	[tilespmem:s0+$0x30] =	vst v3;
	v3 =	vld [tilespmem:s10+$0xFFFFFFC0];
	v4 =	vmul.f32 $1.131370830e+01, v4  }
0x47: {  	v5 =	vmul.f32 $1.131370830e+01, v5;
	[tilespmem:s18+$0x80] =	vst v0;
	v0 =	vld [tilespmem:s10+$0x40]  }
0x48: {  	v6 =	vmul.f32 $1.131370830e+01, v6;
	v7 =	vld [tilespmem:s17+$0x90];
	[tilespmem:s0+$0xC0] =	vst v4  }
0x49: {  	[tilespmem:s18+$0xFFFFFF80] =	vst v5;
	v1 =	vmul.f32 $1.131370830e+01, v1;
	v4 =	vld [tilespmem:s10+$0xD0]  }
0x4a: {  	[tilespmem:s18+$0x0] =	vst v6;
	v5 =	vld [tilespmem:s17+$0xFFFFFF90];
	v2 =	vmul.f32 $1.131370830e+01, v2  }
0x4b: {  	v3 =	vmul.f32 $1.131370830e+01, v3;
	[tilespmem:s18+$0xFFFFFF00] =	vst v1;
	v1 =	vld [tilespmem:s17+$0x10]  }
0x4c: {  	v6 =	vld [tilespmem:s17+$0xFFFFFF10];
	[tilespmem:s0+$0xFFFFFF40] =	vst v2;
	v0 =	vmul.f32 $1.131370830e+01, v0  }
0x4d: {  	[tilespmem:s0+$0xFFFFFFC0] =	vst v3;
	v2 =	vmul.f32 $1.131370830e+01, v7;
	v7 =	vld [tilespmem:s10+$0xFFFFFF50]  }
0x4e: {  	v3 =	vld [tilespmem:s10+$0xFFFFFFD0];
	[tilespmem:s0+$0x40] =	vst v0;
	v0 =	vmul.f32 $1.131370830e+01, v4  }
0x4f: {  	v4 =	vmul.f32 $1.131370830e+01, v5;
	[tilespmem:s18+$0x90] =	vst v2;
	v2 =	vld [tilespmem:s10+$0x50]  }
0x50: {  	v1 =	vmul.f32 $1.131370830e+01, v1;
	v5 =	vld [tilespmem:s17+$0xA0];
	[tilespmem:s0+$0xD0] =	vst v0  }
0x51: {  	v0 =	vmul.f32 $1.131370830e+01, v6;
	[tilespmem:s18+$0xFFFFFF90] =	vst v4;
	v4 =	vld [tilespmem:s10+$0xE0]  }
0x52: {  	[tilespmem:s18+$0x10] =	vst v1;
	v6 =	vld [tilespmem:s17+$0xFFFFFFA0];
	v1 =	vmul.f32 $1.131370830e+01, v7  }
0x53: {  	v3 =	vmul.f32 $1.131370830e+01, v3;
	[tilespmem:s18+$0xFFFFFF10] =	vst v0;
	v0 =	vld [tilespmem:s17+$0x20]  }
0x54: {  	v7 =	vld [tilespmem:s17+$0xFFFFFF20];
	[tilespmem:s0+$0xFFFFFF50] =	vst v1;
	v1 =	vmul.f32 $1.131370830e+01, v2  }
0x55: {  	[tilespmem:s0+$0xFFFFFFD0] =	vst v3;
	v2 =	vmul.f32 $1.131370830e+01, v5;
	v5 =	vld [tilespmem:s10+$0xFFFFFF60]  }
0x56: {  	v3 =	vld [tilespmem:s10+$0xFFFFFFE0];
	[tilespmem:s0+$0x50] =	vst v1;
	v1 =	vmul.f32 $1.131370830e+01, v4  }
0x57: {  	v4 =	vmul.f32 $1.131370830e+01, v6;
	[tilespmem:s18+$0xA0] =	vst v2;
	v2 =	vld [tilespmem:s10+$0x60]  }
0x58: {  	v0 =	vmul.f32 $1.131370830e+01, v0;
	v6 =	vld [tilespmem:s17+$0xB0];
	[tilespmem:s0+$0xE0] =	vst v1  }
0x59: {  	v1 =	vmul.f32 $1.131370830e+01, v7;
	[tilespmem:s18+$0xFFFFFFA0] =	vst v4;
	v7 =	vld [tilespmem:s10+$0xF0]  }
0x5a: {  	v8 =	vld [tilespmem:s17+$0xFFFFFFB0];
	[tilespmem:s18+$0x20] =	vst v0;
	v0 =	vmul.f32 $1.131370830e+01, v5  }
0x5b: {  	v3 =	vmul.f32 $1.131370830e+01, v3;
	[tilespmem:s18+$0xFFFFFF20] =	vst v1;
	v4 =	vld [tilespmem:s17+$0x30]  }
0x5c: {  	v5 =	vld [tilespmem:s17+$0xFFFFFF30];
	[tilespmem:s0+$0xFFFFFF60] =	vst v0;
	v2 =	vmul.f32 $1.131370830e+01, v2  }
0x5d: {  	[tilespmem:s0+$0xFFFFFFE0] =	vst v3;
	v9 =	vmul.f32 $1.131370830e+01, v6;
	v1 =	vld [tilespmem:s10+$0xFFFFFF70]  }
0x5e: {  	s2 =	sshll.u32 s31, $0x2;
	v0 =	vld [tilespmem:s10+$0xFFFFFFF0];
	[tilespmem:s0+$0x60] =	vst v2;
	v3 =	vmul.f32 $1.131370830e+01, v7  }
0x5f: {  	s6 =	simm.s32 $0x4;
	s11 =	simm.s32 $0x2100;
	s19 =	sadd.s32 s5, s2;
	v6 =	vmul.f32 $1.131370830e+01, v8;
	[tilespmem:s18+$0xB0] =	vst v9;
	v2 =	vld [tilespmem:s10+$0x70]  }
.LBB2_3:
0x60: {  	v7 =	vld [tilespmem:s11+$0x80];
	v4 =	vmul.f32 $1.131370830e+01, v4;
	[tilespmem:s0+$0xF0] =	vst v3  }
0x61: {  	s6 =	sadd.s32 $0x4, s6;
	v3 =	vmul.f32 $1.131370830e+01, v5;
	[tilespmem:s18+$0xFFFFFFB0] =	vst v6;
	v5 =	vld [tilespmem:s17+$0xC0]  }
0x62: {  	p1 =	slt.u32 s6, $0x7C;
	v6 =	vld [tilespmem:s11+$0xFFFFFF80];
	[tilespmem:s18+$0x30] =	vst v4;
	v1 =	vmul.f32 $1.131370830e+01, v1  }
0x63: {  	v4 =	vld [tilespmem:s11+$0x0];
	[tilespmem:s18+$0xFFFFFF30] =	vst v3;
	v0 =	vmul.f32 $1.131370830e+01, v0  }
0x64: {  	v3 =	vld [tilespmem:s11+$0xFFFFFF00];
	[tilespmem:s0+$0xFFFFFF70] =	vst v1;
	v1 =	vmul.f32 $1.131370830e+01, v2  }
0x65: {  	v2 =	vmul.f32 $1.131370830e+01, v7;
	v7 =	vld [tilespmem:s17+$0xFFFFFF40];
	[tilespmem:s0+$0xFFFFFFF0] =	vst v0  }
0x66: {  	v0 =	vld [tilespmem:s17+$0xFFFFFFC0];
	v5 =	vmul.f32 $1.131370830e+01, v5;
	[tilespmem:s0+$0x70] =	vst v1;
	s0 =	smov.u32 s18;
	s18 =	sadd.s32 $0x200, s18  }
0x67: {  	v1 =	vmul.f32 $1.131370830e+01, v6;
	[tilespmem:s18+$0x80] =	vst v2;
	v2 =	vld [tilespmem:s17+$0x40]  }
0x68: {  	v4 =	vmul.f32 $1.131370830e+01, v4;
	v6 =	vld [tilespmem:s11+$0x90];
	[tilespmem:s0+$0xC0] =	vst v5  }
0x69: {  	v3 =	vmul.f32 $1.131370830e+01, v3;
	[tilespmem:s18+$0xFFFFFF80] =	vst v1;
	v1 =	vld [tilespmem:s17+$0xD0]  }
0x6a: {  	v5 =	vld [tilespmem:s11+$0xFFFFFF90];
	[tilespmem:s18+$0x0] =	vst v4;
	v4 =	vmul.f32 $1.131370830e+01, v7  }
0x6b: {  	[tilespmem:s18+$0xFFFFFF00] =	vst v3;
	v3 =	vld [tilespmem:s11+$0x10];
	v0 =	vmul.f32 $1.131370830e+01, v0  }
0x6c: {  	v7 =	vld [tilespmem:s11+$0xFFFFFF10];
	[tilespmem:s0+$0xFFFFFF40] =	vst v4;
	v2 =	vmul.f32 $1.131370830e+01, v2  }
0x6d: {  	v4 =	vmul.f32 $1.131370830e+01, v6;
	v6 =	vld [tilespmem:s17+$0xFFFFFF50];
	[tilespmem:s0+$0xFFFFFFC0] =	vst v0  }
0x6e: {  	v0 =	vld [tilespmem:s17+$0xFFFFFFD0];
	[tilespmem:s0+$0x40] =	vst v2;
	v1 =	vmul.f32 $1.131370830e+01, v1  }
0x6f: {  	v2 =	vmul.f32 $1.131370830e+01, v5;
	[tilespmem:s18+$0x90] =	vst v4;
	v4 =	vld [tilespmem:s17+$0x50]  }
0x70: {  	v3 =	vmul.f32 $1.131370830e+01, v3;
	v5 =	vld [tilespmem:s11+$0xA0];
	[tilespmem:s0+$0xD0] =	vst v1  }
0x71: {  	v1 =	vmul.f32 $1.131370830e+01, v7;
	[tilespmem:s18+$0xFFFFFF90] =	vst v2;
	v2 =	vld [tilespmem:s17+$0xE0]  }
0x72: {  	v7 =	vld [tilespmem:s11+$0xFFFFFFA0];
	[tilespmem:s18+$0x10] =	vst v3;
	v3 =	vmul.f32 $1.131370830e+01, v6  }
0x73: {  	[tilespmem:s18+$0xFFFFFF10] =	vst v1;
	v1 =	vld [tilespmem:s11+$0x20];
	v0 =	vmul.f32 $1.131370830e+01, v0  }
0x74: {  	v6 =	vld [tilespmem:s11+$0xFFFFFF20];
	[tilespmem:s0+$0xFFFFFF50] =	vst v3;
	v3 =	vmul.f32 $1.131370830e+01, v4  }
0x75: {  	v4 =	vmul.f32 $1.131370830e+01, v5;
	v5 =	vld [tilespmem:s17+$0xFFFFFF60];
	[tilespmem:s0+$0xFFFFFFD0] =	vst v0  }
0x76: {  	v0 =	vld [tilespmem:s17+$0xFFFFFFE0];
	[tilespmem:s0+$0x50] =	vst v3;
	v2 =	vmul.f32 $1.131370830e+01, v2  }
0x77: {  	v3 =	vmul.f32 $1.131370830e+01, v7;
	[tilespmem:s18+$0xA0] =	vst v4;
	v7 =	vld [tilespmem:s17+$0x60]  }
0x78: {  	v1 =	vmul.f32 $1.131370830e+01, v1;
	v8 =	vld [tilespmem:s11+$0xB0];
	[tilespmem:s0+$0xE0] =	vst v2  }
0x79: {  	v2 =	vmul.f32 $1.131370830e+01, v6;
	[tilespmem:s18+$0xFFFFFFA0] =	vst v3;
	v3 =	vld [tilespmem:s17+$0xF0]  }
0x7a: {  	v6 =	vld [tilespmem:s11+$0xFFFFFFB0];
	[tilespmem:s18+$0x20] =	vst v1;
	v1 =	vmul.f32 $1.131370830e+01, v5  }
.Ltmp0:
0x7b: {  	[tilespmem:s18+$0xFFFFFF20] =	vst v2;
	v4 =	vld [tilespmem:s11+$0x30];
	v0 =	vmul.f32 $1.131370830e+01, v0;
	(pc) =	sbr.rel @p1 .LBB2_3-.Ltmp0, $4  }
0x7c: {  	v5 =	vld [tilespmem:s11+$0xFFFFFF30];
	[tilespmem:s0+$0xFFFFFF60] =	vst v1;
	v2 =	vmul.f32 $1.131370830e+01, v7  }
0x7d: {  	v7 =	vmul.f32 $1.131370830e+01, v8;
	v1 =	vld [tilespmem:s17+$0xFFFFFF70];
	[tilespmem:s0+$0xFFFFFFE0] =	vst v0  }
0x7e: {  	v0 =	vld [tilespmem:s17+$0xFFFFFFF0];
	[tilespmem:s0+$0x60] =	vst v2;
	v3 =	vmul.f32 $1.131370830e+01, v3  }
0x7f: {  	v6 =	vmul.f32 $1.131370830e+01, v6;
	[tilespmem:s18+$0xB0] =	vst v7;
	v2 =	vld [tilespmem:s17+$0x70];
	s17 =	smov.u32 s11;
	s11 =	sadd.s32 $0x200, s11  }
0x80: {  	_ = 	snop  }
0x81: {  	v5 =	vmul.f32 $1.131370830e+01, v5;
	_ =	sdelay $0x1  }
0x82: {  	v4 =	vmul.f32 $1.131370830e+01, v4;
	v7 =	vld [tilespmem:s17+$0xC0];
	[tilespmem:s18+$0xFFFFFF30] =	vst v5  }
0x83: {  	[tilespmem:s18+$0xFFFFFFB0] =	vst v6;
	v5 =	vld [tilespmem:s17+$0xFFFFFF40]  }
0x84: {  	[tilespmem:s18+$0x30] =	vst v4;
	v4 =	vld [tilespmem:s17+$0xFFFFFFC0]  }
0x85: {  	v6 =	vld [tilespmem:s17+$0x40];
	_ =	sdelay $0x1  }
0x86: {  	v7 =	vmul.f32 $1.131370830e+01, v7  }
0x87: {  	v5 =	vmul.f32 $1.131370830e+01, v5  }
0x88: {  	[tilespmem:s18+$0xC0] =	vst v7;
	v4 =	vmul.f32 $1.131370830e+01, v4  }
0x89: {  	v7 =	vld [tilespmem:s17+$0xD0];
	[tilespmem:s18+$0xFFFFFF40] =	vst v5;
	v5 =	vmul.f32 $1.131370830e+01, v6  }
0x8a: {  	[tilespmem:s18+$0xFFFFFFC0] =	vst v4;
	v6 =	vld [tilespmem:s17+$0xFFFFFF50]  }
0x8b: {  	v4 =	vld [tilespmem:s17+$0xFFFFFFD0];
	[tilespmem:s18+$0x40] =	vst v5  }
0x8c: {  	v5 =	vld [tilespmem:s17+$0x50];
	_ =	sdelay $0x1  }
0x8d: {  	v7 =	vmul.f32 $1.131370830e+01, v7  }
0x8e: {  	v6 =	vmul.f32 $1.131370830e+01, v6  }
0x8f: {  	[tilespmem:s18+$0xD0] =	vst v7;
	v4 =	vmul.f32 $1.131370830e+01, v4  }
0x90: {  	v7 =	vld [tilespmem:s17+$0xE0];
	[tilespmem:s18+$0xFFFFFF50] =	vst v6;
	v5 =	vmul.f32 $1.131370830e+01, v5  }
0x91: {  	[tilespmem:s18+$0xFFFFFFD0] =	vst v4;
	v6 =	vld [tilespmem:s17+$0xFFFFFF60]  }
0x92: {  	v4 =	vld [tilespmem:s17+$0xFFFFFFE0];
	[tilespmem:s18+$0x50] =	vst v5  }
0x93: {  	v5 =	vld [tilespmem:s17+$0x60];
	_ =	sdelay $0x1  }
0x94: {  	v7 =	vmul.f32 $1.131370830e+01, v7  }
0x95: {  	v6 =	vmul.f32 $1.131370830e+01, v6  }
0x96: {  	[tilespmem:s18+$0xE0] =	vst v7;
	v4 =	vmul.f32 $1.131370830e+01, v4  }
0x97: {  	v7 =	vld [tilespmem:s17+$0xF0];
	[tilespmem:s18+$0xFFFFFF60] =	vst v6;
	v5 =	vmul.f32 $1.131370830e+01, v5  }
0x98: {  	[tilespmem:s18+$0xFFFFFFE0] =	vst v4;
	v6 =	vld [tilespmem:s17+$0xFFFFFF70]  }
0x99: {  	v1 =	vmul.f32 $1.131370830e+01, v1;
	v4 =	vld [tilespmem:s17+$0xFFFFFFF0];
	[tilespmem:s18+$0x60] =	vst v5  }
0x9a: {  	[tilespmem:s0+$0xF0] =	vst v3;
	v0 =	vmul.f32 $1.131370830e+01, v0;
	v3 =	vld [tilespmem:s17+$0x70]  }
0x9b: {  	[tilespmem:s0+$0xFFFFFF70] =	vst v1;
	v1 =	vmul.f32 $1.131370830e+01, v2  }
0x9c: {  	[tilespmem:s0+$0xFFFFFFF0] =	vst v0;
	v0 =	vmul.f32 $1.131370830e+01, v7  }
0x9d: {  	[tilespmem:s0+$0x70] =	vst v1;
	v1 =	vmul.f32 $1.131370830e+01, v6  }
0x9e: {  	[tilespmem:s18+$0xF0] =	vst v0;
	v0 =	vmul.f32 $1.131370830e+01, v4  }
0x9f: {  	[tilespmem:s18+$0xFFFFFF70] =	vst v1;
	v1 =	vmul.f32 $1.131370830e+01, v3  }
0xa0: {  	s17 =	sshll.u32 s19, $0xB;
	[tilespmem:s18+$0xFFFFFFF0] =	vst v0  }
0xa1: {  	s19 =	sshll.u32 s31, $0x9;
	s0 =	sadd.s32 s3, s17;
	[tilespmem:s18+$0x70] =	vst v1  }
0xa2: {  	[hbm4b:s0+s4] =	stream.linear.scatter [tilespmem:s22], [sflag:$0x5], $0x4000, $0x38;
	[tilespmem:$0x19C00] =	vst v63  }
0xa3: {  	s0 =	sand.u32 $0x3FFFFE00, s19  }
0xa4: {  	s6 =	sadd.s32 $0x200, s0  }
0xa5: {  	[tilespmem:s15], [sflag:$0x1] =	stream.indirect.gather [hbm4b:s1+s14], $0x80, s6, s14, $0xb8;
	[tilespmem:$0x19C00] =	vst v63  }
0xa6: {  	_ =	swait.ge [sflag:s23], $0x4000  }
0xa7: {  	[sflag:s23] =	ssyncset.done $0x0  }
0xa8: {  	s6 =	simm.s32 @!p0 $0x6;
	[sflag:s23] =	ssyncadd.s32 $0xFFFFC000  }
0xa9: {  	_ =	swait.ge @!p0 [sflag:s6], $0x4000  }
0xaa: {  	[sflag:s6] =	ssyncset.done @!p0 $0x0  }
0xab: {  	[sflag:s6] =	ssyncadd.s32 @!p0 $0xFFFFC000  }
0xac: {  	v0 =	vld [tilespmem:s12+$0x80];
	_ =	sdelay $0x3  }
0xad: {  	v1 =	vld [tilespmem:s12+$0xFFFFFF00]  }
0xae: {  	v2 =	vld [tilespmem:s12+$0xFFFFFF80];
	v0 =	vmul.f32 $1.131370830e+01, v0  }
0xaf: {  	s17 =	simm.s32 $0x15D00;
	v3 =	vld [tilespmem:s12+$0x0]  }
0xb0: {  	[tilespmem:s17+$0x80] =	vst v0  }
0xb1: {  	v0 =	vld [tilespmem:s12+$0x90]  }
0xb2: {  	v1 =	vmul.f32 $1.131370830e+01, v1  }
0xb3: {  	v2 =	vmul.f32 $1.131370830e+01, v2  }
0xb4: {  	v3 =	vmul.f32 $1.131370830e+01, v3;
	[tilespmem:s17+$0xFFFFFF00] =	vst v1  }
0xb5: {  	[tilespmem:s17+$0xFFFFFF80] =	vst v2;
	v1 =	vld [tilespmem:s12+$0xFFFFFF10]  }
0xb6: {  	[tilespmem:s17+$0x0] =	vst v3;
	v2 =	vld [tilespmem:s12+$0xFFFFFF90];
	v0 =	vmul.f32 $1.131370830e+01, v0  }
0xb7: {  	v3 =	vld [tilespmem:s12+$0x10]  }
0xb8: {  	[tilespmem:s17+$0x90] =	vst v0  }
0xb9: {  	v0 =	vld [tilespmem:s12+$0xA0]  }
0xba: {  	v1 =	vmul.f32 $1.131370830e+01, v1  }
0xbb: {  	v2 =	vmul.f32 $1.131370830e+01, v2  }
0xbc: {  	v3 =	vmul.f32 $1.131370830e+01, v3;
	[tilespmem:s17+$0xFFFFFF10] =	vst v1  }
0xbd: {  	[tilespmem:s17+$0xFFFFFF90] =	vst v2;
	v1 =	vld [tilespmem:s12+$0xFFFFFF20]  }
0xbe: {  	[tilespmem:s17+$0x10] =	vst v3;
	v2 =	vld [tilespmem:s12+$0xFFFFFFA0];
	v0 =	vmul.f32 $1.131370830e+01, v0  }
0xbf: {  	v3 =	vld [tilespmem:s12+$0x20]  }
0xc0: {  	[tilespmem:s17+$0xA0] =	vst v0  }
0xc1: {  	v0 =	vld [tilespmem:s12+$0xB0]  }
0xc2: {  	v1 =	vmul.f32 $1.131370830e+01, v1  }
0xc3: {  	v2 =	vmul.f32 $1.131370830e+01, v2  }
0xc4: {  	v3 =	vmul.f32 $1.131370830e+01, v3;
	[tilespmem:s17+$0xFFFFFF20] =	vst v1  }
0xc5: {  	[tilespmem:s17+$0xFFFFFFA0] =	vst v2;
	v1 =	vld [tilespmem:s12+$0xFFFFFF30]  }
0xc6: {  	[tilespmem:s17+$0x20] =	vst v3;
	v2 =	vld [tilespmem:s12+$0xFFFFFFB0];
	v0 =	vmul.f32 $1.131370830e+01, v0  }
0xc7: {  	s18 =	simm.s32 $0x5F00;
	v3 =	vld [tilespmem:s12+$0x30]  }
0xc8: {  	[tilespmem:s17+$0xB0] =	vst v0;
	v0 =	vld [tilespmem:s18+$0x80]  }
0xc9: {  	v4 =	vld [tilespmem:s12+$0xC0]  }
0xca: {  	v5 =	vld [tilespmem:s18+$0xFFFFFF80];
	v1 =	vmul.f32 $1.131370830e+01, v1  }
0xcb: {  	v6 =	vld [tilespmem:s18+$0x0];
	v2 =	vmul.f32 $1.131370830e+01, v2  }
0xcc: {  	v3 =	vmul.f32 $1.131370830e+01, v3;
	[tilespmem:s17+$0xFFFFFF30] =	vst v1;
	v1 =	vld [tilespmem:s18+$0xFFFFFF00]  }
0xcd: {  	[tilespmem:s17+$0xFFFFFFB0] =	vst v2;
	v2 =	vld [tilespmem:s12+$0xFFFFFF40];
	v0 =	vmul.f32 $1.131370830e+01, v0  }
0xce: {  	s19 =	simm.s32 $0x15F00;
	[tilespmem:s17+$0x30] =	vst v3;
	v3 =	vld [tilespmem:s12+$0xFFFFFFC0];
	v4 =	vmul.f32 $1.131370830e+01, v4  }
0xcf: {  	v5 =	vmul.f32 $1.131370830e+01, v5;
	[tilespmem:s19+$0x80] =	vst v0;
	v0 =	vld [tilespmem:s12+$0x40]  }
0xd0: {  	v6 =	vmul.f32 $1.131370830e+01, v6;
	v7 =	vld [tilespmem:s18+$0x90];
	[tilespmem:s17+$0xC0] =	vst v4  }
0xd1: {  	[tilespmem:s19+$0xFFFFFF80] =	vst v5;
	v1 =	vmul.f32 $1.131370830e+01, v1;
	v4 =	vld [tilespmem:s12+$0xD0]  }
0xd2: {  	[tilespmem:s19+$0x0] =	vst v6;
	v5 =	vld [tilespmem:s18+$0xFFFFFF90];
	v2 =	vmul.f32 $1.131370830e+01, v2  }
0xd3: {  	v3 =	vmul.f32 $1.131370830e+01, v3;
	[tilespmem:s19+$0xFFFFFF00] =	vst v1;
	v1 =	vld [tilespmem:s18+$0x10]  }
0xd4: {  	v6 =	vld [tilespmem:s18+$0xFFFFFF10];
	[tilespmem:s17+$0xFFFFFF40] =	vst v2;
	v0 =	vmul.f32 $1.131370830e+01, v0  }
0xd5: {  	[tilespmem:s17+$0xFFFFFFC0] =	vst v3;
	v2 =	vmul.f32 $1.131370830e+01, v7;
	v7 =	vld [tilespmem:s12+$0xFFFFFF50]  }
0xd6: {  	v3 =	vld [tilespmem:s12+$0xFFFFFFD0];
	[tilespmem:s17+$0x40] =	vst v0;
	v0 =	vmul.f32 $1.131370830e+01, v4  }
0xd7: {  	v4 =	vmul.f32 $1.131370830e+01, v5;
	[tilespmem:s19+$0x90] =	vst v2;
	v2 =	vld [tilespmem:s12+$0x50]  }
0xd8: {  	v1 =	vmul.f32 $1.131370830e+01, v1;
	v5 =	vld [tilespmem:s18+$0xA0];
	[tilespmem:s17+$0xD0] =	vst v0  }
0xd9: {  	v0 =	vmul.f32 $1.131370830e+01, v6;
	[tilespmem:s19+$0xFFFFFF90] =	vst v4;
	v4 =	vld [tilespmem:s12+$0xE0]  }
0xda: {  	[tilespmem:s19+$0x10] =	vst v1;
	v6 =	vld [tilespmem:s18+$0xFFFFFFA0];
	v1 =	vmul.f32 $1.131370830e+01, v7  }
0xdb: {  	v3 =	vmul.f32 $1.131370830e+01, v3;
	[tilespmem:s19+$0xFFFFFF10] =	vst v0;
	v0 =	vld [tilespmem:s18+$0x20]  }
0xdc: {  	v7 =	vld [tilespmem:s18+$0xFFFFFF20];
	[tilespmem:s17+$0xFFFFFF50] =	vst v1;
	v1 =	vmul.f32 $1.131370830e+01, v2  }
0xdd: {  	[tilespmem:s17+$0xFFFFFFD0] =	vst v3;
	v2 =	vmul.f32 $1.131370830e+01, v5;
	v5 =	vld [tilespmem:s12+$0xFFFFFF60]  }
0xde: {  	v3 =	vld [tilespmem:s12+$0xFFFFFFE0];
	[tilespmem:s17+$0x50] =	vst v1;
	v1 =	vmul.f32 $1.131370830e+01, v4  }
0xdf: {  	v4 =	vmul.f32 $1.131370830e+01, v6;
	[tilespmem:s19+$0xA0] =	vst v2;
	v2 =	vld [tilespmem:s12+$0x60]  }
0xe0: {  	v0 =	vmul.f32 $1.131370830e+01, v0;
	v6 =	vld [tilespmem:s18+$0xB0];
	[tilespmem:s17+$0xE0] =	vst v1  }
0xe1: {  	v1 =	vmul.f32 $1.131370830e+01, v7;
	[tilespmem:s19+$0xFFFFFFA0] =	vst v4;
	v7 =	vld [tilespmem:s12+$0xF0]  }
0xe2: {  	v8 =	vld [tilespmem:s18+$0xFFFFFFB0];
	[tilespmem:s19+$0x20] =	vst v0;
	v0 =	vmul.f32 $1.131370830e+01, v5  }
0xe3: {  	v3 =	vmul.f32 $1.131370830e+01, v3;
	[tilespmem:s19+$0xFFFFFF20] =	vst v1;
	v4 =	vld [tilespmem:s18+$0x30]  }
0xe4: {  	v5 =	vld [tilespmem:s18+$0xFFFFFF30];
	[tilespmem:s17+$0xFFFFFF60] =	vst v0;
	v2 =	vmul.f32 $1.131370830e+01, v2  }
0xe5: {  	[tilespmem:s17+$0xFFFFFFE0] =	vst v3;
	v9 =	vmul.f32 $1.131370830e+01, v6;
	v1 =	vld [tilespmem:s12+$0xFFFFFF70]  }
0xe6: {  	v0 =	vld [tilespmem:s12+$0xFFFFFFF0];
	[tilespmem:s17+$0x60] =	vst v2;
	v3 =	vmul.f32 $1.131370830e+01, v7  }
0xe7: {  	s10 =	simm.s32 $0x4;
	s11 =	simm.s32 $0x6100;
	s6 =	sadd.s32 s2, s7;
	v6 =	vmul.f32 $1.131370830e+01, v8;
	[tilespmem:s19+$0xB0] =	vst v9;
	v2 =	vld [tilespmem:s12+$0x70]  }
.LBB2_5:
0xe8: {  	v7 =	vld [tilespmem:s11+$0x80];
	v4 =	vmul.f32 $1.131370830e+01, v4;
	[tilespmem:s17+$0xF0] =	vst v3  }
0xe9: {  	s10 =	sadd.s32 $0x4, s10;
	v3 =	vmul.f32 $1.131370830e+01, v5;
	[tilespmem:s19+$0xFFFFFFB0] =	vst v6;
	v5 =	vld [tilespmem:s18+$0xC0]  }
0xea: {  	p0 =	slt.u32 s10, $0x7C;
	v6 =	vld [tilespmem:s11+$0xFFFFFF80];
	[tilespmem:s19+$0x30] =	vst v4;
	v1 =	vmul.f32 $1.131370830e+01, v1  }
0xeb: {  	v4 =	vld [tilespmem:s11+$0x0];
	[tilespmem:s19+$0xFFFFFF30] =	vst v3;
	v0 =	vmul.f32 $1.131370830e+01, v0  }
0xec: {  	v3 =	vld [tilespmem:s11+$0xFFFFFF00];
	[tilespmem:s17+$0xFFFFFF70] =	vst v1;
	v1 =	vmul.f32 $1.131370830e+01, v2  }
0xed: {  	v2 =	vmul.f32 $1.131370830e+01, v7;
	v7 =	vld [tilespmem:s18+$0xFFFFFF40];
	[tilespmem:s17+$0xFFFFFFF0] =	vst v0  }
0xee: {  	v0 =	vld [tilespmem:s18+$0xFFFFFFC0];
	v5 =	vmul.f32 $1.131370830e+01, v5;
	[tilespmem:s17+$0x70] =	vst v1;
	s17 =	smov.u32 s19;
	s19 =	sadd.s32 $0x200, s19  }
0xef: {  	v1 =	vmul.f32 $1.131370830e+01, v6;
	[tilespmem:s19+$0x80] =	vst v2;
	v2 =	vld [tilespmem:s18+$0x40]  }
0xf0: {  	v4 =	vmul.f32 $1.131370830e+01, v4;
	v6 =	vld [tilespmem:s11+$0x90];
	[tilespmem:s17+$0xC0] =	vst v5  }
0xf1: {  	v3 =	vmul.f32 $1.131370830e+01, v3;
	[tilespmem:s19+$0xFFFFFF80] =	vst v1;
	v1 =	vld [tilespmem:s18+$0xD0]  }
0xf2: {  	v5 =	vld [tilespmem:s11+$0xFFFFFF90];
	[tilespmem:s19+$0x0] =	vst v4;
	v4 =	vmul.f32 $1.131370830e+01, v7  }
0xf3: {  	[tilespmem:s19+$0xFFFFFF00] =	vst v3;
	v3 =	vld [tilespmem:s11+$0x10];
	v0 =	vmul.f32 $1.131370830e+01, v0  }
0xf4: {  	v7 =	vld [tilespmem:s11+$0xFFFFFF10];
	[tilespmem:s17+$0xFFFFFF40] =	vst v4;
	v2 =	vmul.f32 $1.131370830e+01, v2  }
0xf5: {  	v4 =	vmul.f32 $1.131370830e+01, v6;
	v6 =	vld [tilespmem:s18+$0xFFFFFF50];
	[tilespmem:s17+$0xFFFFFFC0] =	vst v0  }
0xf6: {  	v0 =	vld [tilespmem:s18+$0xFFFFFFD0];
	[tilespmem:s17+$0x40] =	vst v2;
	v1 =	vmul.f32 $1.131370830e+01, v1  }
0xf7: {  	v2 =	vmul.f32 $1.131370830e+01, v5;
	[tilespmem:s19+$0x90] =	vst v4;
	v4 =	vld [tilespmem:s18+$0x50]  }
0xf8: {  	v3 =	vmul.f32 $1.131370830e+01, v3;
	v5 =	vld [tilespmem:s11+$0xA0];
	[tilespmem:s17+$0xD0] =	vst v1  }
0xf9: {  	v1 =	vmul.f32 $1.131370830e+01, v7;
	[tilespmem:s19+$0xFFFFFF90] =	vst v2;
	v2 =	vld [tilespmem:s18+$0xE0]  }
0xfa: {  	v7 =	vld [tilespmem:s11+$0xFFFFFFA0];
	[tilespmem:s19+$0x10] =	vst v3;
	v3 =	vmul.f32 $1.131370830e+01, v6  }
0xfb: {  	[tilespmem:s19+$0xFFFFFF10] =	vst v1;
	v1 =	vld [tilespmem:s11+$0x20];
	v0 =	vmul.f32 $1.131370830e+01, v0  }
0xfc: {  	v6 =	vld [tilespmem:s11+$0xFFFFFF20];
	[tilespmem:s17+$0xFFFFFF50] =	vst v3;
	v3 =	vmul.f32 $1.131370830e+01, v4  }
0xfd: {  	v4 =	vmul.f32 $1.131370830e+01, v5;
	v5 =	vld [tilespmem:s18+$0xFFFFFF60];
	[tilespmem:s17+$0xFFFFFFD0] =	vst v0  }
0xfe: {  	v0 =	vld [tilespmem:s18+$0xFFFFFFE0];
	[tilespmem:s17+$0x50] =	vst v3;
	v2 =	vmul.f32 $1.131370830e+01, v2  }
0xff: {  	v3 =	vmul.f32 $1.131370830e+01, v7;
	[tilespmem:s19+$0xA0] =	vst v4;
	v7 =	vld [tilespmem:s18+$0x60]  }
0x100: {  	v1 =	vmul.f32 $1.131370830e+01, v1;
	v8 =	vld [tilespmem:s11+$0xB0];
	[tilespmem:s17+$0xE0] =	vst v2  }
0x101: {  	v2 =	vmul.f32 $1.131370830e+01, v6;
	[tilespmem:s19+$0xFFFFFFA0] =	vst v3;
	v3 =	vld [tilespmem:s18+$0xF0]  }
0x102: {  	v6 =	vld [tilespmem:s11+$0xFFFFFFB0];
	[tilespmem:s19+$0x20] =	vst v1;
	v1 =	vmul.f32 $1.131370830e+01, v5  }
.Ltmp1:
0x103: {  	[tilespmem:s19+$0xFFFFFF20] =	vst v2;
	v4 =	vld [tilespmem:s11+$0x30];
	v0 =	vmul.f32 $1.131370830e+01, v0;
	(pc) =	sbr.rel @p0 .LBB2_5-.Ltmp1, $4  }
0x104: {  	v5 =	vld [tilespmem:s11+$0xFFFFFF30];
	[tilespmem:s17+$0xFFFFFF60] =	vst v1;
	v2 =	vmul.f32 $1.131370830e+01, v7  }
0x105: {  	v7 =	vmul.f32 $1.131370830e+01, v8;
	v1 =	vld [tilespmem:s18+$0xFFFFFF70];
	[tilespmem:s17+$0xFFFFFFE0] =	vst v0  }
0x106: {  	v0 =	vld [tilespmem:s18+$0xFFFFFFF0];
	[tilespmem:s17+$0x60] =	vst v2;
	v3 =	vmul.f32 $1.131370830e+01, v3  }
0x107: {  	v6 =	vmul.f32 $1.131370830e+01, v6;
	[tilespmem:s19+$0xB0] =	vst v7;
	v2 =	vld [tilespmem:s18+$0x70];
	s18 =	smov.u32 s11;
	s11 =	sadd.s32 $0x200, s11  }
0x108: {  	_ = 	snop  }
0x109: {  	v5 =	vmul.f32 $1.131370830e+01, v5;
	_ =	sdelay $0x1  }
0x10a: {  	v4 =	vmul.f32 $1.131370830e+01, v4;
	v7 =	vld [tilespmem:s18+$0xC0];
	[tilespmem:s19+$0xFFFFFF30] =	vst v5  }
0x10b: {  	[tilespmem:s19+$0xFFFFFFB0] =	vst v6;
	v5 =	vld [tilespmem:s18+$0xFFFFFF40]  }
0x10c: {  	[tilespmem:s19+$0x30] =	vst v4;
	v4 =	vld [tilespmem:s18+$0xFFFFFFC0]  }
0x10d: {  	v6 =	vld [tilespmem:s18+$0x40];
	_ =	sdelay $0x1  }
0x10e: {  	v7 =	vmul.f32 $1.131370830e+01, v7  }
0x10f: {  	v5 =	vmul.f32 $1.131370830e+01, v5  }
0x110: {  	[tilespmem:s19+$0xC0] =	vst v7;
	v4 =	vmul.f32 $1.131370830e+01, v4  }
0x111: {  	v7 =	vld [tilespmem:s18+$0xD0];
	[tilespmem:s19+$0xFFFFFF40] =	vst v5;
	v5 =	vmul.f32 $1.131370830e+01, v6  }
0x112: {  	[tilespmem:s19+$0xFFFFFFC0] =	vst v4;
	v6 =	vld [tilespmem:s18+$0xFFFFFF50]  }
0x113: {  	v4 =	vld [tilespmem:s18+$0xFFFFFFD0];
	[tilespmem:s19+$0x40] =	vst v5  }
0x114: {  	v5 =	vld [tilespmem:s18+$0x50];
	_ =	sdelay $0x1  }
0x115: {  	v7 =	vmul.f32 $1.131370830e+01, v7  }
0x116: {  	v6 =	vmul.f32 $1.131370830e+01, v6  }
0x117: {  	[tilespmem:s19+$0xD0] =	vst v7;
	v4 =	vmul.f32 $1.131370830e+01, v4  }
0x118: {  	v7 =	vld [tilespmem:s18+$0xE0];
	[tilespmem:s19+$0xFFFFFF50] =	vst v6;
	v5 =	vmul.f32 $1.131370830e+01, v5  }
0x119: {  	[tilespmem:s19+$0xFFFFFFD0] =	vst v4;
	v6 =	vld [tilespmem:s18+$0xFFFFFF60]  }
0x11a: {  	v4 =	vld [tilespmem:s18+$0xFFFFFFE0];
	[tilespmem:s19+$0x50] =	vst v5  }
0x11b: {  	v5 =	vld [tilespmem:s18+$0x60];
	_ =	sdelay $0x1  }
0x11c: {  	v7 =	vmul.f32 $1.131370830e+01, v7  }
0x11d: {  	v6 =	vmul.f32 $1.131370830e+01, v6  }
0x11e: {  	[tilespmem:s19+$0xE0] =	vst v7;
	v4 =	vmul.f32 $1.131370830e+01, v4  }
0x11f: {  	v7 =	vld [tilespmem:s18+$0xF0];
	[tilespmem:s19+$0xFFFFFF60] =	vst v6;
	v5 =	vmul.f32 $1.131370830e+01, v5  }
0x120: {  	[tilespmem:s19+$0xFFFFFFE0] =	vst v4;
	v6 =	vld [tilespmem:s18+$0xFFFFFF70]  }
0x121: {  	v1 =	vmul.f32 $1.131370830e+01, v1;
	v4 =	vld [tilespmem:s18+$0xFFFFFFF0];
	[tilespmem:s19+$0x60] =	vst v5  }
0x122: {  	[tilespmem:s17+$0xF0] =	vst v3;
	v0 =	vmul.f32 $1.131370830e+01, v0;
	v3 =	vld [tilespmem:s18+$0x70]  }
0x123: {  	[tilespmem:s17+$0xFFFFFF70] =	vst v1;
	v1 =	vmul.f32 $1.131370830e+01, v2  }
0x124: {  	[tilespmem:s17+$0xFFFFFFF0] =	vst v0;
	v0 =	vmul.f32 $1.131370830e+01, v7  }
0x125: {  	[tilespmem:s17+$0x70] =	vst v1;
	v1 =	vmul.f32 $1.131370830e+01, v6  }
0x126: {  	[tilespmem:s19+$0xF0] =	vst v0;
	v0 =	vmul.f32 $1.131370830e+01, v4  }
0x127: {  	s6 =	sshll.u32 s6, $0xB;
	[tilespmem:s19+$0xFFFFFF70] =	vst v1;
	v1 =	vmul.f32 $1.131370830e+01, v3  }
0x128: {  	s6 =	sand.u32 $0x1FFFF800, s6;
	[tilespmem:s19+$0xFFFFFFF0] =	vst v0  }
0x129: {  	s6 =	sadd.s32 s3, s6;
	[tilespmem:s19+$0x70] =	vst v1  }
0x12a: {  	[hbm4b:s6+s4] =	stream.linear.scatter [tilespmem:s24], [sflag:$0x6], $0x4000, $0x38;
	[tilespmem:$0x19C00] =	vst v63  }
0x12b: {  	s19 =	sadd.s32 $0x280, s0  }
0x12c: {  	[tilespmem:s16], [sflag:$0x2] =	stream.indirect.gather [hbm4b:s1+s14], $0x80, s19, s14, $0xb8;
	[tilespmem:$0x19C00] =	vst v63  }
0x12d: {  	_ =	swait.ge [sflag:s25], $0x4000  }
0x12e: {  	[sflag:s25] =	ssyncset.done $0x0  }
0x12f: {  	[sflag:s25] =	ssyncadd.s32 $0xFFFFC000  }
0x130: {  	_ =	swait.ge [sflag:s26], $0x4000  }
0x131: {  	[sflag:s26] =	ssyncset.done $0x0  }
0x132: {  	s11 =	simm.s32 $0x9D00;
	[sflag:s26] =	ssyncadd.s32 $0xFFFFC000  }
0x133: {  	v0 =	vld [tilespmem:s11+$0x80];
	_ =	sdelay $0x3  }
0x134: {  	v1 =	vld [tilespmem:s11+$0xFFFFFF00]  }
0x135: {  	v2 =	vld [tilespmem:s11+$0xFFFFFF80];
	v0 =	vmul.f32 $1.131370830e+01, v0  }
0x136: {  	s17 =	simm.s32 $0x11D00;
	v3 =	vld [tilespmem:s11+$0x0]  }
0x137: {  	[tilespmem:s17+$0x80] =	vst v0  }
0x138: {  	v0 =	vld [tilespmem:s11+$0x90]  }
0x139: {  	v1 =	vmul.f32 $1.131370830e+01, v1  }
0x13a: {  	v2 =	vmul.f32 $1.131370830e+01, v2  }
0x13b: {  	v3 =	vmul.f32 $1.131370830e+01, v3;
	[tilespmem:s17+$0xFFFFFF00] =	vst v1  }
0x13c: {  	[tilespmem:s17+$0xFFFFFF80] =	vst v2;
	v1 =	vld [tilespmem:s11+$0xFFFFFF10]  }
0x13d: {  	[tilespmem:s17+$0x0] =	vst v3;
	v2 =	vld [tilespmem:s11+$0xFFFFFF90];
	v0 =	vmul.f32 $1.131370830e+01, v0  }
0x13e: {  	v3 =	vld [tilespmem:s11+$0x10]  }
0x13f: {  	[tilespmem:s17+$0x90] =	vst v0  }
0x140: {  	v0 =	vld [tilespmem:s11+$0xA0]  }
0x141: {  	v1 =	vmul.f32 $1.131370830e+01, v1  }
0x142: {  	v2 =	vmul.f32 $1.131370830e+01, v2  }
0x143: {  	v3 =	vmul.f32 $1.131370830e+01, v3;
	[tilespmem:s17+$0xFFFFFF10] =	vst v1  }
0x144: {  	[tilespmem:s17+$0xFFFFFF90] =	vst v2;
	v1 =	vld [tilespmem:s11+$0xFFFFFF20]  }
0x145: {  	[tilespmem:s17+$0x10] =	vst v3;
	v2 =	vld [tilespmem:s11+$0xFFFFFFA0];
	v0 =	vmul.f32 $1.131370830e+01, v0  }
0x146: {  	v3 =	vld [tilespmem:s11+$0x20]  }
0x147: {  	[tilespmem:s17+$0xA0] =	vst v0  }
0x148: {  	v0 =	vld [tilespmem:s11+$0xB0]  }
0x149: {  	v1 =	vmul.f32 $1.131370830e+01, v1  }
0x14a: {  	v2 =	vmul.f32 $1.131370830e+01, v2  }
0x14b: {  	v3 =	vmul.f32 $1.131370830e+01, v3;
	[tilespmem:s17+$0xFFFFFF20] =	vst v1  }
0x14c: {  	[tilespmem:s17+$0xFFFFFFA0] =	vst v2;
	v1 =	vld [tilespmem:s11+$0xFFFFFF30]  }
0x14d: {  	[tilespmem:s17+$0x20] =	vst v3;
	v2 =	vld [tilespmem:s11+$0xFFFFFFB0];
	v0 =	vmul.f32 $1.131370830e+01, v0  }
0x14e: {  	s18 =	simm.s32 $0x9F00;
	v3 =	vld [tilespmem:s11+$0x30]  }
0x14f: {  	[tilespmem:s17+$0xB0] =	vst v0;
	v0 =	vld [tilespmem:s18+$0x80]  }
0x150: {  	v4 =	vld [tilespmem:s11+$0xC0]  }
0x151: {  	v5 =	vld [tilespmem:s18+$0xFFFFFF80];
	v1 =	vmul.f32 $1.131370830e+01, v1  }
0x152: {  	v6 =	vld [tilespmem:s18+$0x0];
	v2 =	vmul.f32 $1.131370830e+01, v2  }
0x153: {  	v3 =	vmul.f32 $1.131370830e+01, v3;
	[tilespmem:s17+$0xFFFFFF30] =	vst v1;
	v1 =	vld [tilespmem:s18+$0xFFFFFF00]  }
0x154: {  	[tilespmem:s17+$0xFFFFFFB0] =	vst v2;
	v2 =	vld [tilespmem:s11+$0xFFFFFF40];
	v0 =	vmul.f32 $1.131370830e+01, v0  }
0x155: {  	s19 =	simm.s32 $0x11F00;
	[tilespmem:s17+$0x30] =	vst v3;
	v3 =	vld [tilespmem:s11+$0xFFFFFFC0];
	v4 =	vmul.f32 $1.131370830e+01, v4  }
0x156: {  	v5 =	vmul.f32 $1.131370830e+01, v5;
	[tilespmem:s19+$0x80] =	vst v0;
	v0 =	vld [tilespmem:s11+$0x40]  }
0x157: {  	v6 =	vmul.f32 $1.131370830e+01, v6;
	v7 =	vld [tilespmem:s18+$0x90];
	[tilespmem:s17+$0xC0] =	vst v4  }
0x158: {  	[tilespmem:s19+$0xFFFFFF80] =	vst v5;
	v1 =	vmul.f32 $1.131370830e+01, v1;
	v4 =	vld [tilespmem:s11+$0xD0]  }
0x159: {  	[tilespmem:s19+$0x0] =	vst v6;
	v5 =	vld [tilespmem:s18+$0xFFFFFF90];
	v2 =	vmul.f32 $1.131370830e+01, v2  }
0x15a: {  	v3 =	vmul.f32 $1.131370830e+01, v3;
	[tilespmem:s19+$0xFFFFFF00] =	vst v1;
	v1 =	vld [tilespmem:s18+$0x10]  }
0x15b: {  	v6 =	vld [tilespmem:s18+$0xFFFFFF10];
	[tilespmem:s17+$0xFFFFFF40] =	vst v2;
	v0 =	vmul.f32 $1.131370830e+01, v0  }
0x15c: {  	[tilespmem:s17+$0xFFFFFFC0] =	vst v3;
	v2 =	vmul.f32 $1.131370830e+01, v7;
	v7 =	vld [tilespmem:s11+$0xFFFFFF50]  }
0x15d: {  	v3 =	vld [tilespmem:s11+$0xFFFFFFD0];
	[tilespmem:s17+$0x40] =	vst v0;
	v0 =	vmul.f32 $1.131370830e+01, v4  }
0x15e: {  	v4 =	vmul.f32 $1.131370830e+01, v5;
	[tilespmem:s19+$0x90] =	vst v2;
	v2 =	vld [tilespmem:s11+$0x50]  }
0x15f: {  	v1 =	vmul.f32 $1.131370830e+01, v1;
	v5 =	vld [tilespmem:s18+$0xA0];
	[tilespmem:s17+$0xD0] =	vst v0  }
0x160: {  	v0 =	vmul.f32 $1.131370830e+01, v6;
	[tilespmem:s19+$0xFFFFFF90] =	vst v4;
	v4 =	vld [tilespmem:s11+$0xE0]  }
0x161: {  	[tilespmem:s19+$0x10] =	vst v1;
	v6 =	vld [tilespmem:s18+$0xFFFFFFA0];
	v1 =	vmul.f32 $1.131370830e+01, v7  }
0x162: {  	v3 =	vmul.f32 $1.131370830e+01, v3;
	[tilespmem:s19+$0xFFFFFF10] =	vst v0;
	v0 =	vld [tilespmem:s18+$0x20]  }
0x163: {  	v7 =	vld [tilespmem:s18+$0xFFFFFF20];
	[tilespmem:s17+$0xFFFFFF50] =	vst v1;
	v1 =	vmul.f32 $1.131370830e+01, v2  }
0x164: {  	[tilespmem:s17+$0xFFFFFFD0] =	vst v3;
	v2 =	vmul.f32 $1.131370830e+01, v5;
	v5 =	vld [tilespmem:s11+$0xFFFFFF60]  }
0x165: {  	v3 =	vld [tilespmem:s11+$0xFFFFFFE0];
	[tilespmem:s17+$0x50] =	vst v1;
	v1 =	vmul.f32 $1.131370830e+01, v4  }
0x166: {  	v4 =	vmul.f32 $1.131370830e+01, v6;
	[tilespmem:s19+$0xA0] =	vst v2;
	v2 =	vld [tilespmem:s11+$0x60]  }
0x167: {  	v0 =	vmul.f32 $1.131370830e+01, v0;
	v6 =	vld [tilespmem:s18+$0xB0];
	[tilespmem:s17+$0xE0] =	vst v1  }
0x168: {  	v1 =	vmul.f32 $1.131370830e+01, v7;
	[tilespmem:s19+$0xFFFFFFA0] =	vst v4;
	v7 =	vld [tilespmem:s11+$0xF0]  }
0x169: {  	v8 =	vld [tilespmem:s18+$0xFFFFFFB0];
	[tilespmem:s19+$0x20] =	vst v0;
	v0 =	vmul.f32 $1.131370830e+01, v5  }
0x16a: {  	v3 =	vmul.f32 $1.131370830e+01, v3;
	[tilespmem:s19+$0xFFFFFF20] =	vst v1;
	v4 =	vld [tilespmem:s18+$0x30]  }
0x16b: {  	v5 =	vld [tilespmem:s18+$0xFFFFFF30];
	[tilespmem:s17+$0xFFFFFF60] =	vst v0;
	v2 =	vmul.f32 $1.131370830e+01, v2  }
0x16c: {  	[tilespmem:s17+$0xFFFFFFE0] =	vst v3;
	v9 =	vmul.f32 $1.131370830e+01, v6;
	v1 =	vld [tilespmem:s11+$0xFFFFFF70]  }
0x16d: {  	v0 =	vld [tilespmem:s11+$0xFFFFFFF0];
	[tilespmem:s17+$0x60] =	vst v2;
	v3 =	vmul.f32 $1.131370830e+01, v7  }
0x16e: {  	s10 =	simm.s32 $0xA100;
	s6 =	simm.s32 $0x4;
	v6 =	vmul.f32 $1.131370830e+01, v8;
	[tilespmem:s19+$0xB0] =	vst v9;
	v2 =	vld [tilespmem:s11+$0x70]  }
.LBB2_7:
0x16f: {  	v7 =	vld [tilespmem:s10+$0x80];
	v4 =	vmul.f32 $1.131370830e+01, v4;
	[tilespmem:s17+$0xF0] =	vst v3  }
0x170: {  	s6 =	sadd.s32 $0x4, s6;
	v3 =	vmul.f32 $1.131370830e+01, v5;
	[tilespmem:s19+$0xFFFFFFB0] =	vst v6;
	v5 =	vld [tilespmem:s18+$0xC0]  }
0x171: {  	p0 =	slt.u32 s6, $0x7C;
	v6 =	vld [tilespmem:s10+$0xFFFFFF80];
	[tilespmem:s19+$0x30] =	vst v4;
	v1 =	vmul.f32 $1.131370830e+01, v1  }
0x172: {  	v4 =	vld [tilespmem:s10+$0x0];
	[tilespmem:s19+$0xFFFFFF30] =	vst v3;
	v0 =	vmul.f32 $1.131370830e+01, v0  }
0x173: {  	v3 =	vld [tilespmem:s10+$0xFFFFFF00];
	[tilespmem:s17+$0xFFFFFF70] =	vst v1;
	v1 =	vmul.f32 $1.131370830e+01, v2  }
0x174: {  	v2 =	vmul.f32 $1.131370830e+01, v7;
	v7 =	vld [tilespmem:s18+$0xFFFFFF40];
	[tilespmem:s17+$0xFFFFFFF0] =	vst v0  }
0x175: {  	v0 =	vld [tilespmem:s18+$0xFFFFFFC0];
	v5 =	vmul.f32 $1.131370830e+01, v5;
	[tilespmem:s17+$0x70] =	vst v1;
	s17 =	smov.u32 s19;
	s19 =	sadd.s32 $0x200, s19  }
0x176: {  	v1 =	vmul.f32 $1.131370830e+01, v6;
	[tilespmem:s19+$0x80] =	vst v2;
	v2 =	vld [tilespmem:s18+$0x40]  }
0x177: {  	v4 =	vmul.f32 $1.131370830e+01, v4;
	v6 =	vld [tilespmem:s10+$0x90];
	[tilespmem:s17+$0xC0] =	vst v5  }
0x178: {  	v3 =	vmul.f32 $1.131370830e+01, v3;
	[tilespmem:s19+$0xFFFFFF80] =	vst v1;
	v1 =	vld [tilespmem:s18+$0xD0]  }
0x179: {  	v5 =	vld [tilespmem:s10+$0xFFFFFF90];
	[tilespmem:s19+$0x0] =	vst v4;
	v4 =	vmul.f32 $1.131370830e+01, v7  }
0x17a: {  	[tilespmem:s19+$0xFFFFFF00] =	vst v3;
	v3 =	vld [tilespmem:s10+$0x10];
	v0 =	vmul.f32 $1.131370830e+01, v0  }
0x17b: {  	v7 =	vld [tilespmem:s10+$0xFFFFFF10];
	[tilespmem:s17+$0xFFFFFF40] =	vst v4;
	v2 =	vmul.f32 $1.131370830e+01, v2  }
0x17c: {  	v4 =	vmul.f32 $1.131370830e+01, v6;
	v6 =	vld [tilespmem:s18+$0xFFFFFF50];
	[tilespmem:s17+$0xFFFFFFC0] =	vst v0  }
0x17d: {  	v0 =	vld [tilespmem:s18+$0xFFFFFFD0];
	[tilespmem:s17+$0x40] =	vst v2;
	v1 =	vmul.f32 $1.131370830e+01, v1  }
0x17e: {  	v2 =	vmul.f32 $1.131370830e+01, v5;
	[tilespmem:s19+$0x90] =	vst v4;
	v4 =	vld [tilespmem:s18+$0x50]  }
0x17f: {  	v3 =	vmul.f32 $1.131370830e+01, v3;
	v5 =	vld [tilespmem:s10+$0xA0];
	[tilespmem:s17+$0xD0] =	vst v1  }
0x180: {  	v1 =	vmul.f32 $1.131370830e+01, v7;
	[tilespmem:s19+$0xFFFFFF90] =	vst v2;
	v2 =	vld [tilespmem:s18+$0xE0]  }
0x181: {  	v7 =	vld [tilespmem:s10+$0xFFFFFFA0];
	[tilespmem:s19+$0x10] =	vst v3;
	v3 =	vmul.f32 $1.131370830e+01, v6  }
0x182: {  	[tilespmem:s19+$0xFFFFFF10] =	vst v1;
	v1 =	vld [tilespmem:s10+$0x20];
	v0 =	vmul.f32 $1.131370830e+01, v0  }
0x183: {  	v6 =	vld [tilespmem:s10+$0xFFFFFF20];
	[tilespmem:s17+$0xFFFFFF50] =	vst v3;
	v3 =	vmul.f32 $1.131370830e+01, v4  }
0x184: {  	v4 =	vmul.f32 $1.131370830e+01, v5;
	v5 =	vld [tilespmem:s18+$0xFFFFFF60];
	[tilespmem:s17+$0xFFFFFFD0] =	vst v0  }
0x185: {  	v0 =	vld [tilespmem:s18+$0xFFFFFFE0];
	[tilespmem:s17+$0x50] =	vst v3;
	v2 =	vmul.f32 $1.131370830e+01, v2  }
0x186: {  	v3 =	vmul.f32 $1.131370830e+01, v7;
	[tilespmem:s19+$0xA0] =	vst v4;
	v7 =	vld [tilespmem:s18+$0x60]  }
0x187: {  	v1 =	vmul.f32 $1.131370830e+01, v1;
	v8 =	vld [tilespmem:s10+$0xB0];
	[tilespmem:s17+$0xE0] =	vst v2  }
0x188: {  	v2 =	vmul.f32 $1.131370830e+01, v6;
	[tilespmem:s19+$0xFFFFFFA0] =	vst v3;
	v3 =	vld [tilespmem:s18+$0xF0]  }
0x189: {  	v6 =	vld [tilespmem:s10+$0xFFFFFFB0];
	[tilespmem:s19+$0x20] =	vst v1;
	v1 =	vmul.f32 $1.131370830e+01, v5  }
.Ltmp2:
0x18a: {  	[tilespmem:s19+$0xFFFFFF20] =	vst v2;
	v4 =	vld [tilespmem:s10+$0x30];
	v0 =	vmul.f32 $1.131370830e+01, v0;
	(pc) =	sbr.rel @p0 .LBB2_7-.Ltmp2, $4  }
0x18b: {  	v5 =	vld [tilespmem:s10+$0xFFFFFF30];
	[tilespmem:s17+$0xFFFFFF60] =	vst v1;
	v2 =	vmul.f32 $1.131370830e+01, v7  }
0x18c: {  	v7 =	vmul.f32 $1.131370830e+01, v8;
	v1 =	vld [tilespmem:s18+$0xFFFFFF70];
	[tilespmem:s17+$0xFFFFFFE0] =	vst v0  }
0x18d: {  	v0 =	vld [tilespmem:s18+$0xFFFFFFF0];
	[tilespmem:s17+$0x60] =	vst v2;
	v3 =	vmul.f32 $1.131370830e+01, v3  }
0x18e: {  	v6 =	vmul.f32 $1.131370830e+01, v6;
	[tilespmem:s19+$0xB0] =	vst v7;
	v2 =	vld [tilespmem:s18+$0x70];
	s18 =	smov.u32 s10;
	s10 =	sadd.s32 $0x200, s10  }
0x18f: {  	_ = 	snop  }
0x190: {  	v5 =	vmul.f32 $1.131370830e+01, v5;
	_ =	sdelay $0x1  }
0x191: {  	v4 =	vmul.f32 $1.131370830e+01, v4;
	v7 =	vld [tilespmem:s18+$0xC0];
	[tilespmem:s19+$0xFFFFFF30] =	vst v5  }
0x192: {  	[tilespmem:s19+$0xFFFFFFB0] =	vst v6;
	v5 =	vld [tilespmem:s18+$0xFFFFFF40]  }
0x193: {  	[tilespmem:s19+$0x30] =	vst v4;
	v4 =	vld [tilespmem:s18+$0xFFFFFFC0]  }
0x194: {  	v6 =	vld [tilespmem:s18+$0x40];
	_ =	sdelay $0x1  }
0x195: {  	v7 =	vmul.f32 $1.131370830e+01, v7  }
0x196: {  	v5 =	vmul.f32 $1.131370830e+01, v5  }
0x197: {  	[tilespmem:s19+$0xC0] =	vst v7;
	v4 =	vmul.f32 $1.131370830e+01, v4  }
0x198: {  	v7 =	vld [tilespmem:s18+$0xD0];
	[tilespmem:s19+$0xFFFFFF40] =	vst v5;
	v5 =	vmul.f32 $1.131370830e+01, v6  }
0x199: {  	[tilespmem:s19+$0xFFFFFFC0] =	vst v4;
	v6 =	vld [tilespmem:s18+$0xFFFFFF50]  }
0x19a: {  	v4 =	vld [tilespmem:s18+$0xFFFFFFD0];
	[tilespmem:s19+$0x40] =	vst v5  }
0x19b: {  	v5 =	vld [tilespmem:s18+$0x50];
	_ =	sdelay $0x1  }
0x19c: {  	v7 =	vmul.f32 $1.131370830e+01, v7  }
0x19d: {  	v6 =	vmul.f32 $1.131370830e+01, v6  }
0x19e: {  	[tilespmem:s19+$0xD0] =	vst v7;
	v4 =	vmul.f32 $1.131370830e+01, v4  }
0x19f: {  	v7 =	vld [tilespmem:s18+$0xE0];
	[tilespmem:s19+$0xFFFFFF50] =	vst v6;
	v5 =	vmul.f32 $1.131370830e+01, v5  }
0x1a0: {  	[tilespmem:s19+$0xFFFFFFD0] =	vst v4;
	v6 =	vld [tilespmem:s18+$0xFFFFFF60]  }
0x1a1: {  	v4 =	vld [tilespmem:s18+$0xFFFFFFE0];
	[tilespmem:s19+$0x50] =	vst v5  }
0x1a2: {  	v5 =	vld [tilespmem:s18+$0x60];
	_ =	sdelay $0x1  }
0x1a3: {  	v7 =	vmul.f32 $1.131370830e+01, v7  }
0x1a4: {  	v6 =	vmul.f32 $1.131370830e+01, v6  }
0x1a5: {  	[tilespmem:s19+$0xE0] =	vst v7;
	v4 =	vmul.f32 $1.131370830e+01, v4  }
0x1a6: {  	v7 =	vld [tilespmem:s18+$0xF0];
	[tilespmem:s19+$0xFFFFFF60] =	vst v6;
	v5 =	vmul.f32 $1.131370830e+01, v5  }
0x1a7: {  	[tilespmem:s19+$0xFFFFFFE0] =	vst v4;
	v6 =	vld [tilespmem:s18+$0xFFFFFF70]  }
0x1a8: {  	v1 =	vmul.f32 $1.131370830e+01, v1;
	v4 =	vld [tilespmem:s18+$0xFFFFFFF0];
	[tilespmem:s19+$0x60] =	vst v5  }
0x1a9: {  	[tilespmem:s17+$0xF0] =	vst v3;
	v0 =	vmul.f32 $1.131370830e+01, v0;
	v3 =	vld [tilespmem:s18+$0x70]  }
0x1aa: {  	[tilespmem:s17+$0xFFFFFF70] =	vst v1;
	v1 =	vmul.f32 $1.131370830e+01, v2  }
0x1ab: {  	[tilespmem:s17+$0xFFFFFFF0] =	vst v0;
	v0 =	vmul.f32 $1.131370830e+01, v7  }
0x1ac: {  	[tilespmem:s17+$0x70] =	vst v1;
	v1 =	vmul.f32 $1.131370830e+01, v6  }
0x1ad: {  	s6 =	sadd.s32 s2, s8;
	[tilespmem:s19+$0xF0] =	vst v0;
	v0 =	vmul.f32 $1.131370830e+01, v4  }
0x1ae: {  	s6 =	sshll.u32 s6, $0xB;
	[tilespmem:s19+$0xFFFFFF70] =	vst v1;
	v1 =	vmul.f32 $1.131370830e+01, v3  }
0x1af: {  	s6 =	sand.u32 $0x1FFFF000, s6;
	[tilespmem:s19+$0xFFFFFFF0] =	vst v0  }
0x1b0: {  	p0 =	seq.s32 s31, $0xB;
	s6 =	sadd.s32 s3, s6;
	[tilespmem:s19+$0x70] =	vst v1  }
0x1b1: {  	[hbm4b:s6+s4] =	stream.linear.scatter [tilespmem:s22], [sflag:$0x5], $0x4000, $0x38;
	[tilespmem:$0x19C00] =	vst v63  }
0x1b2: {  	s10 =	simm.s32 @!p0 $0x80;
	s11 =	simm.s32 @!p0 $0x9C00;
	s6 =	sadd.s32 @!p0 $0x300, s0  }
0x1b3: {  	[tilespmem:s11], [sflag:$0x3] =	stream.indirect.gather @!p0 [hbm4b:s1+s10], $0x80, s6, s10, $0xb8;
	[tilespmem:$0x19C00] =	vst v63  }
0x1b4: {  	_ =	swait.ge [sflag:s28], $0x4000  }
0x1b5: {  	[sflag:s28] =	ssyncset.done $0x0  }
0x1b6: {  	[sflag:s28] =	ssyncadd.s32 $0xFFFFC000  }
0x1b7: {  	_ =	swait.ge [sflag:s29], $0x4000  }
0x1b8: {  	[sflag:s29] =	ssyncset.done $0x0  }
0x1b9: {  	s11 =	simm.s32 $0xDD00;
	[sflag:s29] =	ssyncadd.s32 $0xFFFFC000  }
0x1ba: {  	v0 =	vld [tilespmem:s11+$0x80];
	_ =	sdelay $0x3  }
0x1bb: {  	v1 =	vld [tilespmem:s11+$0xFFFFFF00]  }
0x1bc: {  	v2 =	vld [tilespmem:s11+$0xFFFFFF80];
	v0 =	vmul.f32 $1.131370830e+01, v0  }
0x1bd: {  	s17 =	simm.s32 $0x15D00;
	v3 =	vld [tilespmem:s11+$0x0]  }
0x1be: {  	[tilespmem:s17+$0x80] =	vst v0  }
0x1bf: {  	v0 =	vld [tilespmem:s11+$0x90]  }
0x1c0: {  	v1 =	vmul.f32 $1.131370830e+01, v1  }
0x1c1: {  	v2 =	vmul.f32 $1.131370830e+01, v2  }
0x1c2: {  	v3 =	vmul.f32 $1.131370830e+01, v3;
	[tilespmem:s17+$0xFFFFFF00] =	vst v1  }
0x1c3: {  	[tilespmem:s17+$0xFFFFFF80] =	vst v2;
	v1 =	vld [tilespmem:s11+$0xFFFFFF10]  }
0x1c4: {  	[tilespmem:s17+$0x0] =	vst v3;
	v2 =	vld [tilespmem:s11+$0xFFFFFF90];
	v0 =	vmul.f32 $1.131370830e+01, v0  }
0x1c5: {  	v3 =	vld [tilespmem:s11+$0x10]  }
0x1c6: {  	[tilespmem:s17+$0x90] =	vst v0  }
0x1c7: {  	v0 =	vld [tilespmem:s11+$0xA0]  }
0x1c8: {  	v1 =	vmul.f32 $1.131370830e+01, v1  }
0x1c9: {  	v2 =	vmul.f32 $1.131370830e+01, v2  }
0x1ca: {  	v3 =	vmul.f32 $1.131370830e+01, v3;
	[tilespmem:s17+$0xFFFFFF10] =	vst v1  }
0x1cb: {  	[tilespmem:s17+$0xFFFFFF90] =	vst v2;
	v1 =	vld [tilespmem:s11+$0xFFFFFF20]  }
0x1cc: {  	[tilespmem:s17+$0x10] =	vst v3;
	v2 =	vld [tilespmem:s11+$0xFFFFFFA0];
	v0 =	vmul.f32 $1.131370830e+01, v0  }
0x1cd: {  	v3 =	vld [tilespmem:s11+$0x20]  }
0x1ce: {  	[tilespmem:s17+$0xA0] =	vst v0  }
0x1cf: {  	v0 =	vld [tilespmem:s11+$0xB0]  }
0x1d0: {  	v1 =	vmul.f32 $1.131370830e+01, v1  }
0x1d1: {  	v2 =	vmul.f32 $1.131370830e+01, v2  }
0x1d2: {  	v3 =	vmul.f32 $1.131370830e+01, v3;
	[tilespmem:s17+$0xFFFFFF20] =	vst v1  }
0x1d3: {  	[tilespmem:s17+$0xFFFFFFA0] =	vst v2;
	v1 =	vld [tilespmem:s11+$0xFFFFFF30]  }
0x1d4: {  	[tilespmem:s17+$0x20] =	vst v3;
	v2 =	vld [tilespmem:s11+$0xFFFFFFB0];
	v0 =	vmul.f32 $1.131370830e+01, v0  }
0x1d5: {  	s18 =	simm.s32 $0xDF00;
	v3 =	vld [tilespmem:s11+$0x30]  }
0x1d6: {  	[tilespmem:s17+$0xB0] =	vst v0;
	v0 =	vld [tilespmem:s18+$0x80]  }
0x1d7: {  	v4 =	vld [tilespmem:s11+$0xC0]  }
0x1d8: {  	v5 =	vld [tilespmem:s18+$0xFFFFFF80];
	v1 =	vmul.f32 $1.131370830e+01, v1  }
0x1d9: {  	v6 =	vld [tilespmem:s18+$0x0];
	v2 =	vmul.f32 $1.131370830e+01, v2  }
0x1da: {  	v3 =	vmul.f32 $1.131370830e+01, v3;
	[tilespmem:s17+$0xFFFFFF30] =	vst v1;
	v1 =	vld [tilespmem:s18+$0xFFFFFF00]  }
0x1db: {  	[tilespmem:s17+$0xFFFFFFB0] =	vst v2;
	v2 =	vld [tilespmem:s11+$0xFFFFFF40];
	v0 =	vmul.f32 $1.131370830e+01, v0  }
0x1dc: {  	s19 =	simm.s32 $0x15F00;
	[tilespmem:s17+$0x30] =	vst v3;
	v3 =	vld [tilespmem:s11+$0xFFFFFFC0];
	v4 =	vmul.f32 $1.131370830e+01, v4  }
0x1dd: {  	v5 =	vmul.f32 $1.131370830e+01, v5;
	[tilespmem:s19+$0x80] =	vst v0;
	v0 =	vld [tilespmem:s11+$0x40]  }
0x1de: {  	v6 =	vmul.f32 $1.131370830e+01, v6;
	v7 =	vld [tilespmem:s18+$0x90];
	[tilespmem:s17+$0xC0] =	vst v4  }
0x1df: {  	[tilespmem:s19+$0xFFFFFF80] =	vst v5;
	v1 =	vmul.f32 $1.131370830e+01, v1;
	v4 =	vld [tilespmem:s11+$0xD0]  }
0x1e0: {  	[tilespmem:s19+$0x0] =	vst v6;
	v5 =	vld [tilespmem:s18+$0xFFFFFF90];
	v2 =	vmul.f32 $1.131370830e+01, v2  }
0x1e1: {  	v3 =	vmul.f32 $1.131370830e+01, v3;
	[tilespmem:s19+$0xFFFFFF00] =	vst v1;
	v1 =	vld [tilespmem:s18+$0x10]  }
0x1e2: {  	v6 =	vld [tilespmem:s18+$0xFFFFFF10];
	[tilespmem:s17+$0xFFFFFF40] =	vst v2;
	v0 =	vmul.f32 $1.131370830e+01, v0  }
0x1e3: {  	[tilespmem:s17+$0xFFFFFFC0] =	vst v3;
	v2 =	vmul.f32 $1.131370830e+01, v7;
	v7 =	vld [tilespmem:s11+$0xFFFFFF50]  }
0x1e4: {  	v3 =	vld [tilespmem:s11+$0xFFFFFFD0];
	[tilespmem:s17+$0x40] =	vst v0;
	v0 =	vmul.f32 $1.131370830e+01, v4  }
0x1e5: {  	v4 =	vmul.f32 $1.131370830e+01, v5;
	[tilespmem:s19+$0x90] =	vst v2;
	v2 =	vld [tilespmem:s11+$0x50]  }
0x1e6: {  	v1 =	vmul.f32 $1.131370830e+01, v1;
	v5 =	vld [tilespmem:s18+$0xA0];
	[tilespmem:s17+$0xD0] =	vst v0  }
0x1e7: {  	v0 =	vmul.f32 $1.131370830e+01, v6;
	[tilespmem:s19+$0xFFFFFF90] =	vst v4;
	v4 =	vld [tilespmem:s11+$0xE0]  }
0x1e8: {  	[tilespmem:s19+$0x10] =	vst v1;
	v6 =	vld [tilespmem:s18+$0xFFFFFFA0];
	v1 =	vmul.f32 $1.131370830e+01, v7  }
0x1e9: {  	v3 =	vmul.f32 $1.131370830e+01, v3;
	[tilespmem:s19+$0xFFFFFF10] =	vst v0;
	v0 =	vld [tilespmem:s18+$0x20]  }
0x1ea: {  	v7 =	vld [tilespmem:s18+$0xFFFFFF20];
	[tilespmem:s17+$0xFFFFFF50] =	vst v1;
	v1 =	vmul.f32 $1.131370830e+01, v2  }
0x1eb: {  	[tilespmem:s17+$0xFFFFFFD0] =	vst v3;
	v2 =	vmul.f32 $1.131370830e+01, v5;
	v5 =	vld [tilespmem:s11+$0xFFFFFF60]  }
0x1ec: {  	v3 =	vld [tilespmem:s11+$0xFFFFFFE0];
	[tilespmem:s17+$0x50] =	vst v1;
	v1 =	vmul.f32 $1.131370830e+01, v4  }
0x1ed: {  	v4 =	vmul.f32 $1.131370830e+01, v6;
	[tilespmem:s19+$0xA0] =	vst v2;
	v2 =	vld [tilespmem:s11+$0x60]  }
0x1ee: {  	v0 =	vmul.f32 $1.131370830e+01, v0;
	v6 =	vld [tilespmem:s18+$0xB0];
	[tilespmem:s17+$0xE0] =	vst v1  }
0x1ef: {  	v1 =	vmul.f32 $1.131370830e+01, v7;
	[tilespmem:s19+$0xFFFFFFA0] =	vst v4;
	v7 =	vld [tilespmem:s11+$0xF0]  }
0x1f0: {  	v8 =	vld [tilespmem:s18+$0xFFFFFFB0];
	[tilespmem:s19+$0x20] =	vst v0;
	v0 =	vmul.f32 $1.131370830e+01, v5  }
0x1f1: {  	v3 =	vmul.f32 $1.131370830e+01, v3;
	[tilespmem:s19+$0xFFFFFF20] =	vst v1;
	v4 =	vld [tilespmem:s18+$0x30]  }
0x1f2: {  	v5 =	vld [tilespmem:s18+$0xFFFFFF30];
	[tilespmem:s17+$0xFFFFFF60] =	vst v0;
	v2 =	vmul.f32 $1.131370830e+01, v2  }
0x1f3: {  	[tilespmem:s17+$0xFFFFFFE0] =	vst v3;
	v9 =	vmul.f32 $1.131370830e+01, v6;
	v1 =	vld [tilespmem:s11+$0xFFFFFF70]  }
0x1f4: {  	v0 =	vld [tilespmem:s11+$0xFFFFFFF0];
	[tilespmem:s17+$0x60] =	vst v2;
	v3 =	vmul.f32 $1.131370830e+01, v7  }
0x1f5: {  	s6 =	simm.s32 $0x4;
	s10 =	simm.s32 $0xE100;
	v6 =	vmul.f32 $1.131370830e+01, v8;
	[tilespmem:s19+$0xB0] =	vst v9;
	v2 =	vld [tilespmem:s11+$0x70]  }
.LBB2_9:
0x1f6: {  	v7 =	vld [tilespmem:s10+$0x80];
	v4 =	vmul.f32 $1.131370830e+01, v4;
	[tilespmem:s17+$0xF0] =	vst v3  }
0x1f7: {  	s6 =	sadd.s32 $0x4, s6;
	v3 =	vmul.f32 $1.131370830e+01, v5;
	[tilespmem:s19+$0xFFFFFFB0] =	vst v6;
	v5 =	vld [tilespmem:s18+$0xC0]  }
0x1f8: {  	p1 =	slt.u32 s6, $0x7C;
	v6 =	vld [tilespmem:s10+$0xFFFFFF80];
	[tilespmem:s19+$0x30] =	vst v4;
	v1 =	vmul.f32 $1.131370830e+01, v1  }
0x1f9: {  	v4 =	vld [tilespmem:s10+$0x0];
	[tilespmem:s19+$0xFFFFFF30] =	vst v3;
	v0 =	vmul.f32 $1.131370830e+01, v0  }
0x1fa: {  	v3 =	vld [tilespmem:s10+$0xFFFFFF00];
	[tilespmem:s17+$0xFFFFFF70] =	vst v1;
	v1 =	vmul.f32 $1.131370830e+01, v2  }
0x1fb: {  	v2 =	vmul.f32 $1.131370830e+01, v7;
	v7 =	vld [tilespmem:s18+$0xFFFFFF40];
	[tilespmem:s17+$0xFFFFFFF0] =	vst v0  }
0x1fc: {  	v0 =	vld [tilespmem:s18+$0xFFFFFFC0];
	v5 =	vmul.f32 $1.131370830e+01, v5;
	[tilespmem:s17+$0x70] =	vst v1;
	s17 =	smov.u32 s19;
	s19 =	sadd.s32 $0x200, s19  }
0x1fd: {  	v1 =	vmul.f32 $1.131370830e+01, v6;
	[tilespmem:s19+$0x80] =	vst v2;
	v2 =	vld [tilespmem:s18+$0x40]  }
0x1fe: {  	v4 =	vmul.f32 $1.131370830e+01, v4;
	v6 =	vld [tilespmem:s10+$0x90];
	[tilespmem:s17+$0xC0] =	vst v5  }
0x1ff: {  	v3 =	vmul.f32 $1.131370830e+01, v3;
	[tilespmem:s19+$0xFFFFFF80] =	vst v1;
	v1 =	vld [tilespmem:s18+$0xD0]  }
0x200: {  	v5 =	vld [tilespmem:s10+$0xFFFFFF90];
	[tilespmem:s19+$0x0] =	vst v4;
	v4 =	vmul.f32 $1.131370830e+01, v7  }
0x201: {  	[tilespmem:s19+$0xFFFFFF00] =	vst v3;
	v3 =	vld [tilespmem:s10+$0x10];
	v0 =	vmul.f32 $1.131370830e+01, v0  }
0x202: {  	v7 =	vld [tilespmem:s10+$0xFFFFFF10];
	[tilespmem:s17+$0xFFFFFF40] =	vst v4;
	v2 =	vmul.f32 $1.131370830e+01, v2  }
0x203: {  	v4 =	vmul.f32 $1.131370830e+01, v6;
	v6 =	vld [tilespmem:s18+$0xFFFFFF50];
	[tilespmem:s17+$0xFFFFFFC0] =	vst v0  }
0x204: {  	v0 =	vld [tilespmem:s18+$0xFFFFFFD0];
	[tilespmem:s17+$0x40] =	vst v2;
	v1 =	vmul.f32 $1.131370830e+01, v1  }
0x205: {  	v2 =	vmul.f32 $1.131370830e+01, v5;
	[tilespmem:s19+$0x90] =	vst v4;
	v4 =	vld [tilespmem:s18+$0x50]  }
0x206: {  	v3 =	vmul.f32 $1.131370830e+01, v3;
	v5 =	vld [tilespmem:s10+$0xA0];
	[tilespmem:s17+$0xD0] =	vst v1  }
0x207: {  	v1 =	vmul.f32 $1.131370830e+01, v7;
	[tilespmem:s19+$0xFFFFFF90] =	vst v2;
	v2 =	vld [tilespmem:s18+$0xE0]  }
0x208: {  	v7 =	vld [tilespmem:s10+$0xFFFFFFA0];
	[tilespmem:s19+$0x10] =	vst v3;
	v3 =	vmul.f32 $1.131370830e+01, v6  }
0x209: {  	[tilespmem:s19+$0xFFFFFF10] =	vst v1;
	v1 =	vld [tilespmem:s10+$0x20];
	v0 =	vmul.f32 $1.131370830e+01, v0  }
0x20a: {  	v6 =	vld [tilespmem:s10+$0xFFFFFF20];
	[tilespmem:s17+$0xFFFFFF50] =	vst v3;
	v3 =	vmul.f32 $1.131370830e+01, v4  }
0x20b: {  	v4 =	vmul.f32 $1.131370830e+01, v5;
	v5 =	vld [tilespmem:s18+$0xFFFFFF60];
	[tilespmem:s17+$0xFFFFFFD0] =	vst v0  }
0x20c: {  	v0 =	vld [tilespmem:s18+$0xFFFFFFE0];
	[tilespmem:s17+$0x50] =	vst v3;
	v2 =	vmul.f32 $1.131370830e+01, v2  }
0x20d: {  	v3 =	vmul.f32 $1.131370830e+01, v7;
	[tilespmem:s19+$0xA0] =	vst v4;
	v7 =	vld [tilespmem:s18+$0x60]  }
0x20e: {  	v1 =	vmul.f32 $1.131370830e+01, v1;
	v8 =	vld [tilespmem:s10+$0xB0];
	[tilespmem:s17+$0xE0] =	vst v2  }
0x20f: {  	v2 =	vmul.f32 $1.131370830e+01, v6;
	[tilespmem:s19+$0xFFFFFFA0] =	vst v3;
	v3 =	vld [tilespmem:s18+$0xF0]  }
0x210: {  	v6 =	vld [tilespmem:s10+$0xFFFFFFB0];
	[tilespmem:s19+$0x20] =	vst v1;
	v1 =	vmul.f32 $1.131370830e+01, v5  }
.Ltmp3:
0x211: {  	[tilespmem:s19+$0xFFFFFF20] =	vst v2;
	v4 =	vld [tilespmem:s10+$0x30];
	v0 =	vmul.f32 $1.131370830e+01, v0;
	(pc) =	sbr.rel @p1 .LBB2_9-.Ltmp3, $4  }
0x212: {  	v5 =	vld [tilespmem:s10+$0xFFFFFF30];
	[tilespmem:s17+$0xFFFFFF60] =	vst v1;
	v2 =	vmul.f32 $1.131370830e+01, v7  }
0x213: {  	v7 =	vmul.f32 $1.131370830e+01, v8;
	v1 =	vld [tilespmem:s18+$0xFFFFFF70];
	[tilespmem:s17+$0xFFFFFFE0] =	vst v0  }
0x214: {  	v0 =	vld [tilespmem:s18+$0xFFFFFFF0];
	[tilespmem:s17+$0x60] =	vst v2;
	v3 =	vmul.f32 $1.131370830e+01, v3  }
0x215: {  	v6 =	vmul.f32 $1.131370830e+01, v6;
	[tilespmem:s19+$0xB0] =	vst v7;
	v2 =	vld [tilespmem:s18+$0x70];
	s18 =	smov.u32 s10;
	s10 =	sadd.s32 $0x200, s10  }
0x216: {  	v4 =	vmul.f32 $1.131370830e+01, v4  }
0x217: {  	v7 =	vld [tilespmem:s18+$0xC0];
	v5 =	vmul.f32 $1.131370830e+01, v5;
	[tilespmem:s19+$0xFFFFFFB0] =	vst v6  }
0x218: {  	[tilespmem:s19+$0x30] =	vst v4;
	v51 =	vld [tilespmem:s18+$0xFFFFFFC0]  }
0x219: {  	[tilespmem:s19+$0xFFFFFF30] =	vst v5;
	v52 =	vld [tilespmem:s18+$0x40]  }
0x21a: {  	v5 =	vld [tilespmem:s18+$0xFFFFFF40];
	_ =	sdelay $0x1  }
0x21b: {  	v7 =	vmul.f32 $1.131370830e+01, v7  }
0x21c: {  	v4 =	vmul.f32 $1.131370830e+01, v51  }
0x21d: {  	[tilespmem:s19+$0xC0] =	vst v7;
	v53 =	vmul.f32 $1.131370830e+01, v52  }
0x21e: {  	v7 =	vld [tilespmem:s18+$0xD0];
	v5 =	vmul.f32 $1.131370830e+01, v5;
	[tilespmem:s19+$0xFFFFFFC0] =	vst v4  }
0x21f: {  	v4 =	vld [tilespmem:s18+$0xFFFFFFD0];
	[tilespmem:s19+$0x40] =	vst v53  }
0x220: {  	[tilespmem:s19+$0xFFFFFF40] =	vst v5;
	v5 =	vld [tilespmem:s18+$0x50]  }
0x221: {  	v54 =	vld [tilespmem:s18+$0xFFFFFF50];
	_ =	sdelay $0x1  }
0x222: {  	v7 =	vmul.f32 $1.131370830e+01, v7  }
0x223: {  	v4 =	vmul.f32 $1.131370830e+01, v4  }
0x224: {  	[tilespmem:s19+$0xD0] =	vst v7;
	v5 =	vmul.f32 $1.131370830e+01, v5  }
0x225: {  	v7 =	vld [tilespmem:s18+$0xE0];
	v6 =	vmul.f32 $1.131370830e+01, v54;
	[tilespmem:s19+$0xFFFFFFD0] =	vst v4  }
0x226: {  	v4 =	vld [tilespmem:s18+$0xFFFFFFE0];
	[tilespmem:s19+$0x50] =	vst v5  }
0x227: {  	[tilespmem:s19+$0xFFFFFF50] =	vst v6;
	v5 =	vld [tilespmem:s18+$0x60]  }
0x228: {  	v6 =	vld [tilespmem:s18+$0xFFFFFF60];
	_ =	sdelay $0x1  }
0x229: {  	v7 =	vmul.f32 $1.131370830e+01, v7  }
0x22a: {  	v4 =	vmul.f32 $1.131370830e+01, v4  }
0x22b: {  	[tilespmem:s19+$0xE0] =	vst v7;
	v5 =	vmul.f32 $1.131370830e+01, v5  }
0x22c: {  	v55 =	vld [tilespmem:s18+$0xF0];
	v6 =	vmul.f32 $1.131370830e+01, v6;
	[tilespmem:s19+$0xFFFFFFE0] =	vst v4  }
0x22d: {  	[tilespmem:s19+$0x60] =	vst v5;
	v57 =	vld [tilespmem:s18+$0xFFFFFFF0]  }
0x22e: {  	v1 =	vmul.f32 $1.131370830e+01, v1;
	[tilespmem:s19+$0xFFFFFF60] =	vst v6;
	v58 =	vld [tilespmem:s18+$0x70]  }
0x22f: {  	[tilespmem:s17+$0xF0] =	vst v3;
	v0 =	vmul.f32 $1.131370830e+01, v0;
	v56 =	vld [tilespmem:s18+$0xFFFFFF70]  }
0x230: {  	[tilespmem:s17+$0xFFFFFF70] =	vst v1;
	v59 =	vmul.f32 $1.131370830e+01, v2  }
0x231: {  	[tilespmem:s17+$0xFFFFFFF0] =	vst v0;
	v60 =	vmul.f32 $1.131370830e+01, v55  }
0x232: {  	[tilespmem:s17+$0x70] =	vst v59;
	v62 =	vmul.f32 $1.131370830e+01, v57  }
.Ltmp4:
0x233: {  	s2 =	sadd.s32 s2, s9;
	[tilespmem:s19+$0xF0] =	vst v60;
	v63 =	vmul.f32 $1.131370830e+01, v58;
	(pc) =	sbr.rel @p0 .LBB2_12-.Ltmp4, $4  }
0x234: {  	s2 =	sshll.u32 s2, $0xB;
	v61 =	vmul.f32 $1.131370830e+01, v56;
	[tilespmem:s19+$0xFFFFFFF0] =	vst v62  }
0x235: {  	s2 =	sand.u32 $0x1FFFF800, s2;
	[tilespmem:s19+$0x70] =	vst v63  }
0x236: {  	s2 =	sadd.s32 s3, s2;
	[tilespmem:s19+$0xFFFFFF70] =	vst v61  }
0x237: {  	[hbm4b:s2+s4] =	stream.linear.scatter [tilespmem:s24], [sflag:$0x6], $0x4000, $0x38;
	[tilespmem:$0x19C00] =	vst v63  }
.Ltmp5:
0x238: {  	(pc) =	sbr.rel .LBB2_2-.Ltmp5, $3  }
0x239: {  	_ =	sdelay $0x1  }
0x23a: {  	s0 =	sadd.s32 $0x380, s0;
	s31 =	sadd.s32 $0x1, s31  }
0x23b: {  	[tilespmem:s20], [sflag:$0x4] =	stream.indirect.gather [hbm4b:s1+s14], $0x80, s0, s14, $0xb8;
	[tilespmem:$0x19C00] =	vst v63  }
.LBB2_12:
0x23c: {  	_ =	swait.ge [sflag:s21], $0x4000  }
0x23d: {  	[sflag:s21] =	ssyncset.done $0x0  }
0x23e: {  	[sflag:s21] =	ssyncadd.s32 $0xFFFFC000  }
0x23f: {  	_ =	swait.ge [sflag:s26], $0x4000  }
0x240: {  	[sflag:s26] =	ssyncset.done $0x0  }
0x241: {  	s11 =	simm.s32 $0x1D00;
	[sflag:s26] =	ssyncadd.s32 $0xFFFFC000  }
0x242: {  	v0 =	vld [tilespmem:s11+$0x80];
	_ =	sdelay $0x3  }
0x243: {  	v1 =	vld [tilespmem:s11+$0xFFFFFF00]  }
0x244: {  	v2 =	vld [tilespmem:s11+$0xFFFFFF80];
	v0 =	vmul.f32 $1.131370830e+01, v0  }
0x245: {  	s0 =	simm.s32 $0x11D00;
	v3 =	vld [tilespmem:s11+$0x0]  }
0x246: {  	[tilespmem:s0+$0x80] =	vst v0  }
0x247: {  	v0 =	vld [tilespmem:s11+$0x90]  }
0x248: {  	v1 =	vmul.f32 $1.131370830e+01, v1  }
0x249: {  	v2 =	vmul.f32 $1.131370830e+01, v2  }
0x24a: {  	v3 =	vmul.f32 $1.131370830e+01, v3;
	[tilespmem:s0+$0xFFFFFF00] =	vst v1  }
0x24b: {  	[tilespmem:s0+$0xFFFFFF80] =	vst v2;
	v1 =	vld [tilespmem:s11+$0xFFFFFF10]  }
0x24c: {  	[tilespmem:s0+$0x0] =	vst v3;
	v2 =	vld [tilespmem:s11+$0xFFFFFF90];
	v0 =	vmul.f32 $1.131370830e+01, v0  }
0x24d: {  	v3 =	vld [tilespmem:s11+$0x10]  }
0x24e: {  	[tilespmem:s0+$0x90] =	vst v0  }
0x24f: {  	v0 =	vld [tilespmem:s11+$0xA0]  }
0x250: {  	v1 =	vmul.f32 $1.131370830e+01, v1  }
0x251: {  	v2 =	vmul.f32 $1.131370830e+01, v2  }
0x252: {  	v3 =	vmul.f32 $1.131370830e+01, v3;
	[tilespmem:s0+$0xFFFFFF10] =	vst v1  }
0x253: {  	[tilespmem:s0+$0xFFFFFF90] =	vst v2;
	v1 =	vld [tilespmem:s11+$0xFFFFFF20]  }
0x254: {  	[tilespmem:s0+$0x10] =	vst v3;
	v2 =	vld [tilespmem:s11+$0xFFFFFFA0];
	v0 =	vmul.f32 $1.131370830e+01, v0  }
0x255: {  	v3 =	vld [tilespmem:s11+$0x20]  }
0x256: {  	[tilespmem:s0+$0xA0] =	vst v0  }
0x257: {  	v0 =	vld [tilespmem:s11+$0xB0]  }
0x258: {  	v1 =	vmul.f32 $1.131370830e+01, v1  }
0x259: {  	v2 =	vmul.f32 $1.131370830e+01, v2  }
0x25a: {  	v3 =	vmul.f32 $1.131370830e+01, v3;
	[tilespmem:s0+$0xFFFFFF20] =	vst v1  }
0x25b: {  	[tilespmem:s0+$0xFFFFFFA0] =	vst v2;
	v1 =	vld [tilespmem:s11+$0xFFFFFF30]  }
0x25c: {  	[tilespmem:s0+$0x20] =	vst v3;
	v2 =	vld [tilespmem:s11+$0xFFFFFFB0];
	v0 =	vmul.f32 $1.131370830e+01, v0  }
0x25d: {  	s2 =	simm.s32 $0x1F00;
	v3 =	vld [tilespmem:s11+$0x30]  }
0x25e: {  	[tilespmem:s0+$0xB0] =	vst v0;
	v0 =	vld [tilespmem:s2+$0x80]  }
0x25f: {  	v4 =	vld [tilespmem:s11+$0xC0]  }
0x260: {  	v5 =	vld [tilespmem:s2+$0xFFFFFF80];
	v1 =	vmul.f32 $1.131370830e+01, v1  }
0x261: {  	v6 =	vld [tilespmem:s2+$0x0];
	v2 =	vmul.f32 $1.131370830e+01, v2  }
0x262: {  	v3 =	vmul.f32 $1.131370830e+01, v3;
	[tilespmem:s0+$0xFFFFFF30] =	vst v1;
	v1 =	vld [tilespmem:s2+$0xFFFFFF00]  }
0x263: {  	[tilespmem:s0+$0xFFFFFFB0] =	vst v2;
	v2 =	vld [tilespmem:s11+$0xFFFFFF40];
	v0 =	vmul.f32 $1.131370830e+01, v0  }
0x264: {  	s17 =	simm.s32 $0x11F00;
	[tilespmem:s0+$0x30] =	vst v3;
	v3 =	vld [tilespmem:s11+$0xFFFFFFC0];
	v4 =	vmul.f32 $1.131370830e+01, v4  }
0x265: {  	v5 =	vmul.f32 $1.131370830e+01, v5;
	[tilespmem:s17+$0x80] =	vst v0;
	v0 =	vld [tilespmem:s11+$0x40]  }
0x266: {  	v6 =	vmul.f32 $1.131370830e+01, v6;
	v7 =	vld [tilespmem:s2+$0x90];
	[tilespmem:s0+$0xC0] =	vst v4  }
0x267: {  	[tilespmem:s17+$0xFFFFFF80] =	vst v5;
	v1 =	vmul.f32 $1.131370830e+01, v1;
	v4 =	vld [tilespmem:s11+$0xD0]  }
0x268: {  	[tilespmem:s17+$0x0] =	vst v6;
	v5 =	vld [tilespmem:s2+$0xFFFFFF90];
	v2 =	vmul.f32 $1.131370830e+01, v2  }
0x269: {  	v3 =	vmul.f32 $1.131370830e+01, v3;
	[tilespmem:s17+$0xFFFFFF00] =	vst v1;
	v1 =	vld [tilespmem:s2+$0x10]  }
0x26a: {  	v6 =	vld [tilespmem:s2+$0xFFFFFF10];
	[tilespmem:s0+$0xFFFFFF40] =	vst v2;
	v0 =	vmul.f32 $1.131370830e+01, v0  }
0x26b: {  	[tilespmem:s0+$0xFFFFFFC0] =	vst v3;
	v2 =	vmul.f32 $1.131370830e+01, v7;
	v7 =	vld [tilespmem:s11+$0xFFFFFF50]  }
0x26c: {  	v3 =	vld [tilespmem:s11+$0xFFFFFFD0];
	[tilespmem:s0+$0x40] =	vst v0;
	v0 =	vmul.f32 $1.131370830e+01, v4  }
0x26d: {  	v4 =	vmul.f32 $1.131370830e+01, v5;
	[tilespmem:s17+$0x90] =	vst v2;
	v2 =	vld [tilespmem:s11+$0x50]  }
0x26e: {  	v1 =	vmul.f32 $1.131370830e+01, v1;
	v5 =	vld [tilespmem:s2+$0xA0];
	[tilespmem:s0+$0xD0] =	vst v0  }
0x26f: {  	v0 =	vmul.f32 $1.131370830e+01, v6;
	[tilespmem:s17+$0xFFFFFF90] =	vst v4;
	v4 =	vld [tilespmem:s11+$0xE0]  }
0x270: {  	[tilespmem:s17+$0x10] =	vst v1;
	v6 =	vld [tilespmem:s2+$0xFFFFFFA0];
	v1 =	vmul.f32 $1.131370830e+01, v7  }
0x271: {  	v3 =	vmul.f32 $1.131370830e+01, v3;
	[tilespmem:s17+$0xFFFFFF10] =	vst v0;
	v0 =	vld [tilespmem:s2+$0x20]  }
0x272: {  	v7 =	vld [tilespmem:s2+$0xFFFFFF20];
	[tilespmem:s0+$0xFFFFFF50] =	vst v1;
	v1 =	vmul.f32 $1.131370830e+01, v2  }
0x273: {  	[tilespmem:s0+$0xFFFFFFD0] =	vst v3;
	v2 =	vmul.f32 $1.131370830e+01, v5;
	v5 =	vld [tilespmem:s11+$0xFFFFFF60]  }
0x274: {  	v3 =	vld [tilespmem:s11+$0xFFFFFFE0];
	[tilespmem:s0+$0x50] =	vst v1;
	v1 =	vmul.f32 $1.131370830e+01, v4  }
0x275: {  	v4 =	vmul.f32 $1.131370830e+01, v6;
	[tilespmem:s17+$0xA0] =	vst v2;
	v2 =	vld [tilespmem:s11+$0x60]  }
0x276: {  	v0 =	vmul.f32 $1.131370830e+01, v0;
	v6 =	vld [tilespmem:s2+$0xB0];
	[tilespmem:s0+$0xE0] =	vst v1  }
0x277: {  	v1 =	vmul.f32 $1.131370830e+01, v7;
	[tilespmem:s17+$0xFFFFFFA0] =	vst v4;
	v7 =	vld [tilespmem:s11+$0xF0]  }
0x278: {  	v8 =	vld [tilespmem:s2+$0xFFFFFFB0];
	[tilespmem:s17+$0x20] =	vst v0;
	v0 =	vmul.f32 $1.131370830e+01, v5  }
0x279: {  	v3 =	vmul.f32 $1.131370830e+01, v3;
	[tilespmem:s17+$0xFFFFFF20] =	vst v1;
	v4 =	vld [tilespmem:s2+$0x30]  }
0x27a: {  	v5 =	vld [tilespmem:s2+$0xFFFFFF30];
	[tilespmem:s0+$0xFFFFFF60] =	vst v0;
	v2 =	vmul.f32 $1.131370830e+01, v2  }
0x27b: {  	[tilespmem:s0+$0xFFFFFFE0] =	vst v3;
	v9 =	vmul.f32 $1.131370830e+01, v6;
	v1 =	vld [tilespmem:s11+$0xFFFFFF70]  }
0x27c: {  	v0 =	vld [tilespmem:s11+$0xFFFFFFF0];
	[tilespmem:s0+$0x60] =	vst v2;
	v3 =	vmul.f32 $1.131370830e+01, v7  }
0x27d: {  	s6 =	simm.s32 $0x4;
	s10 =	simm.s32 $0x2100;
	v6 =	vmul.f32 $1.131370830e+01, v8;
	[tilespmem:s17+$0xB0] =	vst v9;
	v2 =	vld [tilespmem:s11+$0x70]  }
.LBB2_13:
0x27e: {  	v7 =	vld [tilespmem:s10+$0x80];
	v4 =	vmul.f32 $1.131370830e+01, v4;
	[tilespmem:s0+$0xF0] =	vst v3  }
0x27f: {  	s6 =	sadd.s32 $0x4, s6;
	v3 =	vmul.f32 $1.131370830e+01, v5;
	[tilespmem:s17+$0xFFFFFFB0] =	vst v6;
	v5 =	vld [tilespmem:s2+$0xC0]  }
0x280: {  	p0 =	slt.u32 s6, $0x7C;
	v6 =	vld [tilespmem:s10+$0xFFFFFF80];
	[tilespmem:s17+$0x30] =	vst v4;
	v1 =	vmul.f32 $1.131370830e+01, v1  }
0x281: {  	v4 =	vld [tilespmem:s10+$0x0];
	[tilespmem:s17+$0xFFFFFF30] =	vst v3;
	v0 =	vmul.f32 $1.131370830e+01, v0  }
0x282: {  	v3 =	vld [tilespmem:s10+$0xFFFFFF00];
	[tilespmem:s0+$0xFFFFFF70] =	vst v1;
	v1 =	vmul.f32 $1.131370830e+01, v2  }
0x283: {  	v2 =	vmul.f32 $1.131370830e+01, v7;
	v7 =	vld [tilespmem:s2+$0xFFFFFF40];
	[tilespmem:s0+$0xFFFFFFF0] =	vst v0  }
0x284: {  	v0 =	vld [tilespmem:s2+$0xFFFFFFC0];
	v5 =	vmul.f32 $1.131370830e+01, v5;
	[tilespmem:s0+$0x70] =	vst v1;
	s0 =	smov.u32 s17;
	s17 =	sadd.s32 $0x200, s17  }
0x285: {  	v1 =	vmul.f32 $1.131370830e+01, v6;
	[tilespmem:s17+$0x80] =	vst v2;
	v2 =	vld [tilespmem:s2+$0x40]  }
0x286: {  	v4 =	vmul.f32 $1.131370830e+01, v4;
	v6 =	vld [tilespmem:s10+$0x90];
	[tilespmem:s0+$0xC0] =	vst v5  }
0x287: {  	v3 =	vmul.f32 $1.131370830e+01, v3;
	[tilespmem:s17+$0xFFFFFF80] =	vst v1;
	v1 =	vld [tilespmem:s2+$0xD0]  }
0x288: {  	v5 =	vld [tilespmem:s10+$0xFFFFFF90];
	[tilespmem:s17+$0x0] =	vst v4;
	v4 =	vmul.f32 $1.131370830e+01, v7  }
0x289: {  	[tilespmem:s17+$0xFFFFFF00] =	vst v3;
	v3 =	vld [tilespmem:s10+$0x10];
	v0 =	vmul.f32 $1.131370830e+01, v0  }
0x28a: {  	v7 =	vld [tilespmem:s10+$0xFFFFFF10];
	[tilespmem:s0+$0xFFFFFF40] =	vst v4;
	v2 =	vmul.f32 $1.131370830e+01, v2  }
0x28b: {  	v4 =	vmul.f32 $1.131370830e+01, v6;
	v6 =	vld [tilespmem:s2+$0xFFFFFF50];
	[tilespmem:s0+$0xFFFFFFC0] =	vst v0  }
0x28c: {  	v0 =	vld [tilespmem:s2+$0xFFFFFFD0];
	[tilespmem:s0+$0x40] =	vst v2;
	v1 =	vmul.f32 $1.131370830e+01, v1  }
0x28d: {  	v2 =	vmul.f32 $1.131370830e+01, v5;
	[tilespmem:s17+$0x90] =	vst v4;
	v4 =	vld [tilespmem:s2+$0x50]  }
0x28e: {  	v3 =	vmul.f32 $1.131370830e+01, v3;
	v5 =	vld [tilespmem:s10+$0xA0];
	[tilespmem:s0+$0xD0] =	vst v1  }
0x28f: {  	v1 =	vmul.f32 $1.131370830e+01, v7;
	[tilespmem:s17+$0xFFFFFF90] =	vst v2;
	v2 =	vld [tilespmem:s2+$0xE0]  }
0x290: {  	v7 =	vld [tilespmem:s10+$0xFFFFFFA0];
	[tilespmem:s17+$0x10] =	vst v3;
	v3 =	vmul.f32 $1.131370830e+01, v6  }
0x291: {  	[tilespmem:s17+$0xFFFFFF10] =	vst v1;
	v1 =	vld [tilespmem:s10+$0x20];
	v0 =	vmul.f32 $1.131370830e+01, v0  }
0x292: {  	v6 =	vld [tilespmem:s10+$0xFFFFFF20];
	[tilespmem:s0+$0xFFFFFF50] =	vst v3;
	v3 =	vmul.f32 $1.131370830e+01, v4  }
0x293: {  	v4 =	vmul.f32 $1.131370830e+01, v5;
	v5 =	vld [tilespmem:s2+$0xFFFFFF60];
	[tilespmem:s0+$0xFFFFFFD0] =	vst v0  }
0x294: {  	v0 =	vld [tilespmem:s2+$0xFFFFFFE0];
	[tilespmem:s0+$0x50] =	vst v3;
	v2 =	vmul.f32 $1.131370830e+01, v2  }
0x295: {  	v3 =	vmul.f32 $1.131370830e+01, v7;
	[tilespmem:s17+$0xA0] =	vst v4;
	v7 =	vld [tilespmem:s2+$0x60]  }
0x296: {  	v1 =	vmul.f32 $1.131370830e+01, v1;
	v8 =	vld [tilespmem:s10+$0xB0];
	[tilespmem:s0+$0xE0] =	vst v2  }
0x297: {  	v2 =	vmul.f32 $1.131370830e+01, v6;
	[tilespmem:s17+$0xFFFFFFA0] =	vst v3;
	v3 =	vld [tilespmem:s2+$0xF0]  }
0x298: {  	v6 =	vld [tilespmem:s10+$0xFFFFFFB0];
	[tilespmem:s17+$0x20] =	vst v1;
	v1 =	vmul.f32 $1.131370830e+01, v5  }
.Ltmp6:
0x299: {  	[tilespmem:s17+$0xFFFFFF20] =	vst v2;
	v4 =	vld [tilespmem:s10+$0x30];
	v0 =	vmul.f32 $1.131370830e+01, v0;
	(pc) =	sbr.rel @p0 .LBB2_13-.Ltmp6, $4  }
0x29a: {  	v5 =	vld [tilespmem:s10+$0xFFFFFF30];
	[tilespmem:s0+$0xFFFFFF60] =	vst v1;
	v2 =	vmul.f32 $1.131370830e+01, v7  }
0x29b: {  	v7 =	vmul.f32 $1.131370830e+01, v8;
	v1 =	vld [tilespmem:s2+$0xFFFFFF70];
	[tilespmem:s0+$0xFFFFFFE0] =	vst v0  }
0x29c: {  	v0 =	vld [tilespmem:s2+$0xFFFFFFF0];
	[tilespmem:s0+$0x60] =	vst v2;
	v3 =	vmul.f32 $1.131370830e+01, v3  }
0x29d: {  	v6 =	vmul.f32 $1.131370830e+01, v6;
	[tilespmem:s17+$0xB0] =	vst v7;
	v2 =	vld [tilespmem:s2+$0x70];
	s2 =	smov.u32 s10;
	s10 =	sadd.s32 $0x200, s10  }
0x29e: {  	_ = 	snop  }
0x29f: {  	v5 =	vmul.f32 $1.131370830e+01, v5;
	_ =	sdelay $0x1  }
0x2a0: {  	v4 =	vmul.f32 $1.131370830e+01, v4;
	v7 =	vld [tilespmem:s2+$0xC0];
	[tilespmem:s17+$0xFFFFFF30] =	vst v5  }
0x2a1: {  	[tilespmem:s17+$0xFFFFFFB0] =	vst v6;
	v5 =	vld [tilespmem:s2+$0xFFFFFF40]  }
0x2a2: {  	[tilespmem:s17+$0x30] =	vst v4;
	v4 =	vld [tilespmem:s2+$0xFFFFFFC0]  }
0x2a3: {  	v6 =	vld [tilespmem:s2+$0x40];
	_ =	sdelay $0x1  }
0x2a4: {  	v7 =	vmul.f32 $1.131370830e+01, v7  }
0x2a5: {  	v5 =	vmul.f32 $1.131370830e+01, v5  }
0x2a6: {  	[tilespmem:s17+$0xC0] =	vst v7;
	v4 =	vmul.f32 $1.131370830e+01, v4  }
0x2a7: {  	v7 =	vld [tilespmem:s2+$0xD0];
	[tilespmem:s17+$0xFFFFFF40] =	vst v5;
	v5 =	vmul.f32 $1.131370830e+01, v6  }
0x2a8: {  	[tilespmem:s17+$0xFFFFFFC0] =	vst v4;
	v6 =	vld [tilespmem:s2+$0xFFFFFF50]  }
0x2a9: {  	v4 =	vld [tilespmem:s2+$0xFFFFFFD0];
	[tilespmem:s17+$0x40] =	vst v5  }
0x2aa: {  	v5 =	vld [tilespmem:s2+$0x50];
	_ =	sdelay $0x1  }
0x2ab: {  	v7 =	vmul.f32 $1.131370830e+01, v7  }
0x2ac: {  	v6 =	vmul.f32 $1.131370830e+01, v6  }
0x2ad: {  	[tilespmem:s17+$0xD0] =	vst v7;
	v4 =	vmul.f32 $1.131370830e+01, v4  }
0x2ae: {  	v7 =	vld [tilespmem:s2+$0xE0];
	[tilespmem:s17+$0xFFFFFF50] =	vst v6;
	v5 =	vmul.f32 $1.131370830e+01, v5  }
0x2af: {  	[tilespmem:s17+$0xFFFFFFD0] =	vst v4;
	v6 =	vld [tilespmem:s2+$0xFFFFFF60]  }
0x2b0: {  	v4 =	vld [tilespmem:s2+$0xFFFFFFE0];
	[tilespmem:s17+$0x50] =	vst v5  }
0x2b1: {  	v5 =	vld [tilespmem:s2+$0x60];
	_ =	sdelay $0x1  }
0x2b2: {  	v7 =	vmul.f32 $1.131370830e+01, v7  }
0x2b3: {  	v6 =	vmul.f32 $1.131370830e+01, v6  }
0x2b4: {  	[tilespmem:s17+$0xE0] =	vst v7;
	v4 =	vmul.f32 $1.131370830e+01, v4  }
0x2b5: {  	v7 =	vld [tilespmem:s2+$0xF0];
	[tilespmem:s17+$0xFFFFFF60] =	vst v6;
	v5 =	vmul.f32 $1.131370830e+01, v5  }
0x2b6: {  	[tilespmem:s17+$0xFFFFFFE0] =	vst v4;
	v6 =	vld [tilespmem:s2+$0xFFFFFF70]  }
0x2b7: {  	v1 =	vmul.f32 $1.131370830e+01, v1;
	v4 =	vld [tilespmem:s2+$0xFFFFFFF0];
	[tilespmem:s17+$0x60] =	vst v5  }
0x2b8: {  	[tilespmem:s0+$0xF0] =	vst v3;
	v0 =	vmul.f32 $1.131370830e+01, v0;
	v3 =	vld [tilespmem:s2+$0x70]  }
0x2b9: {  	[tilespmem:s0+$0xFFFFFF70] =	vst v1;
	v1 =	vmul.f32 $1.131370830e+01, v2  }
0x2ba: {  	[tilespmem:s0+$0xFFFFFFF0] =	vst v0;
	v0 =	vmul.f32 $1.131370830e+01, v7  }
0x2bb: {  	[tilespmem:s0+$0x70] =	vst v1;
	v1 =	vmul.f32 $1.131370830e+01, v6  }
0x2bc: {  	[tilespmem:s17+$0xF0] =	vst v0;
	v0 =	vmul.f32 $1.131370830e+01, v4  }
0x2bd: {  	[tilespmem:s17+$0xFFFFFF70] =	vst v1;
	v1 =	vmul.f32 $1.131370830e+01, v3  }
0x2be: {  	[tilespmem:s17+$0xFFFFFFF0] =	vst v0  }
0x2bf: {  	[tilespmem:s17+$0x70] =	vst v1  }
0x2c0: {  	s0 =	rddreg [dreg:$0x5]  }
0x2c1: {  	[hbm4b:s0+s4] =	stream.linear.scatter [tilespmem:s22], [sflag:$0x5], $0x4000, $0x38;
	[tilespmem:$0x19C00] =	vst v63  }
0x2c2: {  	_ =	swait.ge [sflag:s23], $0x4000  }
0x2c3: {  	[sflag:s23] =	ssyncset.done $0x0  }
0x2c4: {  	[sflag:s23] =	ssyncadd.s32 $0xFFFFC000  }
0x2c5: {  	_ =	swait.ge [sflag:s29], $0x4000  }
0x2c6: {  	[sflag:s29] =	ssyncset.done $0x0  }
0x2c7: {  	s11 =	simm.s32 $0x5D00;
	[sflag:s29] =	ssyncadd.s32 $0xFFFFC000  }
0x2c8: {  	v0 =	vld [tilespmem:s11+$0x80];
	_ =	sdelay $0x3  }
0x2c9: {  	v1 =	vld [tilespmem:s11+$0xFFFFFF00]  }
0x2ca: {  	v2 =	vld [tilespmem:s11+$0xFFFFFF80];
	v0 =	vmul.f32 $1.131370830e+01, v0  }
0x2cb: {  	s0 =	simm.s32 $0x15D00;
	v3 =	vld [tilespmem:s11+$0x0]  }
0x2cc: {  	[tilespmem:s0+$0x80] =	vst v0  }
0x2cd: {  	v0 =	vld [tilespmem:s11+$0x90]  }
0x2ce: {  	v1 =	vmul.f32 $1.131370830e+01, v1  }
0x2cf: {  	v2 =	vmul.f32 $1.131370830e+01, v2  }
0x2d0: {  	v3 =	vmul.f32 $1.131370830e+01, v3;
	[tilespmem:s0+$0xFFFFFF00] =	vst v1  }
0x2d1: {  	[tilespmem:s0+$0xFFFFFF80] =	vst v2;
	v1 =	vld [tilespmem:s11+$0xFFFFFF10]  }
0x2d2: {  	[tilespmem:s0+$0x0] =	vst v3;
	v2 =	vld [tilespmem:s11+$0xFFFFFF90];
	v0 =	vmul.f32 $1.131370830e+01, v0  }
0x2d3: {  	v3 =	vld [tilespmem:s11+$0x10]  }
0x2d4: {  	[tilespmem:s0+$0x90] =	vst v0  }
0x2d5: {  	v0 =	vld [tilespmem:s11+$0xA0]  }
0x2d6: {  	v1 =	vmul.f32 $1.131370830e+01, v1  }
0x2d7: {  	v2 =	vmul.f32 $1.131370830e+01, v2  }
0x2d8: {  	v3 =	vmul.f32 $1.131370830e+01, v3;
	[tilespmem:s0+$0xFFFFFF10] =	vst v1  }
0x2d9: {  	[tilespmem:s0+$0xFFFFFF90] =	vst v2;
	v1 =	vld [tilespmem:s11+$0xFFFFFF20]  }
0x2da: {  	[tilespmem:s0+$0x10] =	vst v3;
	v2 =	vld [tilespmem:s11+$0xFFFFFFA0];
	v0 =	vmul.f32 $1.131370830e+01, v0  }
0x2db: {  	v3 =	vld [tilespmem:s11+$0x20]  }
0x2dc: {  	[tilespmem:s0+$0xA0] =	vst v0  }
0x2dd: {  	v0 =	vld [tilespmem:s11+$0xB0]  }
0x2de: {  	v1 =	vmul.f32 $1.131370830e+01, v1  }
0x2df: {  	v2 =	vmul.f32 $1.131370830e+01, v2  }
0x2e0: {  	v3 =	vmul.f32 $1.131370830e+01, v3;
	[tilespmem:s0+$0xFFFFFF20] =	vst v1  }
0x2e1: {  	[tilespmem:s0+$0xFFFFFFA0] =	vst v2;
	v1 =	vld [tilespmem:s11+$0xFFFFFF30]  }
0x2e2: {  	[tilespmem:s0+$0x20] =	vst v3;
	v2 =	vld [tilespmem:s11+$0xFFFFFFB0];
	v0 =	vmul.f32 $1.131370830e+01, v0  }
0x2e3: {  	s2 =	simm.s32 $0x5F00;
	v3 =	vld [tilespmem:s11+$0x30]  }
0x2e4: {  	[tilespmem:s0+$0xB0] =	vst v0;
	v0 =	vld [tilespmem:s2+$0x80]  }
0x2e5: {  	v4 =	vld [tilespmem:s11+$0xC0]  }
0x2e6: {  	v5 =	vld [tilespmem:s2+$0xFFFFFF80];
	v1 =	vmul.f32 $1.131370830e+01, v1  }
0x2e7: {  	v6 =	vld [tilespmem:s2+$0x0];
	v2 =	vmul.f32 $1.131370830e+01, v2  }
0x2e8: {  	v3 =	vmul.f32 $1.131370830e+01, v3;
	[tilespmem:s0+$0xFFFFFF30] =	vst v1;
	v1 =	vld [tilespmem:s2+$0xFFFFFF00]  }
0x2e9: {  	[tilespmem:s0+$0xFFFFFFB0] =	vst v2;
	v2 =	vld [tilespmem:s11+$0xFFFFFF40];
	v0 =	vmul.f32 $1.131370830e+01, v0  }
0x2ea: {  	s17 =	simm.s32 $0x15F00;
	[tilespmem:s0+$0x30] =	vst v3;
	v3 =	vld [tilespmem:s11+$0xFFFFFFC0];
	v4 =	vmul.f32 $1.131370830e+01, v4  }
0x2eb: {  	v5 =	vmul.f32 $1.131370830e+01, v5;
	[tilespmem:s17+$0x80] =	vst v0;
	v0 =	vld [tilespmem:s11+$0x40]  }
0x2ec: {  	v6 =	vmul.f32 $1.131370830e+01, v6;
	v7 =	vld [tilespmem:s2+$0x90];
	[tilespmem:s0+$0xC0] =	vst v4  }
0x2ed: {  	[tilespmem:s17+$0xFFFFFF80] =	vst v5;
	v1 =	vmul.f32 $1.131370830e+01, v1;
	v4 =	vld [tilespmem:s11+$0xD0]  }
0x2ee: {  	[tilespmem:s17+$0x0] =	vst v6;
	v5 =	vld [tilespmem:s2+$0xFFFFFF90];
	v2 =	vmul.f32 $1.131370830e+01, v2  }
0x2ef: {  	v3 =	vmul.f32 $1.131370830e+01, v3;
	[tilespmem:s17+$0xFFFFFF00] =	vst v1;
	v1 =	vld [tilespmem:s2+$0x10]  }
0x2f0: {  	v6 =	vld [tilespmem:s2+$0xFFFFFF10];
	[tilespmem:s0+$0xFFFFFF40] =	vst v2;
	v0 =	vmul.f32 $1.131370830e+01, v0  }
0x2f1: {  	[tilespmem:s0+$0xFFFFFFC0] =	vst v3;
	v2 =	vmul.f32 $1.131370830e+01, v7;
	v7 =	vld [tilespmem:s11+$0xFFFFFF50]  }
0x2f2: {  	v3 =	vld [tilespmem:s11+$0xFFFFFFD0];
	[tilespmem:s0+$0x40] =	vst v0;
	v0 =	vmul.f32 $1.131370830e+01, v4  }
0x2f3: {  	v4 =	vmul.f32 $1.131370830e+01, v5;
	[tilespmem:s17+$0x90] =	vst v2;
	v2 =	vld [tilespmem:s11+$0x50]  }
0x2f4: {  	v1 =	vmul.f32 $1.131370830e+01, v1;
	v5 =	vld [tilespmem:s2+$0xA0];
	[tilespmem:s0+$0xD0] =	vst v0  }
0x2f5: {  	v0 =	vmul.f32 $1.131370830e+01, v6;
	[tilespmem:s17+$0xFFFFFF90] =	vst v4;
	v4 =	vld [tilespmem:s11+$0xE0]  }
0x2f6: {  	[tilespmem:s17+$0x10] =	vst v1;
	v6 =	vld [tilespmem:s2+$0xFFFFFFA0];
	v1 =	vmul.f32 $1.131370830e+01, v7  }
0x2f7: {  	v3 =	vmul.f32 $1.131370830e+01, v3;
	[tilespmem:s17+$0xFFFFFF10] =	vst v0;
	v0 =	vld [tilespmem:s2+$0x20]  }
0x2f8: {  	v7 =	vld [tilespmem:s2+$0xFFFFFF20];
	[tilespmem:s0+$0xFFFFFF50] =	vst v1;
	v1 =	vmul.f32 $1.131370830e+01, v2  }
0x2f9: {  	[tilespmem:s0+$0xFFFFFFD0] =	vst v3;
	v2 =	vmul.f32 $1.131370830e+01, v5;
	v5 =	vld [tilespmem:s11+$0xFFFFFF60]  }
0x2fa: {  	v3 =	vld [tilespmem:s11+$0xFFFFFFE0];
	[tilespmem:s0+$0x50] =	vst v1;
	v1 =	vmul.f32 $1.131370830e+01, v4  }
0x2fb: {  	v4 =	vmul.f32 $1.131370830e+01, v6;
	[tilespmem:s17+$0xA0] =	vst v2;
	v2 =	vld [tilespmem:s11+$0x60]  }
0x2fc: {  	v0 =	vmul.f32 $1.131370830e+01, v0;
	v6 =	vld [tilespmem:s2+$0xB0];
	[tilespmem:s0+$0xE0] =	vst v1  }
0x2fd: {  	v1 =	vmul.f32 $1.131370830e+01, v7;
	[tilespmem:s17+$0xFFFFFFA0] =	vst v4;
	v7 =	vld [tilespmem:s11+$0xF0]  }
0x2fe: {  	v8 =	vld [tilespmem:s2+$0xFFFFFFB0];
	[tilespmem:s17+$0x20] =	vst v0;
	v0 =	vmul.f32 $1.131370830e+01, v5  }
0x2ff: {  	v3 =	vmul.f32 $1.131370830e+01, v3;
	[tilespmem:s17+$0xFFFFFF20] =	vst v1;
	v4 =	vld [tilespmem:s2+$0x30]  }
0x300: {  	v5 =	vld [tilespmem:s2+$0xFFFFFF30];
	[tilespmem:s0+$0xFFFFFF60] =	vst v0;
	v2 =	vmul.f32 $1.131370830e+01, v2  }
0x301: {  	[tilespmem:s0+$0xFFFFFFE0] =	vst v3;
	v9 =	vmul.f32 $1.131370830e+01, v6;
	v1 =	vld [tilespmem:s11+$0xFFFFFF70]  }
0x302: {  	v0 =	vld [tilespmem:s11+$0xFFFFFFF0];
	[tilespmem:s0+$0x60] =	vst v2;
	v3 =	vmul.f32 $1.131370830e+01, v7  }
0x303: {  	s6 =	simm.s32 $0x4;
	s10 =	simm.s32 $0x6100;
	v6 =	vmul.f32 $1.131370830e+01, v8;
	[tilespmem:s17+$0xB0] =	vst v9;
	v2 =	vld [tilespmem:s11+$0x70]  }
.LBB2_15:
0x304: {  	v7 =	vld [tilespmem:s10+$0x80];
	v4 =	vmul.f32 $1.131370830e+01, v4;
	[tilespmem:s0+$0xF0] =	vst v3  }
0x305: {  	s6 =	sadd.s32 $0x4, s6;
	v3 =	vmul.f32 $1.131370830e+01, v5;
	[tilespmem:s17+$0xFFFFFFB0] =	vst v6;
	v5 =	vld [tilespmem:s2+$0xC0]  }
0x306: {  	p0 =	slt.u32 s6, $0x7C;
	v6 =	vld [tilespmem:s10+$0xFFFFFF80];
	[tilespmem:s17+$0x30] =	vst v4;
	v1 =	vmul.f32 $1.131370830e+01, v1  }
0x307: {  	v4 =	vld [tilespmem:s10+$0x0];
	[tilespmem:s17+$0xFFFFFF30] =	vst v3;
	v0 =	vmul.f32 $1.131370830e+01, v0  }
0x308: {  	v3 =	vld [tilespmem:s10+$0xFFFFFF00];
	[tilespmem:s0+$0xFFFFFF70] =	vst v1;
	v1 =	vmul.f32 $1.131370830e+01, v2  }
0x309: {  	v2 =	vmul.f32 $1.131370830e+01, v7;
	v7 =	vld [tilespmem:s2+$0xFFFFFF40];
	[tilespmem:s0+$0xFFFFFFF0] =	vst v0  }
0x30a: {  	v0 =	vld [tilespmem:s2+$0xFFFFFFC0];
	v5 =	vmul.f32 $1.131370830e+01, v5;
	[tilespmem:s0+$0x70] =	vst v1;
	s0 =	smov.u32 s17;
	s17 =	sadd.s32 $0x200, s17  }
0x30b: {  	v1 =	vmul.f32 $1.131370830e+01, v6;
	[tilespmem:s17+$0x80] =	vst v2;
	v2 =	vld [tilespmem:s2+$0x40]  }
0x30c: {  	v4 =	vmul.f32 $1.131370830e+01, v4;
	v6 =	vld [tilespmem:s10+$0x90];
	[tilespmem:s0+$0xC0] =	vst v5  }
0x30d: {  	v3 =	vmul.f32 $1.131370830e+01, v3;
	[tilespmem:s17+$0xFFFFFF80] =	vst v1;
	v1 =	vld [tilespmem:s2+$0xD0]  }
0x30e: {  	v5 =	vld [tilespmem:s10+$0xFFFFFF90];
	[tilespmem:s17+$0x0] =	vst v4;
	v4 =	vmul.f32 $1.131370830e+01, v7  }
0x30f: {  	[tilespmem:s17+$0xFFFFFF00] =	vst v3;
	v3 =	vld [tilespmem:s10+$0x10];
	v0 =	vmul.f32 $1.131370830e+01, v0  }
0x310: {  	v7 =	vld [tilespmem:s10+$0xFFFFFF10];
	[tilespmem:s0+$0xFFFFFF40] =	vst v4;
	v2 =	vmul.f32 $1.131370830e+01, v2  }
0x311: {  	v4 =	vmul.f32 $1.131370830e+01, v6;
	v6 =	vld [tilespmem:s2+$0xFFFFFF50];
	[tilespmem:s0+$0xFFFFFFC0] =	vst v0  }
0x312: {  	v0 =	vld [tilespmem:s2+$0xFFFFFFD0];
	[tilespmem:s0+$0x40] =	vst v2;
	v1 =	vmul.f32 $1.131370830e+01, v1  }
0x313: {  	v2 =	vmul.f32 $1.131370830e+01, v5;
	[tilespmem:s17+$0x90] =	vst v4;
	v4 =	vld [tilespmem:s2+$0x50]  }
0x314: {  	v3 =	vmul.f32 $1.131370830e+01, v3;
	v5 =	vld [tilespmem:s10+$0xA0];
	[tilespmem:s0+$0xD0] =	vst v1  }
0x315: {  	v1 =	vmul.f32 $1.131370830e+01, v7;
	[tilespmem:s17+$0xFFFFFF90] =	vst v2;
	v2 =	vld [tilespmem:s2+$0xE0]  }
0x316: {  	v7 =	vld [tilespmem:s10+$0xFFFFFFA0];
	[tilespmem:s17+$0x10] =	vst v3;
	v3 =	vmul.f32 $1.131370830e+01, v6  }
0x317: {  	[tilespmem:s17+$0xFFFFFF10] =	vst v1;
	v1 =	vld [tilespmem:s10+$0x20];
	v0 =	vmul.f32 $1.131370830e+01, v0  }
0x318: {  	v6 =	vld [tilespmem:s10+$0xFFFFFF20];
	[tilespmem:s0+$0xFFFFFF50] =	vst v3;
	v3 =	vmul.f32 $1.131370830e+01, v4  }
0x319: {  	v4 =	vmul.f32 $1.131370830e+01, v5;
	v5 =	vld [tilespmem:s2+$0xFFFFFF60];
	[tilespmem:s0+$0xFFFFFFD0] =	vst v0  }
0x31a: {  	v0 =	vld [tilespmem:s2+$0xFFFFFFE0];
	[tilespmem:s0+$0x50] =	vst v3;
	v2 =	vmul.f32 $1.131370830e+01, v2  }
0x31b: {  	v3 =	vmul.f32 $1.131370830e+01, v7;
	[tilespmem:s17+$0xA0] =	vst v4;
	v7 =	vld [tilespmem:s2+$0x60]  }
0x31c: {  	v1 =	vmul.f32 $1.131370830e+01, v1;
	v8 =	vld [tilespmem:s10+$0xB0];
	[tilespmem:s0+$0xE0] =	vst v2  }
0x31d: {  	v2 =	vmul.f32 $1.131370830e+01, v6;
	[tilespmem:s17+$0xFFFFFFA0] =	vst v3;
	v3 =	vld [tilespmem:s2+$0xF0]  }
0x31e: {  	v6 =	vld [tilespmem:s10+$0xFFFFFFB0];
	[tilespmem:s17+$0x20] =	vst v1;
	v1 =	vmul.f32 $1.131370830e+01, v5  }
.Ltmp7:
0x31f: {  	[tilespmem:s17+$0xFFFFFF20] =	vst v2;
	v4 =	vld [tilespmem:s10+$0x30];
	v0 =	vmul.f32 $1.131370830e+01, v0;
	(pc) =	sbr.rel @p0 .LBB2_15-.Ltmp7, $4  }
0x320: {  	v5 =	vld [tilespmem:s10+$0xFFFFFF30];
	[tilespmem:s0+$0xFFFFFF60] =	vst v1;
	v2 =	vmul.f32 $1.131370830e+01, v7  }
0x321: {  	v7 =	vmul.f32 $1.131370830e+01, v8;
	v1 =	vld [tilespmem:s2+$0xFFFFFF70];
	[tilespmem:s0+$0xFFFFFFE0] =	vst v0  }
0x322: {  	v0 =	vld [tilespmem:s2+$0xFFFFFFF0];
	[tilespmem:s0+$0x60] =	vst v2;
	v3 =	vmul.f32 $1.131370830e+01, v3  }
0x323: {  	v6 =	vmul.f32 $1.131370830e+01, v6;
	[tilespmem:s17+$0xB0] =	vst v7;
	v2 =	vld [tilespmem:s2+$0x70];
	s2 =	smov.u32 s10;
	s10 =	sadd.s32 $0x200, s10  }
0x324: {  	v4 =	vmul.f32 $1.131370830e+01, v4  }
0x325: {  	v7 =	vld [tilespmem:s2+$0xC0];
	v5 =	vmul.f32 $1.131370830e+01, v5;
	[tilespmem:s17+$0xFFFFFFB0] =	vst v6  }
0x326: {  	[tilespmem:s17+$0x30] =	vst v4;
	v51 =	vld [tilespmem:s2+$0xFFFFFFC0]  }
0x327: {  	[tilespmem:s17+$0xFFFFFF30] =	vst v5;
	v52 =	vld [tilespmem:s2+$0x40]  }
0x328: {  	v5 =	vld [tilespmem:s2+$0xFFFFFF40];
	_ =	sdelay $0x1  }
0x329: {  	v7 =	vmul.f32 $1.131370830e+01, v7  }
0x32a: {  	v4 =	vmul.f32 $1.131370830e+01, v51  }
0x32b: {  	[tilespmem:s17+$0xC0] =	vst v7;
	v53 =	vmul.f32 $1.131370830e+01, v52  }
0x32c: {  	v7 =	vld [tilespmem:s2+$0xD0];
	v5 =	vmul.f32 $1.131370830e+01, v5;
	[tilespmem:s17+$0xFFFFFFC0] =	vst v4  }
0x32d: {  	v4 =	vld [tilespmem:s2+$0xFFFFFFD0];
	[tilespmem:s17+$0x40] =	vst v53  }
0x32e: {  	[tilespmem:s17+$0xFFFFFF40] =	vst v5;
	v5 =	vld [tilespmem:s2+$0x50]  }
0x32f: {  	v54 =	vld [tilespmem:s2+$0xFFFFFF50];
	_ =	sdelay $0x1  }
0x330: {  	v7 =	vmul.f32 $1.131370830e+01, v7  }
0x331: {  	v4 =	vmul.f32 $1.131370830e+01, v4  }
0x332: {  	[tilespmem:s17+$0xD0] =	vst v7;
	v5 =	vmul.f32 $1.131370830e+01, v5  }
0x333: {  	v7 =	vld [tilespmem:s2+$0xE0];
	v6 =	vmul.f32 $1.131370830e+01, v54;
	[tilespmem:s17+$0xFFFFFFD0] =	vst v4  }
0x334: {  	v4 =	vld [tilespmem:s2+$0xFFFFFFE0];
	[tilespmem:s17+$0x50] =	vst v5  }
0x335: {  	[tilespmem:s17+$0xFFFFFF50] =	vst v6;
	v5 =	vld [tilespmem:s2+$0x60]  }
0x336: {  	v6 =	vld [tilespmem:s2+$0xFFFFFF60];
	_ =	sdelay $0x1  }
0x337: {  	v7 =	vmul.f32 $1.131370830e+01, v7  }
0x338: {  	v4 =	vmul.f32 $1.131370830e+01, v4  }
0x339: {  	[tilespmem:s17+$0xE0] =	vst v7;
	v5 =	vmul.f32 $1.131370830e+01, v5  }
0x33a: {  	v55 =	vld [tilespmem:s2+$0xF0];
	v6 =	vmul.f32 $1.131370830e+01, v6;
	[tilespmem:s17+$0xFFFFFFE0] =	vst v4  }
0x33b: {  	[tilespmem:s17+$0x60] =	vst v5;
	v57 =	vld [tilespmem:s2+$0xFFFFFFF0]  }
0x33c: {  	v1 =	vmul.f32 $1.131370830e+01, v1;
	[tilespmem:s17+$0xFFFFFF60] =	vst v6;
	v58 =	vld [tilespmem:s2+$0x70]  }
0x33d: {  	[tilespmem:s0+$0xF0] =	vst v3;
	v0 =	vmul.f32 $1.131370830e+01, v0;
	v56 =	vld [tilespmem:s2+$0xFFFFFF70]  }
0x33e: {  	[tilespmem:s0+$0xFFFFFF70] =	vst v1;
	v59 =	vmul.f32 $1.131370830e+01, v2  }
0x33f: {  	[tilespmem:s0+$0xFFFFFFF0] =	vst v0;
	v60 =	vmul.f32 $1.131370830e+01, v55  }
0x340: {  	[tilespmem:s0+$0x70] =	vst v59;
	v62 =	vmul.f32 $1.131370830e+01, v57  }
0x341: {  	[tilespmem:s17+$0xF0] =	vst v60;
	v63 =	vmul.f32 $1.131370830e+01, v58  }
0x342: {  	v61 =	vmul.f32 $1.131370830e+01, v56;
	[tilespmem:s17+$0xFFFFFFF0] =	vst v62  }
0x343: {  	[tilespmem:s17+$0x70] =	vst v63  }
0x344: {  	[tilespmem:s17+$0xFFFFFF70] =	vst v61  }
0x345: {  	s0 =	rddreg [dreg:$0x6]  }
0x346: {  	[hbm4b:s0+s4] =	stream.linear.scatter [tilespmem:s24], [sflag:$0x6], $0x4000, $0x38;
	[tilespmem:$0x19C00] =	vst v63  }
0x347: {  	_ =	swait.ge [sflag:s26], $0x4000  }
0x348: {  	[sflag:s26] =	ssyncset.done $0x0  }
0x349: {  	[sflag:s26] =	ssyncadd.s32 $0xFFFFC000  }
0x34a: {  	_ =	swait.ge [sflag:s29], $0x4000  }
0x34b: {  	s30 =	sadd.s32 $0x1, s30;
	s31 =	rddreg [dreg:$0x7]  }
0x34c: {  	p0 =	sne.s32 s30, s31  }
.Ltmp8:
0x34d: {  	_ = 	snop;
	(pc) =	sbr.rel @p0 .LBB2_1-.Ltmp8, $3  }
0x34e: {  	_ =	sdelay $0x1  }
0x34f: {  	[sflag:s29] =	ssyncset.done $0x0  }
0x350: {  	[sflag:s29] =	ssyncadd.s32 $0xFFFFC000  }
0x351: {  	_ =	sfence.sel $0x180000  }
0x352: {  	[bflag:$0x0] =	sbarrier.arrive $0xFFFF  }
0x353: {  	_ =	strace $0x90000047  }
0x354: {  	s0 =	stileid.u32;
	[bflag:$0x2] =	sbarrier.arrive $0xFFFF  }
0x355: {  	p0 =	sne.s32 s0, $0x0;
	s0 =	rddreg [dreg:$0x3]  }
0x356: {  	s0 =	sadd.s32 @!p0 $0x100000, s0  }
0x357: {  	[sflag:s0] =	ssyncadd.tile.s32 @!p0 $0x1;
	_ =	shalt  }
.Lfunc_end2:
_tile_overlayer_lowered:
.L_overlay_start_2:
0x358: {  	(tag) =	ssettag $0x2  }
0x359: {  	s0 =	rddreg [dreg:$0x0];
	s2 =	stileid.u32  }
0x35a: {  	s1 =	rddreg [dreg:$0x1];
	p0 =	sne.s32 s2, $0x0  }
0x35b: {  	s3 =	rddreg [dreg:$0x2];
	[bflag:$0x3] =	sbarrier.arrive $0xFFFF;
	s2 =	simm.s32 @!p0 $0x1C07  }
0x35c: {  	[timem:s3], [sflag:s2] =	dma.local @!p0 [hbm:s0], s1  }
0x35d: {  	s0 =	simm.s32 @!p0 $0x7  }
0x35e: {  	_ =	swait.ge @!p0 [sflag:s0], s1  }
0x35f: {  	s1 =	ssub.s32 @!p0 $0x0, s1;
	[sflag:s0] =	ssyncset.done @!p0 $0x0  }
0x360: {  	[sflag:s0] =	ssyncadd.s32 @!p0 s1  }
0x361: {  	[bflag:$0x3] =	sbarrier.arrive $0xFFFF  }
0x362: {  	_ =	shalt  }

</sc_bundles>
